<compile_context>
chip_gen: v7x
topology: tpu7x:2x2x1
jax: 0.10.2.dev20260603
libtpu: 0.0.44.dev20260713+nightly
codegen_flags: <defaults>
</compile_context>

<pallas_src>
import functools

import jax
import jax.numpy as jnp
from jax import lax
from jax.experimental import pallas as pl
from jax.experimental.pallas import tpu as pltpu
from jax.experimental.pallas import tpu_sc as plsc

N = 10000
D = 128
R = 8
E = 320000

NB = 1000
NBLK = N // NB

NC = 2
NS = 16
NW = NC * NS
CHUNK = 64
CPW = 160
EPW = CPW * CHUNK
E_PAD = EPW * NW
DUMP = N
RPT = 632
N_ACC = RPT * NS
NBUF = 4
WIN = 40


AIB = NW * CPW // (NBLK * R)


def _xscaled_body(emb_ref, wr_ref, remb_ref, src_ref, et_ref, out_ref, aidx_ref):
    emb = emb_ref[...]
    x = jnp.dot(emb, wr_ref[0], preferred_element_type=jnp.float32)
    att = jnp.sum(x * jnp.tanh(x + remb_ref[0]), axis=1, keepdims=True)
    out_ref[...] = emb * att
    aidx_ref[...] = et_ref[...] * N + src_ref[...]


def _make_xscaled(emb, W_R, rel_embed, src, et):
    return pl.pallas_call(
        _xscaled_body,
        grid=(NBLK, R),
        in_specs=[
            pl.BlockSpec((NB, D), lambda i, r: (i, 0)),
            pl.BlockSpec((1, D, D), lambda i, r: (r, 0, 0)),
            pl.BlockSpec((1, 1, D), lambda i, r: (r, 0, 0)),
            pl.BlockSpec((AIB, CHUNK), lambda i, r: (i * R + r, 0)),
            pl.BlockSpec((AIB, CHUNK), lambda i, r: (i * R + r, 0)),
        ],
        out_specs=[
            pl.BlockSpec((NB, D), lambda i, r: (r * NBLK + i, 0)),
            pl.BlockSpec((AIB, CHUNK), lambda i, r: (i * R + r, 0)),
        ],
        out_shape=[
            jax.ShapeDtypeStruct((R * N, D), jnp.float32),
            jax.ShapeDtypeStruct((NW * CPW, CHUNK), jnp.int32),
        ],
    )(emb, W_R, rel_embed.reshape(R, 1, D), src, et)


_SC_MESH = plsc.VectorSubcoreMesh(core_axis_name="c", subcore_axis_name="s")


_EXPORT_SIZES = (64,) * 9 + (56,)


@functools.partial(
    pl.kernel,
    mesh=_SC_MESH,
    out_type=jax.ShapeDtypeStruct((NC * N_ACC, D), jnp.float32),
    scratch_types=[
        pltpu.VMEM((WIN, CHUNK), jnp.int32),
        pltpu.VMEM((WIN, CHUNK), jnp.int32),
        pltpu.VMEM((CHUNK, D), jnp.float32),
        pltpu.VMEM((CHUNK, D), jnp.float32),
        pltpu.VMEM((CHUNK, D), jnp.float32),
        pltpu.VMEM((CHUNK, D), jnp.float32),
        pltpu.VMEM_SHARED((N_ACC, D), jnp.float32),
        pltpu.SemaphoreType.DMA,
        pltpu.SemaphoreType.DMA,
        pltpu.SemaphoreType.DMA,
        pltpu.SemaphoreType.DMA,
        pltpu.SemaphoreType.DMA,
        pltpu.SemaphoreType.DMA,
        pltpu.SemaphoreType.DMA,
        pltpu.SemaphoreType.DMA,
    ],
)
def _sc_aggregate(xs_hbm, aidx_hbm, dst_hbm, out_hbm,
                  aidx, dbuf, r0, r1, r2, r3, acc,
                  g0, g1, g2, g3, s0, s1, s2, s3):
    rows = (r0, r1, r2, r3)
    gsem = (g0, g1, g2, g3)
    ssem = (s0, s1, s2, s3)
    c = lax.axis_index("c")
    s = lax.axis_index("s")
    wid = s * NC + c

    zv = jnp.zeros((16,), jnp.float32)

    def _zrow(i, carry):
        for j in range(D // 16):
            r0[i, pl.ds(j * 16, 16)] = zv
        return carry

    lax.fori_loop(0, CHUNK, _zrow, 0)
    off = 0
    for sz in _EXPORT_SIZES:
        pltpu.sync_copy(r0.at[pl.ds(0, sz)], acc.at[pl.ds(s * RPT + off, sz)])
        off += sz

    plsc.subcore_barrier()

    for w in range(CPW // WIN):
        base = wid * CPW + w * WIN
        pltpu.sync_copy(aidx_hbm.at[pl.ds(base, WIN)], aidx)
        pltpu.sync_copy(dst_hbm.at[pl.ds(base, WIN)], dbuf)

        for b in range(NBUF):
            pltpu.async_copy(xs_hbm.at[aidx.at[b]], rows[b], gsem[b])

        def _group(g, carry):
            for b in range(NBUF):
                ci = g * NBUF + b
                pltpu.make_async_copy(xs_hbm.at[aidx.at[ci]], rows[b], gsem[b]).wait()
                pltpu.async_copy(rows[b], acc.at[dbuf.at[ci]], ssem[b], add=True)

            for b in range(NBUF):
                ci = g * NBUF + b

                @pl.when(g < WIN // NBUF - 1)
                def _rearm():
                    pltpu.make_async_copy(rows[b], acc.at[dbuf.at[ci]], ssem[b]).wait()
                    pltpu.async_copy(xs_hbm.at[aidx.at[ci + NBUF]], rows[b], gsem[b])

                @pl.when(g == WIN // NBUF - 1)
                def _drain():
                    pltpu.make_async_copy(rows[b], acc.at[dbuf.at[ci]], ssem[b]).wait()
            return carry

        lax.fori_loop(0, WIN // NBUF, _group, 0)

    plsc.subcore_barrier()

    off = 0
    for sz in _EXPORT_SIZES:
        r_lo = s * RPT + off
        pltpu.sync_copy(acc.at[pl.ds(r_lo, sz)], r0.at[pl.ds(0, sz)])
        pltpu.sync_copy(r0.at[pl.ds(0, sz)], out_hbm.at[pl.ds(c * N_ACC + r_lo, sz)])
        off += sz


def _out_body(emb_ref, p0_ref, p1_ref, w1_ref, w2_ref, b_ref, out_ref):
    emb = emb_ref[...]
    nf = p0_ref[...] + p1_ref[...]
    h = (jnp.dot(emb, w1_ref[...], preferred_element_type=jnp.float32)
         + jnp.dot(nf, w2_ref[...], preferred_element_type=jnp.float32)
         + b_ref[...])
    out_ref[...] = jnp.where(h >= 0, h, 0.01 * h) + emb


def _make_out(emb, p0, p1, w1t, w2t, b):
    return pl.pallas_call(
        _out_body,
        grid=(NBLK,),
        in_specs=[
            pl.BlockSpec((NB, D), lambda i: (i, 0)),
            pl.BlockSpec((NB, D), lambda i: (i, 0)),
            pl.BlockSpec((NB, D), lambda i: (i, 0)),
            pl.BlockSpec((D, D), lambda i: (0, 0)),
            pl.BlockSpec((D, D), lambda i: (0, 0)),
            pl.BlockSpec((1, D), lambda i: (0, 0)),
        ],
        out_specs=pl.BlockSpec((NB, D), lambda i: (i, 0)),
        out_shape=jax.ShapeDtypeStruct((N, D), jnp.float32),
    )(emb, p0, p1, w1t, w2t, b)


def kernel(entity_embed, edge_index, edge_type, rel_embed, W_R, W_w, W_b):
    emb = entity_embed.astype(jnp.float32)
    src = edge_index[0].astype(jnp.int32)
    dst = edge_index[1].astype(jnp.int32)
    et = edge_type.astype(jnp.int32)

    pad = E_PAD - E
    pad_src = jax.lax.iota(jnp.int32, pad) % N
    pad_dst = DUMP + (jax.lax.iota(jnp.int32, pad) % (N_ACC - N))
    src = jnp.concatenate([src, pad_src]).reshape(NW * CPW, CHUNK)
    dst = jnp.concatenate([dst, pad_dst]).reshape(NW * CPW, CHUNK)
    et = jnp.concatenate([et, jnp.zeros((pad,), jnp.int32)]).reshape(NW * CPW, CHUNK)

    xs, aidx = _make_xscaled(
        emb, W_R.astype(jnp.float32), rel_embed.astype(jnp.float32), src, et)
    partials = _sc_aggregate(xs, aidx, dst)
    p0 = partials[:N]
    p1 = partials[N_ACC:N_ACC + N]

    w1t = W_w[:, :D].T
    w2t = W_w[:, D:].T
    return _make_out(emb, p0, p1, w1t, w2t, W_b.reshape(1, D))

# --- scband reference (transcript-rebuilt; emitter-appended) ---
"""Pipeline reference for scband-aggregator-45466523795860 (READ-ONLY COPY).

The authoritative reference and input builder live on the scoring server;
editing this copy changes nothing except your own understanding.
"""

import jax, jax.numpy as jnp
import numpy as np

N_NODES = 10000
N_EDGES = 320000
D = 128
R = 8

def setup_inputs(seed: int = 0) -> dict:
    key = jax.random.key(seed)
    k1, k2, k3, k4, k5, k6, k7 = jax.random.split(key, 7)
    entity_embed = jax.random.normal(k1, (N_NODES, D), dtype=jnp.float32)
    edge_index = jax.random.randint(k2, (2, N_EDGES), 0, N_NODES, dtype=jnp.int64)
    edge_type = jax.random.randint(k3, (N_EDGES,), 0, R, dtype=jnp.int64)
    # relation embedding table (padding_idx=0 -> row 0 zeros)
    rel_embed = jax.random.normal(k4, (R, D), dtype=jnp.float32)
    rel_embed = rel_embed.at[0].set(0.0)
    # per-relation transform W_R: (R, D, D)
    W_R = jax.random.normal(k5, (R, D, D), dtype=jnp.float32) * (1.0 / np.sqrt(D))
    # graphsage linear: in 2*D -> out D (torch Linear layout: (out, in))
    W_w = jax.random.normal(k6, (D, 2 * D), dtype=jnp.float32) * (1.0 / np.sqrt(2 * D))
    W_b = jax.random.normal(k7, (D,), dtype=jnp.float32) * 0.01
    return {"entity_embed": entity_embed, "edge_index": edge_index, "edge_type": edge_type,
            "rel_embed": rel_embed, "W_R": W_R, "W_w": W_w, "W_b": W_b}

def reference(entity_embed, edge_index, edge_type, rel_embed, W_R, W_w, W_b):
    src = edge_index[0]
    dst = edge_index[1]
    # compute_attention: per relation r, r_mul = x_src @ W_R[r]; here vectorized:
    # x_all[r, n] = entity_embed[n] @ W_R[r]
    x_all = jnp.einsum('nd,rde->rne', entity_embed, W_R)  # (R, N, D)
    r_mul_t = x_all[edge_type, src]                        # (E, D) gather
    r_mul_h = x_all[edge_type, src]                        # same as original (both use srcdata)
    r_emb = rel_embed[edge_type]                           # (E, D) embedding lookup
    att = jnp.sum(r_mul_t * jnp.tanh(r_mul_h + r_emb), axis=-1, keepdims=True)  # (E, 1)
    # update_all: u_mul_e then sum-reduce to dst
    side_feat = entity_embed[src] * att                    # (E, D) gather + scale
    neighbor_feat = jax.ops.segment_sum(side_feat, dst, num_segments=N_NODES)  # (N, D) scatter-add
    # graphsage aggregation
    h = jnp.concatenate([entity_embed, neighbor_feat], axis=1)  # (N, 2D)
    out = jax.nn.leaky_relu(h @ W_w.T + W_b, negative_slope=0.01)
    # message_dropout is identity in eval mode
    # residual: in_dim == out_dim -> Identity res_fc
    resval = entity_embed.reshape(entity_embed.shape[0], -1, D)
    out = out + jnp.squeeze(resval, axis=1)
    return out

if __name__ == "__main__":
    import jax
    _d = setup_inputs()
    print(jax.jit(kernel)(*tuple(_d.values())))

</pallas_src>

<mosaic_0001>
#map = affine_map<(d0, d1) -> (0, 0)>
module attributes {stable_mosaic.version = 14 : i64} {
  func.func @_sc_aggregate(%arg0: i32, %arg1: i32, %arg2: memref<80000x128xf32, #tpu.memory_space<hbm>>, %arg3: memref<5120x64xi32, #tpu.memory_space<hbm>>, %arg4: memref<5120x64xi32, #tpu.memory_space<hbm>>, %arg5: memref<20224x128xf32, #tpu.memory_space<hbm>>, %arg6: memref<40x64xi32, #tpu.memory_space<vmem>>, %arg7: memref<40x64xi32, #tpu.memory_space<vmem>>, %arg8: memref<64x128xf32, #tpu.memory_space<vmem>>, %arg9: memref<64x128xf32, #tpu.memory_space<vmem>>, %arg10: memref<64x128xf32, #tpu.memory_space<vmem>>, %arg11: memref<64x128xf32, #tpu.memory_space<vmem>>, %arg12: memref<10112x128xf32, #tpu.memory_space<vmem_shared>>, %arg13: memref<!tpu.dma_semaphore, #tpu.memory_space<semaphore_mem>>, %arg14: memref<!tpu.dma_semaphore, #tpu.memory_space<semaphore_mem>>, %arg15: memref<!tpu.dma_semaphore, #tpu.memory_space<semaphore_mem>>, %arg16: memref<!tpu.dma_semaphore, #tpu.memory_space<semaphore_mem>>, %arg17: memref<!tpu.dma_semaphore, #tpu.memory_space<semaphore_mem>>, %arg18: memref<!tpu.dma_semaphore, #tpu.memory_space<semaphore_mem>>, %arg19: memref<!tpu.dma_semaphore, #tpu.memory_space<semaphore_mem>>, %arg20: memref<!tpu.dma_semaphore, #tpu.memory_space<semaphore_mem>>) attributes {dimension_semantics = [#tpu.dimension_semantics<core_parallel>, #tpu.dimension_semantics<subcore_parallel>], iteration_bounds = array<i64: 2, 16>, scalar_prefetch = 0 : i64, scratch_operands = 15 : i64, tpu.core_type = #tpu.core_type<sc_vector_subcore>, window_params = [{transform_indices = #map}, {transform_indices = #map}, {transform_indices = #map}, {transform_indices = #map}]} {
    %mul3A = arith.constant 2 : i32
    %mul3A_0 = arith.muli %arg1, %mul3A : i32
    %add3A = arith.addi %mul3A_0, %arg0 : i32
    %broadcast_in_dim3A = arith.constant 0.000000e+00 : f32
    %broadcast_in_dim3A_1 = vector.broadcast %broadcast_in_dim3A : f32 to vector<16xf32>
    %scan3A = arith.constant 0 : i32
    %scan3A_2 = arith.constant 0 : i32
    %scan3A_3 = arith.constant 64 : i32
    %scan3A_4 = arith.addi %scan3A_2, %scan3A_3 : i32
    %scan3A_5 = arith.constant 1 : i32
    scf.for %scan3A_269 = %scan3A_2 to %scan3A_4 step %scan3A_5  : i32 {
      %swap3A = arith.index_cast %scan3A_269 : i32 to index
      %swap3A_270 = arith.constant 0 : index
      %swap3A_271 = tpu.vector_load %arg8[%swap3A, %swap3A_270] {strides = array<i32>} : memref<64x128xf32, #tpu.memory_space<vmem>>, vector<1x16xf32>,
      %swap3A_272 = vector.shape_cast %swap3A_271 : vector<1x16xf32> to vector<16xf32>
      %swap3A_273 = vector.shape_cast %broadcast_in_dim3A_1 : vector<16xf32> to vector<1x16xf32>
      tpu.vector_store %arg8[%swap3A, %swap3A_270], %swap3A_273 {strides = array<i32>} : memref<64x128xf32, #tpu.memory_space<vmem>>, vector<1x16xf32>,
      %swap3A_274 = arith.index_cast %scan3A_269 : i32 to index
      %swap3A_275 = arith.constant 16 : index
      %swap3A_276 = tpu.vector_load %arg8[%swap3A_274, %swap3A_275] {strides = array<i32>} : memref<64x128xf32, #tpu.memory_space<vmem>>, vector<1x16xf32>,
      %swap3A_277 = vector.shape_cast %swap3A_276 : vector<1x16xf32> to vector<16xf32>
      %swap3A_278 = vector.shape_cast %broadcast_in_dim3A_1 : vector<16xf32> to vector<1x16xf32>
      tpu.vector_store %arg8[%swap3A_274, %swap3A_275], %swap3A_278 {strides = array<i32>} : memref<64x128xf32, #tpu.memory_space<vmem>>, vector<1x16xf32>,
      %swap3A_279 = arith.index_cast %scan3A_269 : i32 to index
      %swap3A_280 = arith.constant 32 : index
      %swap3A_281 = tpu.vector_load %arg8[%swap3A_279, %swap3A_280] {strides = array<i32>} : memref<64x128xf32, #tpu.memory_space<vmem>>, vector<1x16xf32>,
      %swap3A_282 = vector.shape_cast %swap3A_281 : vector<1x16xf32> to vector<16xf32>
      %swap3A_283 = vector.shape_cast %broadcast_in_dim3A_1 : vector<16xf32> to vector<1x16xf32>
      tpu.vector_store %arg8[%swap3A_279, %swap3A_280], %swap3A_283 {strides = array<i32>} : memref<64x128xf32, #tpu.memory_space<vmem>>, vector<1x16xf32>,
      %swap3A_284 = arith.index_cast %scan3A_269 : i32 to index
      %swap3A_285 = arith.constant 48 : index
      %swap3A_286 = tpu.vector_load %arg8[%swap3A_284, %swap3A_285] {strides = array<i32>} : memref<64x128xf32, #tpu.memory_space<vmem>>, vector<1x16xf32>,
      %swap3A_287 = vector.shape_cast %swap3A_286 : vector<1x16xf32> to vector<16xf32>
      %swap3A_288 = vector.shape_cast %broadcast_in_dim3A_1 : vector<16xf32> to vector<1x16xf32>
      tpu.vector_store %arg8[%swap3A_284, %swap3A_285], %swap3A_288 {strides = array<i32>} : memref<64x128xf32, #tpu.memory_space<vmem>>, vector<1x16xf32>,
      %swap3A_289 = arith.index_cast %scan3A_269 : i32 to index
      %swap3A_290 = arith.constant 64 : index
      %swap3A_291 = tpu.vector_load %arg8[%swap3A_289, %swap3A_290] {strides = array<i32>} : memref<64x128xf32, #tpu.memory_space<vmem>>, vector<1x16xf32>,
      %swap3A_292 = vector.shape_cast %swap3A_291 : vector<1x16xf32> to vector<16xf32>
      %swap3A_293 = vector.shape_cast %broadcast_in_dim3A_1 : vector<16xf32> to vector<1x16xf32>
      tpu.vector_store %arg8[%swap3A_289, %swap3A_290], %swap3A_293 {strides = array<i32>} : memref<64x128xf32, #tpu.memory_space<vmem>>, vector<1x16xf32>,
      %swap3A_294 = arith.index_cast %scan3A_269 : i32 to index
      %swap3A_295 = arith.constant 80 : index
      %swap3A_296 = tpu.vector_load %arg8[%swap3A_294, %swap3A_295] {strides = array<i32>} : memref<64x128xf32, #tpu.memory_space<vmem>>, vector<1x16xf32>,
      %swap3A_297 = vector.shape_cast %swap3A_296 : vector<1x16xf32> to vector<16xf32>
      %swap3A_298 = vector.shape_cast %broadcast_in_dim3A_1 : vector<16xf32> to vector<1x16xf32>
      tpu.vector_store %arg8[%swap3A_294, %swap3A_295], %swap3A_298 {strides = array<i32>} : memref<64x128xf32, #tpu.memory_space<vmem>>, vector<1x16xf32>,
      %swap3A_299 = arith.index_cast %scan3A_269 : i32 to index
      %swap3A_300 = arith.constant 96 : index
      %swap3A_301 = tpu.vector_load %arg8[%swap3A_299, %swap3A_300] {strides = array<i32>} : memref<64x128xf32, #tpu.memory_space<vmem>>, vector<1x16xf32>,
      %swap3A_302 = vector.shape_cast %swap3A_301 : vector<1x16xf32> to vector<16xf32>
      %swap3A_303 = vector.shape_cast %broadcast_in_dim3A_1 : vector<16xf32> to vector<1x16xf32>
      tpu.vector_store %arg8[%swap3A_299, %swap3A_300], %swap3A_303 {strides = array<i32>} : memref<64x128xf32, #tpu.memory_space<vmem>>, vector<1x16xf32>,
      %swap3A_304 = arith.index_cast %scan3A_269 : i32 to index
      %swap3A_305 = arith.constant 112 : index
      %swap3A_306 = tpu.vector_load %arg8[%swap3A_304, %swap3A_305] {strides = array<i32>} : memref<64x128xf32, #tpu.memory_space<vmem>>, vector<1x16xf32>,
      %swap3A_307 = vector.shape_cast %swap3A_306 : vector<1x16xf32> to vector<16xf32>
      %swap3A_308 = vector.shape_cast %broadcast_in_dim3A_1 : vector<16xf32> to vector<1x16xf32>
      tpu.vector_store %arg8[%swap3A_304, %swap3A_305], %swap3A_308 {strides = array<i32>} : memref<64x128xf32, #tpu.memory_space<vmem>>, vector<1x16xf32>,
    }
    %scan3A_6 = arith.constant 64 : i32
    %mul3A_7 = arith.constant 632 : i32
    %mul3A_8 = arith.muli %arg1, %mul3A_7 : i32
    %add3A_9 = arith.constant 0 : i32
    %add3A_10 = arith.addi %mul3A_8, %add3A_9 : i32
    "tpu.region"() ({
      %run_scoped3A = tpu.sem_alloc : memref<!tpu.dma_semaphore, #tpu.memory_space<semaphore_mem>>
      %dma_start3A_269 = arith.constant 0 : i32
      %dma_start3A_270 = arith.constant 0 : i32
      %dma_start3A_271 = tpu.memref_slice %arg8[%dma_start3A_269, %dma_start3A_270] : memref<64x128xf32, #tpu.memory_space<vmem>> -> memref<64x128xf32, #tpu.memory_space<vmem>>
      %dma_start3A_272 = arith.constant 0 : i32
      %dma_start3A_273 = tpu.memref_slice %arg12[%add3A_10, %dma_start3A_272] : memref<10112x128xf32, #tpu.memory_space<vmem_shared>> -> memref<64x128xf32, #tpu.memory_space<vmem_shared>>
      %dma_start3A_274 = arith.constant 0 : i32
      %dma_start3A_275 = tpu.memref_slice %arg12[%add3A_10, %dma_start3A_274] : memref<10112x128xf32, #tpu.memory_space<vmem_shared>> -> memref<64x128xf32, #tpu.memory_space<vmem_shared>>
      %dma_start3A_276 = arith.constant 0 : i32
      %dma_start3A_277 = arith.constant 0 : i32
      %dma_start3A_278 = tpu.memref_slice %arg8[%dma_start3A_276, %dma_start3A_277] : memref<64x128xf32, #tpu.memory_space<vmem>> -> memref<64x128xf32, #tpu.memory_space<vmem>>
      tpu.enqueue_dma source(%dma_start3A_278 : memref<64x128xf32, #tpu.memory_space<vmem>>) target(%dma_start3A_275 : memref<64x128xf32, #tpu.memory_space<vmem_shared>>) target_semaphore(%run_scoped3A : memref<!tpu.dma_semaphore, #tpu.memory_space<semaphore_mem>>)
      %dma_wait3A = arith.constant 0 : i32
      %dma_wait3A_279 = arith.constant 0 : i32
      %dma_wait3A_280 = tpu.memref_slice %arg8[%dma_wait3A, %dma_wait3A_279] : memref<64x128xf32, #tpu.memory_space<vmem>> -> memref<64x128xf32, #tpu.memory_space<vmem>>
      %dma_wait3A_281 = arith.constant 0 : i32
      %dma_wait3A_282 = tpu.memref_slice %arg12[%add3A_10, %dma_wait3A_281] : memref<10112x128xf32, #tpu.memory_space<vmem_shared>> -> memref<64x128xf32, #tpu.memory_space<vmem_shared>>
      %dma_wait3A_283 = arith.constant 0 : i32
      %dma_wait3A_284 = tpu.memref_slice %arg12[%add3A_10, %dma_wait3A_283] : memref<10112x128xf32, #tpu.memory_space<vmem_shared>> -> memref<64x128xf32, #tpu.memory_space<vmem_shared>>
      %dma_wait3A_285 = arith.constant 0 : i32
      %dma_wait3A_286 = arith.constant 0 : i32
      %dma_wait3A_287 = tpu.memref_slice %arg8[%dma_wait3A_285, %dma_wait3A_286] : memref<64x128xf32, #tpu.memory_space<vmem>> -> memref<64x128xf32, #tpu.memory_space<vmem>>
      tpu.wait_dma2 semaphore(%run_scoped3A : memref<!tpu.dma_semaphore, #tpu.memory_space<semaphore_mem>>) src(%dma_wait3A_287 : memref<64x128xf32, #tpu.memory_space<vmem>>) dst(%dma_wait3A_284 : memref<64x128xf32, #tpu.memory_space<vmem_shared>>)
      tpu.yield
    }) : () -> ()
    %mul3A_11 = arith.constant 632 : i32
    %mul3A_12 = arith.muli %arg1, %mul3A_11 : i32
    %add3A_13 = arith.constant 64 : i32
    %add3A_14 = arith.addi %mul3A_12, %add3A_13 : i32
    "tpu.region"() ({
      %run_scoped3A = tpu.sem_alloc : memref<!tpu.dma_semaphore, #tpu.memory_space<semaphore_mem>>
      %dma_start3A_269 = arith.constant 0 : i32
      %dma_start3A_270 = arith.constant 0 : i32
      %dma_start3A_271 = tpu.memref_slice %arg8[%dma_start3A_269, %dma_start3A_270] : memref<64x128xf32, #tpu.memory_space<vmem>> -> memref<64x128xf32, #tpu.memory_space<vmem>>
      %dma_start3A_272 = arith.constant 0 : i32
      %dma_start3A_273 = tpu.memref_slice %arg12[%add3A_14, %dma_start3A_272] : memref<10112x128xf32, #tpu.memory_space<vmem_shared>> -> memref<64x128xf32, #tpu.memory_space<vmem_shared>>
      %dma_start3A_274 = arith.constant 0 : i32
      %dma_start3A_275 = tpu.memref_slice %arg12[%add3A_14, %dma_start3A_274] : memref<10112x128xf32, #tpu.memory_space<vmem_shared>> -> memref<64x128xf32, #tpu.memory_space<vmem_shared>>
      %dma_start3A_276 = arith.constant 0 : i32
      %dma_start3A_277 = arith.constant 0 : i32
      %dma_start3A_278 = tpu.memref_slice %arg8[%dma_start3A_276, %dma_start3A_277] : memref<64x128xf32, #tpu.memory_space<vmem>> -> memref<64x128xf32, #tpu.memory_space<vmem>>
      tpu.enqueue_dma source(%dma_start3A_278 : memref<64x128xf32, #tpu.memory_space<vmem>>) target(%dma_start3A_275 : memref<64x128xf32, #tpu.memory_space<vmem_shared>>) target_semaphore(%run_scoped3A : memref<!tpu.dma_semaphore, #tpu.memory_space<semaphore_mem>>)
      %dma_wait3A = arith.constant 0 : i32
      %dma_wait3A_279 = arith.constant 0 : i32
      %dma_wait3A_280 = tpu.memref_slice %arg8[%dma_wait3A, %dma_wait3A_279] : memref<64x128xf32, #tpu.memory_space<vmem>> -> memref<64x128xf32, #tpu.memory_space<vmem>>
      %dma_wait3A_281 = arith.constant 0 : i32
      %dma_wait3A_282 = tpu.memref_slice %arg12[%add3A_14, %dma_wait3A_281] : memref<10112x128xf32, #tpu.memory_space<vmem_shared>> -> memref<64x128xf32, #tpu.memory_space<vmem_shared>>
      %dma_wait3A_283 = arith.constant 0 : i32
      %dma_wait3A_284 = tpu.memref_slice %arg12[%add3A_14, %dma_wait3A_283] : memref<10112x128xf32, #tpu.memory_space<vmem_shared>> -> memref<64x128xf32, #tpu.memory_space<vmem_shared>>
      %dma_wait3A_285 = arith.constant 0 : i32
      %dma_wait3A_286 = arith.constant 0 : i32
      %dma_wait3A_287 = tpu.memref_slice %arg8[%dma_wait3A_285, %dma_wait3A_286] : memref<64x128xf32, #tpu.memory_space<vmem>> -> memref<64x128xf32, #tpu.memory_space<vmem>>
      tpu.wait_dma2 semaphore(%run_scoped3A : memref<!tpu.dma_semaphore, #tpu.memory_space<semaphore_mem>>) src(%dma_wait3A_287 : memref<64x128xf32, #tpu.memory_space<vmem>>) dst(%dma_wait3A_284 : memref<64x128xf32, #tpu.memory_space<vmem_shared>>)
      tpu.yield
    }) : () -> ()
    %mul3A_15 = arith.constant 632 : i32
    %mul3A_16 = arith.muli %arg1, %mul3A_15 : i32
    %add3A_17 = arith.constant 128 : i32
    %add3A_18 = arith.addi %mul3A_16, %add3A_17 : i32
    "tpu.region"() ({
      %run_scoped3A = tpu.sem_alloc : memref<!tpu.dma_semaphore, #tpu.memory_space<semaphore_mem>>
      %dma_start3A_269 = arith.constant 0 : i32
      %dma_start3A_270 = arith.constant 0 : i32
      %dma_start3A_271 = tpu.memref_slice %arg8[%dma_start3A_269, %dma_start3A_270] : memref<64x128xf32, #tpu.memory_space<vmem>> -> memref<64x128xf32, #tpu.memory_space<vmem>>
      %dma_start3A_272 = arith.constant 0 : i32
      %dma_start3A_273 = tpu.memref_slice %arg12[%add3A_18, %dma_start3A_272] : memref<10112x128xf32, #tpu.memory_space<vmem_shared>> -> memref<64x128xf32, #tpu.memory_space<vmem_shared>>
      %dma_start3A_274 = arith.constant 0 : i32
      %dma_start3A_275 = tpu.memref_slice %arg12[%add3A_18, %dma_start3A_274] : memref<10112x128xf32, #tpu.memory_space<vmem_shared>> -> memref<64x128xf32, #tpu.memory_space<vmem_shared>>
      %dma_start3A_276 = arith.constant 0 : i32
      %dma_start3A_277 = arith.constant 0 : i32
      %dma_start3A_278 = tpu.memref_slice %arg8[%dma_start3A_276, %dma_start3A_277] : memref<64x128xf32, #tpu.memory_space<vmem>> -> memref<64x128xf32, #tpu.memory_space<vmem>>
      tpu.enqueue_dma source(%dma_start3A_278 : memref<64x128xf32, #tpu.memory_space<vmem>>) target(%dma_start3A_275 : memref<64x128xf32, #tpu.memory_space<vmem_shared>>) target_semaphore(%run_scoped3A : memref<!tpu.dma_semaphore, #tpu.memory_space<semaphore_mem>>)
      %dma_wait3A = arith.constant 0 : i32
      %dma_wait3A_279 = arith.constant 0 : i32
      %dma_wait3A_280 = tpu.memref_slice %arg8[%dma_wait3A, %dma_wait3A_279] : memref<64x128xf32, #tpu.memory_space<vmem>> -> memref<64x128xf32, #tpu.memory_space<vmem>>
      %dma_wait3A_281 = arith.constant 0 : i32
      %dma_wait3A_282 = tpu.memref_slice %arg12[%add3A_18, %dma_wait3A_281] : memref<10112x128xf32, #tpu.memory_space<vmem_shared>> -> memref<64x128xf32, #tpu.memory_space<vmem_shared>>
      %dma_wait3A_283 = arith.constant 0 : i32
      %dma_wait3A_284 = tpu.memref_slice %arg12[%add3A_18, %dma_wait3A_283] : memref<10112x128xf32, #tpu.memory_space<vmem_shared>> -> memref<64x128xf32, #tpu.memory_space<vmem_shared>>
      %dma_wait3A_285 = arith.constant 0 : i32
      %dma_wait3A_286 = arith.constant 0 : i32
      %dma_wait3A_287 = tpu.memref_slice %arg8[%dma_wait3A_285, %dma_wait3A_286] : memref<64x128xf32, #tpu.memory_space<vmem>> -> memref<64x128xf32, #tpu.memory_space<vmem>>
      tpu.wait_dma2 semaphore(%run_scoped3A : memref<!tpu.dma_semaphore, #tpu.memory_space<semaphore_mem>>) src(%dma_wait3A_287 : memref<64x128xf32, #tpu.memory_space<vmem>>) dst(%dma_wait3A_284 : memref<64x128xf32, #tpu.memory_space<vmem_shared>>)
      tpu.yield
    }) : () -> ()
    %mul3A_19 = arith.constant 632 : i32
    %mul3A_20 = arith.muli %arg1, %mul3A_19 : i32
    %add3A_21 = arith.constant 192 : i32
    %add3A_22 = arith.addi %mul3A_20, %add3A_21 : i32
    "tpu.region"() ({
      %run_scoped3A = tpu.sem_alloc : memref<!tpu.dma_semaphore, #tpu.memory_space<semaphore_mem>>
      %dma_start3A_269 = arith.constant 0 : i32
      %dma_start3A_270 = arith.constant 0 : i32
      %dma_start3A_271 = tpu.memref_slice %arg8[%dma_start3A_269, %dma_start3A_270] : memref<64x128xf32, #tpu.memory_space<vmem>> -> memref<64x128xf32, #tpu.memory_space<vmem>>
      %dma_start3A_272 = arith.constant 0 : i32
      %dma_start3A_273 = tpu.memref_slice %arg12[%add3A_22, %dma_start3A_272] : memref<10112x128xf32, #tpu.memory_space<vmem_shared>> -> memref<64x128xf32, #tpu.memory_space<vmem_shared>>
      %dma_start3A_274 = arith.constant 0 : i32
      %dma_start3A_275 = tpu.memref_slice %arg12[%add3A_22, %dma_start3A_274] : memref<10112x128xf32, #tpu.memory_space<vmem_shared>> -> memref<64x128xf32, #tpu.memory_space<vmem_shared>>
      %dma_start3A_276 = arith.constant 0 : i32
      %dma_start3A_277 = arith.constant 0 : i32
      %dma_start3A_278 = tpu.memref_slice %arg8[%dma_start3A_276, %dma_start3A_277] : memref<64x128xf32, #tpu.memory_space<vmem>> -> memref<64x128xf32, #tpu.memory_space<vmem>>
      tpu.enqueue_dma source(%dma_start3A_278 : memref<64x128xf32, #tpu.memory_space<vmem>>) target(%dma_start3A_275 : memref<64x128xf32, #tpu.memory_space<vmem_shared>>) target_semaphore(%run_scoped3A : memref<!tpu.dma_semaphore, #tpu.memory_space<semaphore_mem>>)
      %dma_wait3A = arith.constant 0 : i32
      %dma_wait3A_279 = arith.constant 0 : i32
      %dma_wait3A_280 = tpu.memref_slice %arg8[%dma_wait3A, %dma_wait3A_279] : memref<64x128xf32, #tpu.memory_space<vmem>> -> memref<64x128xf32, #tpu.memory_space<vmem>>
      %dma_wait3A_281 = arith.constant 0 : i32
      %dma_wait3A_282 = tpu.memref_slice %arg12[%add3A_22, %dma_wait3A_281] : memref<10112x128xf32, #tpu.memory_space<vmem_shared>> -> memref<64x128xf32, #tpu.memory_space<vmem_shared>>
      %dma_wait3A_283 = arith.constant 0 : i32
      %dma_wait3A_284 = tpu.memref_slice %arg12[%add3A_22, %dma_wait3A_283] : memref<10112x128xf32, #tpu.memory_space<vmem_shared>> -> memref<64x128xf32, #tpu.memory_space<vmem_shared>>
      %dma_wait3A_285 = arith.constant 0 : i32
      %dma_wait3A_286 = arith.constant 0 : i32
      %dma_wait3A_287 = tpu.memref_slice %arg8[%dma_wait3A_285, %dma_wait3A_286] : memref<64x128xf32, #tpu.memory_space<vmem>> -> memref<64x128xf32, #tpu.memory_space<vmem>>
      tpu.wait_dma2 semaphore(%run_scoped3A : memref<!tpu.dma_semaphore, #tpu.memory_space<semaphore_mem>>) src(%dma_wait3A_287 : memref<64x128xf32, #tpu.memory_space<vmem>>) dst(%dma_wait3A_284 : memref<64x128xf32, #tpu.memory_space<vmem_shared>>)
      tpu.yield
    }) : () -> ()
    %mul3A_23 = arith.constant 632 : i32
    %mul3A_24 = arith.muli %arg1, %mul3A_23 : i32
    %add3A_25 = arith.constant 256 : i32
    %add3A_26 = arith.addi %mul3A_24, %add3A_25 : i32
    "tpu.region"() ({
      %run_scoped3A = tpu.sem_alloc : memref<!tpu.dma_semaphore, #tpu.memory_space<semaphore_mem>>
      %dma_start3A_269 = arith.constant 0 : i32
      %dma_start3A_270 = arith.constant 0 : i32
      %dma_start3A_271 = tpu.memref_slice %arg8[%dma_start3A_269, %dma_start3A_270] : memref<64x128xf32, #tpu.memory_space<vmem>> -> memref<64x128xf32, #tpu.memory_space<vmem>>
      %dma_start3A_272 = arith.constant 0 : i32
      %dma_start3A_273 = tpu.memref_slice %arg12[%add3A_26, %dma_start3A_272] : memref<10112x128xf32, #tpu.memory_space<vmem_shared>> -> memref<64x128xf32, #tpu.memory_space<vmem_shared>>
      %dma_start3A_274 = arith.constant 0 : i32
      %dma_start3A_275 = tpu.memref_slice %arg12[%add3A_26, %dma_start3A_274] : memref<10112x128xf32, #tpu.memory_space<vmem_shared>> -> memref<64x128xf32, #tpu.memory_space<vmem_shared>>
      %dma_start3A_276 = arith.constant 0 : i32
      %dma_start3A_277 = arith.constant 0 : i32
      %dma_start3A_278 = tpu.memref_slice %arg8[%dma_start3A_276, %dma_start3A_277] : memref<64x128xf32, #tpu.memory_space<vmem>> -> memref<64x128xf32, #tpu.memory_space<vmem>>
      tpu.enqueue_dma source(%dma_start3A_278 : memref<64x128xf32, #tpu.memory_space<vmem>>) target(%dma_start3A_275 : memref<64x128xf32, #tpu.memory_space<vmem_shared>>) target_semaphore(%run_scoped3A : memref<!tpu.dma_semaphore, #tpu.memory_space<semaphore_mem>>)
      %dma_wait3A = arith.constant 0 : i32
      %dma_wait3A_279 = arith.constant 0 : i32
      %dma_wait3A_280 = tpu.memref_slice %arg8[%dma_wait3A, %dma_wait3A_279] : memref<64x128xf32, #tpu.memory_space<vmem>> -> memref<64x128xf32, #tpu.memory_space<vmem>>
      %dma_wait3A_281 = arith.constant 0 : i32
      %dma_wait3A_282 = tpu.memref_slice %arg12[%add3A_26, %dma_wait3A_281] : memref<10112x128xf32, #tpu.memory_space<vmem_shared>> -> memref<64x128xf32, #tpu.memory_space<vmem_shared>>
      %dma_wait3A_283 = arith.constant 0 : i32
      %dma_wait3A_284 = tpu.memref_slice %arg12[%add3A_26, %dma_wait3A_283] : memref<10112x128xf32, #tpu.memory_space<vmem_shared>> -> memref<64x128xf32, #tpu.memory_space<vmem_shared>>
      %dma_wait3A_285 = arith.constant 0 : i32
      %dma_wait3A_286 = arith.constant 0 : i32
      %dma_wait3A_287 = tpu.memref_slice %arg8[%dma_wait3A_285, %dma_wait3A_286] : memref<64x128xf32, #tpu.memory_space<vmem>> -> memref<64x128xf32, #tpu.memory_space<vmem>>
      tpu.wait_dma2 semaphore(%run_scoped3A : memref<!tpu.dma_semaphore, #tpu.memory_space<semaphore_mem>>) src(%dma_wait3A_287 : memref<64x128xf32, #tpu.memory_space<vmem>>) dst(%dma_wait3A_284 : memref<64x128xf32, #tpu.memory_space<vmem_shared>>)
      tpu.yield
    }) : () -> ()
    %mul3A_27 = arith.constant 632 : i32
    %mul3A_28 = arith.muli %arg1, %mul3A_27 : i32
    %add3A_29 = arith.constant 320 : i32
    %add3A_30 = arith.addi %mul3A_28, %add3A_29 : i32
    "tpu.region"() ({
      %run_scoped3A = tpu.sem_alloc : memref<!tpu.dma_semaphore, #tpu.memory_space<semaphore_mem>>
      %dma_start3A_269 = arith.constant 0 : i32
      %dma_start3A_270 = arith.constant 0 : i32
      %dma_start3A_271 = tpu.memref_slice %arg8[%dma_start3A_269, %dma_start3A_270] : memref<64x128xf32, #tpu.memory_space<vmem>> -> memref<64x128xf32, #tpu.memory_space<vmem>>
      %dma_start3A_272 = arith.constant 0 : i32
      %dma_start3A_273 = tpu.memref_slice %arg12[%add3A_30, %dma_start3A_272] : memref<10112x128xf32, #tpu.memory_space<vmem_shared>> -> memref<64x128xf32, #tpu.memory_space<vmem_shared>>
      %dma_start3A_274 = arith.constant 0 : i32
      %dma_start3A_275 = tpu.memref_slice %arg12[%add3A_30, %dma_start3A_274] : memref<10112x128xf32, #tpu.memory_space<vmem_shared>> -> memref<64x128xf32, #tpu.memory_space<vmem_shared>>
      %dma_start3A_276 = arith.constant 0 : i32
      %dma_start3A_277 = arith.constant 0 : i32
      %dma_start3A_278 = tpu.memref_slice %arg8[%dma_start3A_276, %dma_start3A_277] : memref<64x128xf32, #tpu.memory_space<vmem>> -> memref<64x128xf32, #tpu.memory_space<vmem>>
      tpu.enqueue_dma source(%dma_start3A_278 : memref<64x128xf32, #tpu.memory_space<vmem>>) target(%dma_start3A_275 : memref<64x128xf32, #tpu.memory_space<vmem_shared>>) target_semaphore(%run_scoped3A : memref<!tpu.dma_semaphore, #tpu.memory_space<semaphore_mem>>)
      %dma_wait3A = arith.constant 0 : i32
      %dma_wait3A_279 = arith.constant 0 : i32
      %dma_wait3A_280 = tpu.memref_slice %arg8[%dma_wait3A, %dma_wait3A_279] : memref<64x128xf32, #tpu.memory_space<vmem>> -> memref<64x128xf32, #tpu.memory_space<vmem>>
      %dma_wait3A_281 = arith.constant 0 : i32
      %dma_wait3A_282 = tpu.memref_slice %arg12[%add3A_30, %dma_wait3A_281] : memref<10112x128xf32, #tpu.memory_space<vmem_shared>> -> memref<64x128xf32, #tpu.memory_space<vmem_shared>>
      %dma_wait3A_283 = arith.constant 0 : i32
      %dma_wait3A_284 = tpu.memref_slice %arg12[%add3A_30, %dma_wait3A_283] : memref<10112x128xf32, #tpu.memory_space<vmem_shared>> -> memref<64x128xf32, #tpu.memory_space<vmem_shared>>
      %dma_wait3A_285 = arith.constant 0 : i32
      %dma_wait3A_286 = arith.constant 0 : i32
      %dma_wait3A_287 = tpu.memref_slice %arg8[%dma_wait3A_285, %dma_wait3A_286] : memref<64x128xf32, #tpu.memory_space<vmem>> -> memref<64x128xf32, #tpu.memory_space<vmem>>
      tpu.wait_dma2 semaphore(%run_scoped3A : memref<!tpu.dma_semaphore, #tpu.memory_space<semaphore_mem>>) src(%dma_wait3A_287 : memref<64x128xf32, #tpu.memory_space<vmem>>) dst(%dma_wait3A_284 : memref<64x128xf32, #tpu.memory_space<vmem_shared>>)
      tpu.yield
    }) : () -> ()
    %mul3A_31 = arith.constant 632 : i32
    %mul3A_32 = arith.muli %arg1, %mul3A_31 : i32
    %add3A_33 = arith.constant 384 : i32
    %add3A_34 = arith.addi %mul3A_32, %add3A_33 : i32
    "tpu.region"() ({
      %run_scoped3A = tpu.sem_alloc : memref<!tpu.dma_semaphore, #tpu.memory_space<semaphore_mem>>
      %dma_start3A_269 = arith.constant 0 : i32
      %dma_start3A_270 = arith.constant 0 : i32
      %dma_start3A_271 = tpu.memref_slice %arg8[%dma_start3A_269, %dma_start3A_270] : memref<64x128xf32, #tpu.memory_space<vmem>> -> memref<64x128xf32, #tpu.memory_space<vmem>>
      %dma_start3A_272 = arith.constant 0 : i32
      %dma_start3A_273 = tpu.memref_slice %arg12[%add3A_34, %dma_start3A_272] : memref<10112x128xf32, #tpu.memory_space<vmem_shared>> -> memref<64x128xf32, #tpu.memory_space<vmem_shared>>
      %dma_start3A_274 = arith.constant 0 : i32
      %dma_start3A_275 = tpu.memref_slice %arg12[%add3A_34, %dma_start3A_274] : memref<10112x128xf32, #tpu.memory_space<vmem_shared>> -> memref<64x128xf32, #tpu.memory_space<vmem_shared>>
      %dma_start3A_276 = arith.constant 0 : i32
      %dma_start3A_277 = arith.constant 0 : i32
      %dma_start3A_278 = tpu.memref_slice %arg8[%dma_start3A_276, %dma_start3A_277] : memref<64x128xf32, #tpu.memory_space<vmem>> -> memref<64x128xf32, #tpu.memory_space<vmem>>
      tpu.enqueue_dma source(%dma_start3A_278 : memref<64x128xf32, #tpu.memory_space<vmem>>) target(%dma_start3A_275 : memref<64x128xf32, #tpu.memory_space<vmem_shared>>) target_semaphore(%run_scoped3A : memref<!tpu.dma_semaphore, #tpu.memory_space<semaphore_mem>>)
      %dma_wait3A = arith.constant 0 : i32
      %dma_wait3A_279 = arith.constant 0 : i32
      %dma_wait3A_280 = tpu.memref_slice %arg8[%dma_wait3A, %dma_wait3A_279] : memref<64x128xf32, #tpu.memory_space<vmem>> -> memref<64x128xf32, #tpu.memory_space<vmem>>
      %dma_wait3A_281 = arith.constant 0 : i32
      %dma_wait3A_282 = tpu.memref_slice %arg12[%add3A_34, %dma_wait3A_281] : memref<10112x128xf32, #tpu.memory_space<vmem_shared>> -> memref<64x128xf32, #tpu.memory_space<vmem_shared>>
      %dma_wait3A_283 = arith.constant 0 : i32
      %dma_wait3A_284 = tpu.memref_slice %arg12[%add3A_34, %dma_wait3A_283] : memref<10112x128xf32, #tpu.memory_space<vmem_shared>> -> memref<64x128xf32, #tpu.memory_space<vmem_shared>>
      %dma_wait3A_285 = arith.constant 0 : i32
      %dma_wait3A_286 = arith.constant 0 : i32
      %dma_wait3A_287 = tpu.memref_slice %arg8[%dma_wait3A_285, %dma_wait3A_286] : memref<64x128xf32, #tpu.memory_space<vmem>> -> memref<64x128xf32, #tpu.memory_space<vmem>>
      tpu.wait_dma2 semaphore(%run_scoped3A : memref<!tpu.dma_semaphore, #tpu.memory_space<semaphore_mem>>) src(%dma_wait3A_287 : memref<64x128xf32, #tpu.memory_space<vmem>>) dst(%dma_wait3A_284 : memref<64x128xf32, #tpu.memory_space<vmem_shared>>)
      tpu.yield
    }) : () -> ()
    %mul3A_35 = arith.constant 632 : i32
    %mul3A_36 = arith.muli %arg1, %mul3A_35 : i32
    %add3A_37 = arith.constant 448 : i32
    %add3A_38 = arith.addi %mul3A_36, %add3A_37 : i32
    "tpu.region"() ({
      %run_scoped3A = tpu.sem_alloc : memref<!tpu.dma_semaphore, #tpu.memory_space<semaphore_mem>>
      %dma_start3A_269 = arith.constant 0 : i32
      %dma_start3A_270 = arith.constant 0 : i32
      %dma_start3A_271 = tpu.memref_slice %arg8[%dma_start3A_269, %dma_start3A_270] : memref<64x128xf32, #tpu.memory_space<vmem>> -> memref<64x128xf32, #tpu.memory_space<vmem>>
      %dma_start3A_272 = arith.constant 0 : i32
      %dma_start3A_273 = tpu.memref_slice %arg12[%add3A_38, %dma_start3A_272] : memref<10112x128xf32, #tpu.memory_space<vmem_shared>> -> memref<64x128xf32, #tpu.memory_space<vmem_shared>>
      %dma_start3A_274 = arith.constant 0 : i32
      %dma_start3A_275 = tpu.memref_slice %arg12[%add3A_38, %dma_start3A_274] : memref<10112x128xf32, #tpu.memory_space<vmem_shared>> -> memref<64x128xf32, #tpu.memory_space<vmem_shared>>
      %dma_start3A_276 = arith.constant 0 : i32
      %dma_start3A_277 = arith.constant 0 : i32
      %dma_start3A_278 = tpu.memref_slice %arg8[%dma_start3A_276, %dma_start3A_277] : memref<64x128xf32, #tpu.memory_space<vmem>> -> memref<64x128xf32, #tpu.memory_space<vmem>>
      tpu.enqueue_dma source(%dma_start3A_278 : memref<64x128xf32, #tpu.memory_space<vmem>>) target(%dma_start3A_275 : memref<64x128xf32, #tpu.memory_space<vmem_shared>>) target_semaphore(%run_scoped3A : memref<!tpu.dma_semaphore, #tpu.memory_space<semaphore_mem>>)
      %dma_wait3A = arith.constant 0 : i32
      %dma_wait3A_279 = arith.constant 0 : i32
      %dma_wait3A_280 = tpu.memref_slice %arg8[%dma_wait3A, %dma_wait3A_279] : memref<64x128xf32, #tpu.memory_space<vmem>> -> memref<64x128xf32, #tpu.memory_space<vmem>>
      %dma_wait3A_281 = arith.constant 0 : i32
      %dma_wait3A_282 = tpu.memref_slice %arg12[%add3A_38, %dma_wait3A_281] : memref<10112x128xf32, #tpu.memory_space<vmem_shared>> -> memref<64x128xf32, #tpu.memory_space<vmem_shared>>
      %dma_wait3A_283 = arith.constant 0 : i32
      %dma_wait3A_284 = tpu.memref_slice %arg12[%add3A_38, %dma_wait3A_283] : memref<10112x128xf32, #tpu.memory_space<vmem_shared>> -> memref<64x128xf32, #tpu.memory_space<vmem_shared>>
      %dma_wait3A_285 = arith.constant 0 : i32
      %dma_wait3A_286 = arith.constant 0 : i32
      %dma_wait3A_287 = tpu.memref_slice %arg8[%dma_wait3A_285, %dma_wait3A_286] : memref<64x128xf32, #tpu.memory_space<vmem>> -> memref<64x128xf32, #tpu.memory_space<vmem>>
      tpu.wait_dma2 semaphore(%run_scoped3A : memref<!tpu.dma_semaphore, #tpu.memory_space<semaphore_mem>>) src(%dma_wait3A_287 : memref<64x128xf32, #tpu.memory_space<vmem>>) dst(%dma_wait3A_284 : memref<64x128xf32, #tpu.memory_space<vmem_shared>>)
      tpu.yield
    }) : () -> ()
    %mul3A_39 = arith.constant 632 : i32
    %mul3A_40 = arith.muli %arg1, %mul3A_39 : i32
    %add3A_41 = arith.constant 512 : i32
    %add3A_42 = arith.addi %mul3A_40, %add3A_41 : i32
    "tpu.region"() ({
      %run_scoped3A = tpu.sem_alloc : memref<!tpu.dma_semaphore, #tpu.memory_space<semaphore_mem>>
      %dma_start3A_269 = arith.constant 0 : i32
      %dma_start3A_270 = arith.constant 0 : i32
      %dma_start3A_271 = tpu.memref_slice %arg8[%dma_start3A_269, %dma_start3A_270] : memref<64x128xf32, #tpu.memory_space<vmem>> -> memref<64x128xf32, #tpu.memory_space<vmem>>
      %dma_start3A_272 = arith.constant 0 : i32
      %dma_start3A_273 = tpu.memref_slice %arg12[%add3A_42, %dma_start3A_272] : memref<10112x128xf32, #tpu.memory_space<vmem_shared>> -> memref<64x128xf32, #tpu.memory_space<vmem_shared>>
      %dma_start3A_274 = arith.constant 0 : i32
      %dma_start3A_275 = tpu.memref_slice %arg12[%add3A_42, %dma_start3A_274] : memref<10112x128xf32, #tpu.memory_space<vmem_shared>> -> memref<64x128xf32, #tpu.memory_space<vmem_shared>>
      %dma_start3A_276 = arith.constant 0 : i32
      %dma_start3A_277 = arith.constant 0 : i32
      %dma_start3A_278 = tpu.memref_slice %arg8[%dma_start3A_276, %dma_start3A_277] : memref<64x128xf32, #tpu.memory_space<vmem>> -> memref<64x128xf32, #tpu.memory_space<vmem>>
      tpu.enqueue_dma source(%dma_start3A_278 : memref<64x128xf32, #tpu.memory_space<vmem>>) target(%dma_start3A_275 : memref<64x128xf32, #tpu.memory_space<vmem_shared>>) target_semaphore(%run_scoped3A : memref<!tpu.dma_semaphore, #tpu.memory_space<semaphore_mem>>)
      %dma_wait3A = arith.constant 0 : i32
      %dma_wait3A_279 = arith.constant 0 : i32
      %dma_wait3A_280 = tpu.memref_slice %arg8[%dma_wait3A, %dma_wait3A_279] : memref<64x128xf32, #tpu.memory_space<vmem>> -> memref<64x128xf32, #tpu.memory_space<vmem>>
      %dma_wait3A_281 = arith.constant 0 : i32
      %dma_wait3A_282 = tpu.memref_slice %arg12[%add3A_42, %dma_wait3A_281] : memref<10112x128xf32, #tpu.memory_space<vmem_shared>> -> memref<64x128xf32, #tpu.memory_space<vmem_shared>>
      %dma_wait3A_283 = arith.constant 0 : i32
      %dma_wait3A_284 = tpu.memref_slice %arg12[%add3A_42, %dma_wait3A_283] : memref<10112x128xf32, #tpu.memory_space<vmem_shared>> -> memref<64x128xf32, #tpu.memory_space<vmem_shared>>
      %dma_wait3A_285 = arith.constant 0 : i32
      %dma_wait3A_286 = arith.constant 0 : i32
      %dma_wait3A_287 = tpu.memref_slice %arg8[%dma_wait3A_285, %dma_wait3A_286] : memref<64x128xf32, #tpu.memory_space<vmem>> -> memref<64x128xf32, #tpu.memory_space<vmem>>
      tpu.wait_dma2 semaphore(%run_scoped3A : memref<!tpu.dma_semaphore, #tpu.memory_space<semaphore_mem>>) src(%dma_wait3A_287 : memref<64x128xf32, #tpu.memory_space<vmem>>) dst(%dma_wait3A_284 : memref<64x128xf32, #tpu.memory_space<vmem_shared>>)
      tpu.yield
    }) : () -> ()
    %mul3A_43 = arith.constant 632 : i32
    %mul3A_44 = arith.muli %arg1, %mul3A_43 : i32
    %add3A_45 = arith.constant 576 : i32
    %add3A_46 = arith.addi %mul3A_44, %add3A_45 : i32
    "tpu.region"() ({
      %run_scoped3A = tpu.sem_alloc : memref<!tpu.dma_semaphore, #tpu.memory_space<semaphore_mem>>
      %dma_start3A_269 = arith.constant 0 : i32
      %dma_start3A_270 = arith.constant 0 : i32
      %dma_start3A_271 = tpu.memref_slice %arg8[%dma_start3A_269, %dma_start3A_270] : memref<64x128xf32, #tpu.memory_space<vmem>> -> memref<56x128xf32, #tpu.memory_space<vmem>>
      %dma_start3A_272 = arith.constant 0 : i32
      %dma_start3A_273 = tpu.memref_slice %arg12[%add3A_46, %dma_start3A_272] : memref<10112x128xf32, #tpu.memory_space<vmem_shared>> -> memref<56x128xf32, #tpu.memory_space<vmem_shared>>
      %dma_start3A_274 = arith.constant 0 : i32
      %dma_start3A_275 = tpu.memref_slice %arg12[%add3A_46, %dma_start3A_274] : memref<10112x128xf32, #tpu.memory_space<vmem_shared>> -> memref<56x128xf32, #tpu.memory_space<vmem_shared>>
      %dma_start3A_276 = arith.constant 0 : i32
      %dma_start3A_277 = arith.constant 0 : i32
      %dma_start3A_278 = tpu.memref_slice %arg8[%dma_start3A_276, %dma_start3A_277] : memref<64x128xf32, #tpu.memory_space<vmem>> -> memref<56x128xf32, #tpu.memory_space<vmem>>
      tpu.enqueue_dma source(%dma_start3A_278 : memref<56x128xf32, #tpu.memory_space<vmem>>) target(%dma_start3A_275 : memref<56x128xf32, #tpu.memory_space<vmem_shared>>) target_semaphore(%run_scoped3A : memref<!tpu.dma_semaphore, #tpu.memory_space<semaphore_mem>>)
      %dma_wait3A = arith.constant 0 : i32
      %dma_wait3A_279 = arith.constant 0 : i32
      %dma_wait3A_280 = tpu.memref_slice %arg8[%dma_wait3A, %dma_wait3A_279] : memref<64x128xf32, #tpu.memory_space<vmem>> -> memref<56x128xf32, #tpu.memory_space<vmem>>
      %dma_wait3A_281 = arith.constant 0 : i32
      %dma_wait3A_282 = tpu.memref_slice %arg12[%add3A_46, %dma_wait3A_281] : memref<10112x128xf32, #tpu.memory_space<vmem_shared>> -> memref<56x128xf32, #tpu.memory_space<vmem_shared>>
      %dma_wait3A_283 = arith.constant 0 : i32
      %dma_wait3A_284 = tpu.memref_slice %arg12[%add3A_46, %dma_wait3A_283] : memref<10112x128xf32, #tpu.memory_space<vmem_shared>> -> memref<56x128xf32, #tpu.memory_space<vmem_shared>>
      %dma_wait3A_285 = arith.constant 0 : i32
      %dma_wait3A_286 = arith.constant 0 : i32
      %dma_wait3A_287 = tpu.memref_slice %arg8[%dma_wait3A_285, %dma_wait3A_286] : memref<64x128xf32, #tpu.memory_space<vmem>> -> memref<56x128xf32, #tpu.memory_space<vmem>>
      tpu.wait_dma2 semaphore(%run_scoped3A : memref<!tpu.dma_semaphore, #tpu.memory_space<semaphore_mem>>) src(%dma_wait3A_287 : memref<56x128xf32, #tpu.memory_space<vmem>>) dst(%dma_wait3A_284 : memref<56x128xf32, #tpu.memory_space<vmem_shared>>)
      tpu.yield
    }) : () -> ()
    %barrier3A = arith.constant 0 : index
    tpu.barrier barrier_id(%barrier3A)
    %mul3A_47 = arith.constant 160 : i32
    %mul3A_48 = arith.muli %add3A, %mul3A_47 : i32
    %add3A_49 = arith.constant 0 : i32
    %add3A_50 = arith.addi %mul3A_48, %add3A_49 : i32
    "tpu.region"() ({
      %run_scoped3A = tpu.sem_alloc : memref<!tpu.dma_semaphore, #tpu.memory_space<semaphore_mem>>
      %dma_start3A_269 = arith.constant 0 : i32
      %dma_start3A_270 = tpu.memref_slice %arg3[%add3A_50, %dma_start3A_269] : memref<5120x64xi32, #tpu.memory_space<hbm>> -> memref<40x64xi32, #tpu.memory_space<hbm>>
      %dma_start3A_271 = arith.constant 0 : i32
      %dma_start3A_272 = tpu.memref_slice %arg3[%add3A_50, %dma_start3A_271] : memref<5120x64xi32, #tpu.memory_space<hbm>> -> memref<40x64xi32, #tpu.memory_space<hbm>>
      tpu.enqueue_dma source(%dma_start3A_272 : memref<40x64xi32, #tpu.memory_space<hbm>>) target(%arg6 : memref<40x64xi32, #tpu.memory_space<vmem>>) target_semaphore(%run_scoped3A : memref<!tpu.dma_semaphore, #tpu.memory_space<semaphore_mem>>)
      %dma_wait3A = arith.constant 0 : i32
      %dma_wait3A_273 = tpu.memref_slice %arg3[%add3A_50, %dma_wait3A] : memref<5120x64xi32, #tpu.memory_space<hbm>> -> memref<40x64xi32, #tpu.memory_space<hbm>>
      %dma_wait3A_274 = arith.constant 0 : i32
      %dma_wait3A_275 = tpu.memref_slice %arg3[%add3A_50, %dma_wait3A_274] : memref<5120x64xi32, #tpu.memory_space<hbm>> -> memref<40x64xi32, #tpu.memory_space<hbm>>
      tpu.wait_dma2 semaphore(%run_scoped3A : memref<!tpu.dma_semaphore, #tpu.memory_space<semaphore_mem>>) src(%dma_wait3A_275 : memref<40x64xi32, #tpu.memory_space<hbm>>) dst(%arg6 : memref<40x64xi32, #tpu.memory_space<vmem>>)
      tpu.yield
    }) : () -> ()
    "tpu.region"() ({
      %run_scoped3A = tpu.sem_alloc : memref<!tpu.dma_semaphore, #tpu.memory_space<semaphore_mem>>
      %dma_start3A_269 = arith.constant 0 : i32
      %dma_start3A_270 = tpu.memref_slice %arg4[%add3A_50, %dma_start3A_269] : memref<5120x64xi32, #tpu.memory_space<hbm>> -> memref<40x64xi32, #tpu.memory_space<hbm>>
      %dma_start3A_271 = arith.constant 0 : i32
      %dma_start3A_272 = tpu.memref_slice %arg4[%add3A_50, %dma_start3A_271] : memref<5120x64xi32, #tpu.memory_space<hbm>> -> memref<40x64xi32, #tpu.memory_space<hbm>>
      tpu.enqueue_dma source(%dma_start3A_272 : memref<40x64xi32, #tpu.memory_space<hbm>>) target(%arg7 : memref<40x64xi32, #tpu.memory_space<vmem>>) target_semaphore(%run_scoped3A : memref<!tpu.dma_semaphore, #tpu.memory_space<semaphore_mem>>)
      %dma_wait3A = arith.constant 0 : i32
      %dma_wait3A_273 = tpu.memref_slice %arg4[%add3A_50, %dma_wait3A] : memref<5120x64xi32, #tpu.memory_space<hbm>> -> memref<40x64xi32, #tpu.memory_space<hbm>>
      %dma_wait3A_274 = arith.constant 0 : i32
      %dma_wait3A_275 = tpu.memref_slice %arg4[%add3A_50, %dma_wait3A_274] : memref<5120x64xi32, #tpu.memory_space<hbm>> -> memref<40x64xi32, #tpu.memory_space<hbm>>
      tpu.wait_dma2 semaphore(%run_scoped3A : memref<!tpu.dma_semaphore, #tpu.memory_space<semaphore_mem>>) src(%dma_wait3A_275 : memref<40x64xi32, #tpu.memory_space<hbm>>) dst(%arg7 : memref<40x64xi32, #tpu.memory_space<vmem>>)
      tpu.yield
    }) : () -> ()
    %dma_start3A = arith.constant 0 : i32
    %dma_start3A_51 = arith.constant 0 : i32
    %dma_start3A_52 = tpu.memref_slice %arg6[%dma_start3A, %dma_start3A_51] : memref<40x64xi32, #tpu.memory_space<vmem>> -> memref<1x64xi32, #tpu.memory_space<vmem>>
    %dma_start3A_53 = tpu.memref_squeeze %dma_start3A_52 : memref<1x64xi32, #tpu.memory_space<vmem>> -> memref<64xi32, #tpu.memory_space<vmem>>
    %dma_start3A_54 = arith.constant 0 : i32
    %dma_start3A_55 = arith.constant 0 : i32
    %dma_start3A_56 = tpu.memref_slice %arg2[%dma_start3A_54, %dma_start3A_55] : memref<80000x128xf32, #tpu.memory_space<hbm>> -> memref<80000x128xf32, #tpu.memory_space<hbm>>
    tpu.enqueue_indirect_dma source(%dma_start3A_56 : memref<80000x128xf32, #tpu.memory_space<hbm>>) target(%arg8 : memref<64x128xf32, #tpu.memory_space<vmem>>) offsets(%dma_start3A_53 : memref<64xi32, #tpu.memory_space<vmem>>) semaphore(%arg13 : memref<!tpu.dma_semaphore, #tpu.memory_space<semaphore_mem>>)
    %dma_start3A_57 = arith.constant 1 : i32
    %dma_start3A_58 = arith.constant 0 : i32
    %dma_start3A_59 = tpu.memref_slice %arg6[%dma_start3A_57, %dma_start3A_58] : memref<40x64xi32, #tpu.memory_space<vmem>> -> memref<1x64xi32, #tpu.memory_space<vmem>>
    %dma_start3A_60 = tpu.memref_squeeze %dma_start3A_59 : memref<1x64xi32, #tpu.memory_space<vmem>> -> memref<64xi32, #tpu.memory_space<vmem>>
    %dma_start3A_61 = arith.constant 0 : i32
    %dma_start3A_62 = arith.constant 0 : i32
    %dma_start3A_63 = tpu.memref_slice %arg2[%dma_start3A_61, %dma_start3A_62] : memref<80000x128xf32, #tpu.memory_space<hbm>> -> memref<80000x128xf32, #tpu.memory_space<hbm>>
    tpu.enqueue_indirect_dma source(%dma_start3A_63 : memref<80000x128xf32, #tpu.memory_space<hbm>>) target(%arg9 : memref<64x128xf32, #tpu.memory_space<vmem>>) offsets(%dma_start3A_60 : memref<64xi32, #tpu.memory_space<vmem>>) semaphore(%arg14 : memref<!tpu.dma_semaphore, #tpu.memory_space<semaphore_mem>>)
    %dma_start3A_64 = arith.constant 2 : i32
    %dma_start3A_65 = arith.constant 0 : i32
    %dma_start3A_66 = tpu.memref_slice %arg6[%dma_start3A_64, %dma_start3A_65] : memref<40x64xi32, #tpu.memory_space<vmem>> -> memref<1x64xi32, #tpu.memory_space<vmem>>
    %dma_start3A_67 = tpu.memref_squeeze %dma_start3A_66 : memref<1x64xi32, #tpu.memory_space<vmem>> -> memref<64xi32, #tpu.memory_space<vmem>>
    %dma_start3A_68 = arith.constant 0 : i32
    %dma_start3A_69 = arith.constant 0 : i32
    %dma_start3A_70 = tpu.memref_slice %arg2[%dma_start3A_68, %dma_start3A_69] : memref<80000x128xf32, #tpu.memory_space<hbm>> -> memref<80000x128xf32, #tpu.memory_space<hbm>>
    tpu.enqueue_indirect_dma source(%dma_start3A_70 : memref<80000x128xf32, #tpu.memory_space<hbm>>) target(%arg10 : memref<64x128xf32, #tpu.memory_space<vmem>>) offsets(%dma_start3A_67 : memref<64xi32, #tpu.memory_space<vmem>>) semaphore(%arg15 : memref<!tpu.dma_semaphore, #tpu.memory_space<semaphore_mem>>)
    %dma_start3A_71 = arith.constant 3 : i32
    %dma_start3A_72 = arith.constant 0 : i32
    %dma_start3A_73 = tpu.memref_slice %arg6[%dma_start3A_71, %dma_start3A_72] : memref<40x64xi32, #tpu.memory_space<vmem>> -> memref<1x64xi32, #tpu.memory_space<vmem>>
    %dma_start3A_74 = tpu.memref_squeeze %dma_start3A_73 : memref<1x64xi32, #tpu.memory_space<vmem>> -> memref<64xi32, #tpu.memory_space<vmem>>
    %dma_start3A_75 = arith.constant 0 : i32
    %dma_start3A_76 = arith.constant 0 : i32
    %dma_start3A_77 = tpu.memref_slice %arg2[%dma_start3A_75, %dma_start3A_76] : memref<80000x128xf32, #tpu.memory_space<hbm>> -> memref<80000x128xf32, #tpu.memory_space<hbm>>
    tpu.enqueue_indirect_dma source(%dma_start3A_77 : memref<80000x128xf32, #tpu.memory_space<hbm>>) target(%arg11 : memref<64x128xf32, #tpu.memory_space<vmem>>) offsets(%dma_start3A_74 : memref<64xi32, #tpu.memory_space<vmem>>) semaphore(%arg16 : memref<!tpu.dma_semaphore, #tpu.memory_space<semaphore_mem>>)
    %scan3A_78 = arith.constant 0 : i32
    %scan3A_79 = arith.constant 0 : i32
    %scan3A_80 = arith.constant 10 : i32
    %scan3A_81 = arith.addi %scan3A_79, %scan3A_80 : i32
    %scan3A_82 = arith.constant 1 : i32
    scf.for %scan3A_269 = %scan3A_79 to %scan3A_81 step %scan3A_82  : i32 {
      %mul3A_270 = arith.constant 4 : i32
      %mul3A_271 = arith.muli %scan3A_269, %mul3A_270 : i32
      %add3A_272 = arith.constant 0 : i32
      %add3A_273 = arith.addi %mul3A_271, %add3A_272 : i32
      %dma_wait3A = arith.constant 0 : i32
      %dma_wait3A_274 = tpu.memref_slice %arg6[%add3A_273, %dma_wait3A] : memref<40x64xi32, #tpu.memory_space<vmem>> -> memref<1x64xi32, #tpu.memory_space<vmem>>
      %dma_wait3A_275 = tpu.memref_squeeze %dma_wait3A_274 : memref<1x64xi32, #tpu.memory_space<vmem>> -> memref<64xi32, #tpu.memory_space<vmem>>
      %dma_wait3A_276 = arith.constant 0 : i32
      %dma_wait3A_277 = arith.constant 0 : i32
      %dma_wait3A_278 = tpu.memref_slice %arg2[%dma_wait3A_276, %dma_wait3A_277] : memref<80000x128xf32, #tpu.memory_space<hbm>> -> memref<80000x128xf32, #tpu.memory_space<hbm>>
      tpu.wait_indirect_dma semaphore(%arg13 : memref<!tpu.dma_semaphore, #tpu.memory_space<semaphore_mem>>) src(%dma_wait3A_278 : memref<80000x128xf32, #tpu.memory_space<hbm>>) dst(%arg8 : memref<64x128xf32, #tpu.memory_space<vmem>>)
      %dma_start3A_279 = arith.constant 0 : i32
      %dma_start3A_280 = tpu.memref_slice %arg7[%add3A_273, %dma_start3A_279] : memref<40x64xi32, #tpu.memory_space<vmem>> -> memref<1x64xi32, #tpu.memory_space<vmem>>
      %dma_start3A_281 = tpu.memref_squeeze %dma_start3A_280 : memref<1x64xi32, #tpu.memory_space<vmem>> -> memref<64xi32, #tpu.memory_space<vmem>>
      %dma_start3A_282 = arith.constant 0 : i32
      %dma_start3A_283 = arith.constant 0 : i32
      %dma_start3A_284 = tpu.memref_slice %arg12[%dma_start3A_282, %dma_start3A_283] : memref<10112x128xf32, #tpu.memory_space<vmem_shared>> -> memref<10112x128xf32, #tpu.memory_space<vmem_shared>>
      tpu.enqueue_indirect_dma source(%arg8 : memref<64x128xf32, #tpu.memory_space<vmem>>) target(%dma_start3A_284 : memref<10112x128xf32, #tpu.memory_space<vmem_shared>>) offsets(%dma_start3A_281 : memref<64xi32, #tpu.memory_space<vmem>>) semaphore(%arg17 : memref<!tpu.dma_semaphore, #tpu.memory_space<semaphore_mem>>) {add = true}
      %mul3A_285 = arith.constant 4 : i32
      %mul3A_286 = arith.muli %scan3A_269, %mul3A_285 : i32
      %add3A_287 = arith.constant 1 : i32
      %add3A_288 = arith.addi %mul3A_286, %add3A_287 : i32
      %dma_wait3A_289 = arith.constant 0 : i32
      %dma_wait3A_290 = tpu.memref_slice %arg6[%add3A_288, %dma_wait3A_289] : memref<40x64xi32, #tpu.memory_space<vmem>> -> memref<1x64xi32, #tpu.memory_space<vmem>>
      %dma_wait3A_291 = tpu.memref_squeeze %dma_wait3A_290 : memref<1x64xi32, #tpu.memory_space<vmem>> -> memref<64xi32, #tpu.memory_space<vmem>>
      %dma_wait3A_292 = arith.constant 0 : i32
      %dma_wait3A_293 = arith.constant 0 : i32
      %dma_wait3A_294 = tpu.memref_slice %arg2[%dma_wait3A_292, %dma_wait3A_293] : memref<80000x128xf32, #tpu.memory_space<hbm>> -> memref<80000x128xf32, #tpu.memory_space<hbm>>
      tpu.wait_indirect_dma semaphore(%arg14 : memref<!tpu.dma_semaphore, #tpu.memory_space<semaphore_mem>>) src(%dma_wait3A_294 : memref<80000x128xf32, #tpu.memory_space<hbm>>) dst(%arg9 : memref<64x128xf32, #tpu.memory_space<vmem>>)
      %dma_start3A_295 = arith.constant 0 : i32
      %dma_start3A_296 = tpu.memref_slice %arg7[%add3A_288, %dma_start3A_295] : memref<40x64xi32, #tpu.memory_space<vmem>> -> memref<1x64xi32, #tpu.memory_space<vmem>>
      %dma_start3A_297 = tpu.memref_squeeze %dma_start3A_296 : memref<1x64xi32, #tpu.memory_space<vmem>> -> memref<64xi32, #tpu.memory_space<vmem>>
      %dma_start3A_298 = arith.constant 0 : i32
      %dma_start3A_299 = arith.constant 0 : i32
      %dma_start3A_300 = tpu.memref_slice %arg12[%dma_start3A_298, %dma_start3A_299] : memref<10112x128xf32, #tpu.memory_space<vmem_shared>> -> memref<10112x128xf32, #tpu.memory_space<vmem_shared>>
      tpu.enqueue_indirect_dma source(%arg9 : memref<64x128xf32, #tpu.memory_space<vmem>>) target(%dma_start3A_300 : memref<10112x128xf32, #tpu.memory_space<vmem_shared>>) offsets(%dma_start3A_297 : memref<64xi32, #tpu.memory_space<vmem>>) semaphore(%arg18 : memref<!tpu.dma_semaphore, #tpu.memory_space<semaphore_mem>>) {add = true}
      %mul3A_301 = arith.constant 4 : i32
      %mul3A_302 = arith.muli %scan3A_269, %mul3A_301 : i32
      %add3A_303 = arith.constant 2 : i32
      %add3A_304 = arith.addi %mul3A_302, %add3A_303 : i32
      %dma_wait3A_305 = arith.constant 0 : i32
      %dma_wait3A_306 = tpu.memref_slice %arg6[%add3A_304, %dma_wait3A_305] : memref<40x64xi32, #tpu.memory_space<vmem>> -> memref<1x64xi32, #tpu.memory_space<vmem>>
      %dma_wait3A_307 = tpu.memref_squeeze %dma_wait3A_306 : memref<1x64xi32, #tpu.memory_space<vmem>> -> memref<64xi32, #tpu.memory_space<vmem>>
      %dma_wait3A_308 = arith.constant 0 : i32
      %dma_wait3A_309 = arith.constant 0 : i32
      %dma_wait3A_310 = tpu.memref_slice %arg2[%dma_wait3A_308, %dma_wait3A_309] : memref<80000x128xf32, #tpu.memory_space<hbm>> -> memref<80000x128xf32, #tpu.memory_space<hbm>>
      tpu.wait_indirect_dma semaphore(%arg15 : memref<!tpu.dma_semaphore, #tpu.memory_space<semaphore_mem>>) src(%dma_wait3A_310 : memref<80000x128xf32, #tpu.memory_space<hbm>>) dst(%arg10 : memref<64x128xf32, #tpu.memory_space<vmem>>)
      %dma_start3A_311 = arith.constant 0 : i32
      %dma_start3A_312 = tpu.memref_slice %arg7[%add3A_304, %dma_start3A_311] : memref<40x64xi32, #tpu.memory_space<vmem>> -> memref<1x64xi32, #tpu.memory_space<vmem>>
      %dma_start3A_313 = tpu.memref_squeeze %dma_start3A_312 : memref<1x64xi32, #tpu.memory_space<vmem>> -> memref<64xi32, #tpu.memory_space<vmem>>
      %dma_start3A_314 = arith.constant 0 : i32
      %dma_start3A_315 = arith.constant 0 : i32
      %dma_start3A_316 = tpu.memref_slice %arg12[%dma_start3A_314, %dma_start3A_315] : memref<10112x128xf32, #tpu.memory_space<vmem_shared>> -> memref<10112x128xf32, #tpu.memory_space<vmem_shared>>
      tpu.enqueue_indirect_dma source(%arg10 : memref<64x128xf32, #tpu.memory_space<vmem>>) target(%dma_start3A_316 : memref<10112x128xf32, #tpu.memory_space<vmem_shared>>) offsets(%dma_start3A_313 : memref<64xi32, #tpu.memory_space<vmem>>) semaphore(%arg19 : memref<!tpu.dma_semaphore, #tpu.memory_space<semaphore_mem>>) {add = true}
      %mul3A_317 = arith.constant 4 : i32
      %mul3A_318 = arith.muli %scan3A_269, %mul3A_317 : i32
      %add3A_319 = arith.constant 3 : i32
      %add3A_320 = arith.addi %mul3A_318, %add3A_319 : i32
      %dma_wait3A_321 = arith.constant 0 : i32
      %dma_wait3A_322 = tpu.memref_slice %arg6[%add3A_320, %dma_wait3A_321] : memref<40x64xi32, #tpu.memory_space<vmem>> -> memref<1x64xi32, #tpu.memory_space<vmem>>
      %dma_wait3A_323 = tpu.memref_squeeze %dma_wait3A_322 : memref<1x64xi32, #tpu.memory_space<vmem>> -> memref<64xi32, #tpu.memory_space<vmem>>
      %dma_wait3A_324 = arith.constant 0 : i32
      %dma_wait3A_325 = arith.constant 0 : i32
      %dma_wait3A_326 = tpu.memref_slice %arg2[%dma_wait3A_324, %dma_wait3A_325] : memref<80000x128xf32, #tpu.memory_space<hbm>> -> memref<80000x128xf32, #tpu.memory_space<hbm>>
      tpu.wait_indirect_dma semaphore(%arg16 : memref<!tpu.dma_semaphore, #tpu.memory_space<semaphore_mem>>) src(%dma_wait3A_326 : memref<80000x128xf32, #tpu.memory_space<hbm>>) dst(%arg11 : memref<64x128xf32, #tpu.memory_space<vmem>>)
      %dma_start3A_327 = arith.constant 0 : i32
      %dma_start3A_328 = tpu.memref_slice %arg7[%add3A_320, %dma_start3A_327] : memref<40x64xi32, #tpu.memory_space<vmem>> -> memref<1x64xi32, #tpu.memory_space<vmem>>
      %dma_start3A_329 = tpu.memref_squeeze %dma_start3A_328 : memref<1x64xi32, #tpu.memory_space<vmem>> -> memref<64xi32, #tpu.memory_space<vmem>>
      %dma_start3A_330 = arith.constant 0 : i32
      %dma_start3A_331 = arith.constant 0 : i32
      %dma_start3A_332 = tpu.memref_slice %arg12[%dma_start3A_330, %dma_start3A_331] : memref<10112x128xf32, #tpu.memory_space<vmem_shared>> -> memref<10112x128xf32, #tpu.memory_space<vmem_shared>>
      tpu.enqueue_indirect_dma source(%arg11 : memref<64x128xf32, #tpu.memory_space<vmem>>) target(%dma_start3A_332 : memref<10112x128xf32, #tpu.memory_space<vmem_shared>>) offsets(%dma_start3A_329 : memref<64xi32, #tpu.memory_space<vmem>>) semaphore(%arg20 : memref<!tpu.dma_semaphore, #tpu.memory_space<semaphore_mem>>) {add = true}
      %mul3A_333 = arith.constant 4 : i32
      %mul3A_334 = arith.muli %scan3A_269, %mul3A_333 : i32
      %add3A_335 = arith.constant 0 : i32
      %add3A_336 = arith.addi %mul3A_334, %add3A_335 : i32
      %lt3A = arith.constant 9 : i32
      %lt3A_337 = arith.cmpi slt, %scan3A_269, %lt3A : i32
      %convert_element_type3A = arith.extui %lt3A_337 : i1 to i32
      %cond3A = arith.constant 0 : i32
      %cond3A_338 = arith.cmpi ne, %convert_element_type3A, %cond3A : i32
      scf.if %cond3A_338 {
        %dma_wait3A_385 = arith.constant 0 : i32
        %dma_wait3A_386 = tpu.memref_slice %arg7[%add3A_336, %dma_wait3A_385] : memref<40x64xi32, #tpu.memory_space<vmem>> -> memref<1x64xi32, #tpu.memory_space<vmem>>
        %dma_wait3A_387 = tpu.memref_squeeze %dma_wait3A_386 : memref<1x64xi32, #tpu.memory_space<vmem>> -> memref<64xi32, #tpu.memory_space<vmem>>
        %dma_wait3A_388 = arith.constant 0 : i32
        %dma_wait3A_389 = arith.constant 0 : i32
        %dma_wait3A_390 = tpu.memref_slice %arg12[%dma_wait3A_388, %dma_wait3A_389] : memref<10112x128xf32, #tpu.memory_space<vmem_shared>> -> memref<10112x128xf32, #tpu.memory_space<vmem_shared>>
        tpu.wait_indirect_dma semaphore(%arg17 : memref<!tpu.dma_semaphore, #tpu.memory_space<semaphore_mem>>) src(%arg8 : memref<64x128xf32, #tpu.memory_space<vmem>>) dst(%dma_wait3A_390 : memref<10112x128xf32, #tpu.memory_space<vmem_shared>>)
        %add3A_391 = arith.constant 4 : i32
        %add3A_392 = arith.addi %add3A_336, %add3A_391 : i32
        %dma_start3A_393 = arith.constant 0 : i32
        %dma_start3A_394 = tpu.memref_slice %arg6[%add3A_392, %dma_start3A_393] : memref<40x64xi32, #tpu.memory_space<vmem>> -> memref<1x64xi32, #tpu.memory_space<vmem>>
        %dma_start3A_395 = tpu.memref_squeeze %dma_start3A_394 : memref<1x64xi32, #tpu.memory_space<vmem>> -> memref<64xi32, #tpu.memory_space<vmem>>
        %dma_start3A_396 = arith.constant 0 : i32
        %dma_start3A_397 = arith.constant 0 : i32
        %dma_start3A_398 = tpu.memref_slice %arg2[%dma_start3A_396, %dma_start3A_397] : memref<80000x128xf32, #tpu.memory_space<hbm>> -> memref<80000x128xf32, #tpu.memory_space<hbm>>
        tpu.enqueue_indirect_dma source(%dma_start3A_398 : memref<80000x128xf32, #tpu.memory_space<hbm>>) target(%arg8 : memref<64x128xf32, #tpu.memory_space<vmem>>) offsets(%dma_start3A_395 : memref<64xi32, #tpu.memory_space<vmem>>) semaphore(%arg13 : memref<!tpu.dma_semaphore, #tpu.memory_space<semaphore_mem>>)
      } else {
      }
      %eq3A = arith.constant 9 : i32
      %eq3A_339 = arith.cmpi eq, %scan3A_269, %eq3A : i32
      %convert_element_type3A_340 = arith.extui %eq3A_339 : i1 to i32
      %cond3A_341 = arith.constant 0 : i32
      %cond3A_342 = arith.cmpi ne, %convert_element_type3A_340, %cond3A_341 : i32
      scf.if %cond3A_342 {
        %dma_wait3A_385 = arith.constant 0 : i32
        %dma_wait3A_386 = tpu.memref_slice %arg7[%add3A_336, %dma_wait3A_385] : memref<40x64xi32, #tpu.memory_space<vmem>> -> memref<1x64xi32, #tpu.memory_space<vmem>>
        %dma_wait3A_387 = tpu.memref_squeeze %dma_wait3A_386 : memref<1x64xi32, #tpu.memory_space<vmem>> -> memref<64xi32, #tpu.memory_space<vmem>>
        %dma_wait3A_388 = arith.constant 0 : i32
        %dma_wait3A_389 = arith.constant 0 : i32
        %dma_wait3A_390 = tpu.memref_slice %arg12[%dma_wait3A_388, %dma_wait3A_389] : memref<10112x128xf32, #tpu.memory_space<vmem_shared>> -> memref<10112x128xf32, #tpu.memory_space<vmem_shared>>
        tpu.wait_indirect_dma semaphore(%arg17 : memref<!tpu.dma_semaphore, #tpu.memory_space<semaphore_mem>>) src(%arg8 : memref<64x128xf32, #tpu.memory_space<vmem>>) dst(%dma_wait3A_390 : memref<10112x128xf32, #tpu.memory_space<vmem_shared>>)
      } else {
      }
      %mul3A_343 = arith.constant 4 : i32
      %mul3A_344 = arith.muli %scan3A_269, %mul3A_343 : i32
      %add3A_345 = arith.constant 1 : i32
      %add3A_346 = arith.addi %mul3A_344, %add3A_345 : i32
      %lt3A_347 = arith.constant 9 : i32
      %lt3A_348 = arith.cmpi slt, %scan3A_269, %lt3A_347 : i32
      %convert_element_type3A_349 = arith.extui %lt3A_348 : i1 to i32
      %cond3A_350 = arith.constant 0 : i32
      %cond3A_351 = arith.cmpi ne, %convert_element_type3A_349, %cond3A_350 : i32
      scf.if %cond3A_351 {
        %dma_wait3A_385 = arith.constant 0 : i32
        %dma_wait3A_386 = tpu.memref_slice %arg7[%add3A_346, %dma_wait3A_385] : memref<40x64xi32, #tpu.memory_space<vmem>> -> memref<1x64xi32, #tpu.memory_space<vmem>>
        %dma_wait3A_387 = tpu.memref_squeeze %dma_wait3A_386 : memref<1x64xi32, #tpu.memory_space<vmem>> -> memref<64xi32, #tpu.memory_space<vmem>>
        %dma_wait3A_388 = arith.constant 0 : i32
        %dma_wait3A_389 = arith.constant 0 : i32
        %dma_wait3A_390 = tpu.memref_slice %arg12[%dma_wait3A_388, %dma_wait3A_389] : memref<10112x128xf32, #tpu.memory_space<vmem_shared>> -> memref<10112x128xf32, #tpu.memory_space<vmem_shared>>
        tpu.wait_indirect_dma semaphore(%arg18 : memref<!tpu.dma_semaphore, #tpu.memory_space<semaphore_mem>>) src(%arg9 : memref<64x128xf32, #tpu.memory_space<vmem>>) dst(%dma_wait3A_390 : memref<10112x128xf32, #tpu.memory_space<vmem_shared>>)
        %add3A_391 = arith.constant 4 : i32
        %add3A_392 = arith.addi %add3A_346, %add3A_391 : i32
        %dma_start3A_393 = arith.constant 0 : i32
        %dma_start3A_394 = tpu.memref_slice %arg6[%add3A_392, %dma_start3A_393] : memref<40x64xi32, #tpu.memory_space<vmem>> -> memref<1x64xi32, #tpu.memory_space<vmem>>
        %dma_start3A_395 = tpu.memref_squeeze %dma_start3A_394 : memref<1x64xi32, #tpu.memory_space<vmem>> -> memref<64xi32, #tpu.memory_space<vmem>>
        %dma_start3A_396 = arith.constant 0 : i32
        %dma_start3A_397 = arith.constant 0 : i32
        %dma_start3A_398 = tpu.memref_slice %arg2[%dma_start3A_396, %dma_start3A_397] : memref<80000x128xf32, #tpu.memory_space<hbm>> -> memref<80000x128xf32, #tpu.memory_space<hbm>>
        tpu.enqueue_indirect_dma source(%dma_start3A_398 : memref<80000x128xf32, #tpu.memory_space<hbm>>) target(%arg9 : memref<64x128xf32, #tpu.memory_space<vmem>>) offsets(%dma_start3A_395 : memref<64xi32, #tpu.memory_space<vmem>>) semaphore(%arg14 : memref<!tpu.dma_semaphore, #tpu.memory_space<semaphore_mem>>)
      } else {
      }
      %eq3A_352 = arith.constant 9 : i32
      %eq3A_353 = arith.cmpi eq, %scan3A_269, %eq3A_352 : i32
      %convert_element_type3A_354 = arith.extui %eq3A_353 : i1 to i32
      %cond3A_355 = arith.constant 0 : i32
      %cond3A_356 = arith.cmpi ne, %convert_element_type3A_354, %cond3A_355 : i32
      scf.if %cond3A_356 {
        %dma_wait3A_385 = arith.constant 0 : i32
        %dma_wait3A_386 = tpu.memref_slice %arg7[%add3A_346, %dma_wait3A_385] : memref<40x64xi32, #tpu.memory_space<vmem>> -> memref<1x64xi32, #tpu.memory_space<vmem>>
        %dma_wait3A_387 = tpu.memref_squeeze %dma_wait3A_386 : memref<1x64xi32, #tpu.memory_space<vmem>> -> memref<64xi32, #tpu.memory_space<vmem>>
        %dma_wait3A_388 = arith.constant 0 : i32
        %dma_wait3A_389 = arith.constant 0 : i32
        %dma_wait3A_390 = tpu.memref_slice %arg12[%dma_wait3A_388, %dma_wait3A_389] : memref<10112x128xf32, #tpu.memory_space<vmem_shared>> -> memref<10112x128xf32, #tpu.memory_space<vmem_shared>>
        tpu.wait_indirect_dma semaphore(%arg18 : memref<!tpu.dma_semaphore, #tpu.memory_space<semaphore_mem>>) src(%arg9 : memref<64x128xf32, #tpu.memory_space<vmem>>) dst(%dma_wait3A_390 : memref<10112x128xf32, #tpu.memory_space<vmem_shared>>)
      } else {
      }
      %mul3A_357 = arith.constant 4 : i32
      %mul3A_358 = arith.muli %scan3A_269, %mul3A_357 : i32
      %add3A_359 = arith.constant 2 : i32
      %add3A_360 = arith.addi %mul3A_358, %add3A_359 : i32
      %lt3A_361 = arith.constant 9 : i32
      %lt3A_362 = arith.cmpi slt, %scan3A_269, %lt3A_361 : i32
      %convert_element_type3A_363 = arith.extui %lt3A_362 : i1 to i32
      %cond3A_364 = arith.constant 0 : i32
      %cond3A_365 = arith.cmpi ne, %convert_element_type3A_363, %cond3A_364 : i32
      scf.if %cond3A_365 {
        %dma_wait3A_385 = arith.constant 0 : i32
        %dma_wait3A_386 = tpu.memref_slice %arg7[%add3A_360, %dma_wait3A_385] : memref<40x64xi32, #tpu.memory_space<vmem>> -> memref<1x64xi32, #tpu.memory_space<vmem>>
        %dma_wait3A_387 = tpu.memref_squeeze %dma_wait3A_386 : memref<1x64xi32, #tpu.memory_space<vmem>> -> memref<64xi32, #tpu.memory_space<vmem>>
        %dma_wait3A_388 = arith.constant 0 : i32
        %dma_wait3A_389 = arith.constant 0 : i32
        %dma_wait3A_390 = tpu.memref_slice %arg12[%dma_wait3A_388, %dma_wait3A_389] : memref<10112x128xf32, #tpu.memory_space<vmem_shared>> -> memref<10112x128xf32, #tpu.memory_space<vmem_shared>>
        tpu.wait_indirect_dma semaphore(%arg19 : memref<!tpu.dma_semaphore, #tpu.memory_space<semaphore_mem>>) src(%arg10 : memref<64x128xf32, #tpu.memory_space<vmem>>) dst(%dma_wait3A_390 : memref<10112x128xf32, #tpu.memory_space<vmem_shared>>)
        %add3A_391 = arith.constant 4 : i32
        %add3A_392 = arith.addi %add3A_360, %add3A_391 : i32
        %dma_start3A_393 = arith.constant 0 : i32
        %dma_start3A_394 = tpu.memref_slice %arg6[%add3A_392, %dma_start3A_393] : memref<40x64xi32, #tpu.memory_space<vmem>> -> memref<1x64xi32, #tpu.memory_space<vmem>>
        %dma_start3A_395 = tpu.memref_squeeze %dma_start3A_394 : memref<1x64xi32, #tpu.memory_space<vmem>> -> memref<64xi32, #tpu.memory_space<vmem>>
        %dma_start3A_396 = arith.constant 0 : i32
        %dma_start3A_397 = arith.constant 0 : i32
        %dma_start3A_398 = tpu.memref_slice %arg2[%dma_start3A_396, %dma_start3A_397] : memref<80000x128xf32, #tpu.memory_space<hbm>> -> memref<80000x128xf32, #tpu.memory_space<hbm>>
        tpu.enqueue_indirect_dma source(%dma_start3A_398 : memref<80000x128xf32, #tpu.memory_space<hbm>>) target(%arg10 : memref<64x128xf32, #tpu.memory_space<vmem>>) offsets(%dma_start3A_395 : memref<64xi32, #tpu.memory_space<vmem>>) semaphore(%arg15 : memref<!tpu.dma_semaphore, #tpu.memory_space<semaphore_mem>>)
      } else {
      }
      %eq3A_366 = arith.constant 9 : i32
      %eq3A_367 = arith.cmpi eq, %scan3A_269, %eq3A_366 : i32
      %convert_element_type3A_368 = arith.extui %eq3A_367 : i1 to i32
      %cond3A_369 = arith.constant 0 : i32
      %cond3A_370 = arith.cmpi ne, %convert_element_type3A_368, %cond3A_369 : i32
      scf.if %cond3A_370 {
        %dma_wait3A_385 = arith.constant 0 : i32
        %dma_wait3A_386 = tpu.memref_slice %arg7[%add3A_360, %dma_wait3A_385] : memref<40x64xi32, #tpu.memory_space<vmem>> -> memref<1x64xi32, #tpu.memory_space<vmem>>
        %dma_wait3A_387 = tpu.memref_squeeze %dma_wait3A_386 : memref<1x64xi32, #tpu.memory_space<vmem>> -> memref<64xi32, #tpu.memory_space<vmem>>
        %dma_wait3A_388 = arith.constant 0 : i32
        %dma_wait3A_389 = arith.constant 0 : i32
        %dma_wait3A_390 = tpu.memref_slice %arg12[%dma_wait3A_388, %dma_wait3A_389] : memref<10112x128xf32, #tpu.memory_space<vmem_shared>> -> memref<10112x128xf32, #tpu.memory_space<vmem_shared>>
        tpu.wait_indirect_dma semaphore(%arg19 : memref<!tpu.dma_semaphore, #tpu.memory_space<semaphore_mem>>) src(%arg10 : memref<64x128xf32, #tpu.memory_space<vmem>>) dst(%dma_wait3A_390 : memref<10112x128xf32, #tpu.memory_space<vmem_shared>>)
      } else {
      }
      %mul3A_371 = arith.constant 4 : i32
      %mul3A_372 = arith.muli %scan3A_269, %mul3A_371 : i32
      %add3A_373 = arith.constant 3 : i32
      %add3A_374 = arith.addi %mul3A_372, %add3A_373 : i32
      %lt3A_375 = arith.constant 9 : i32
      %lt3A_376 = arith.cmpi slt, %scan3A_269, %lt3A_375 : i32
      %convert_element_type3A_377 = arith.extui %lt3A_376 : i1 to i32
      %cond3A_378 = arith.constant 0 : i32
      %cond3A_379 = arith.cmpi ne, %convert_element_type3A_377, %cond3A_378 : i32
      scf.if %cond3A_379 {
        %dma_wait3A_385 = arith.constant 0 : i32
        %dma_wait3A_386 = tpu.memref_slice %arg7[%add3A_374, %dma_wait3A_385] : memref<40x64xi32, #tpu.memory_space<vmem>> -> memref<1x64xi32, #tpu.memory_space<vmem>>
        %dma_wait3A_387 = tpu.memref_squeeze %dma_wait3A_386 : memref<1x64xi32, #tpu.memory_space<vmem>> -> memref<64xi32, #tpu.memory_space<vmem>>
        %dma_wait3A_388 = arith.constant 0 : i32
        %dma_wait3A_389 = arith.constant 0 : i32
        %dma_wait3A_390 = tpu.memref_slice %arg12[%dma_wait3A_388, %dma_wait3A_389] : memref<10112x128xf32, #tpu.memory_space<vmem_shared>> -> memref<10112x128xf32, #tpu.memory_space<vmem_shared>>
        tpu.wait_indirect_dma semaphore(%arg20 : memref<!tpu.dma_semaphore, #tpu.memory_space<semaphore_mem>>) src(%arg11 : memref<64x128xf32, #tpu.memory_space<vmem>>) dst(%dma_wait3A_390 : memref<10112x128xf32, #tpu.memory_space<vmem_shared>>)
        %add3A_391 = arith.constant 4 : i32
        %add3A_392 = arith.addi %add3A_374, %add3A_391 : i32
        %dma_start3A_393 = arith.constant 0 : i32
        %dma_start3A_394 = tpu.memref_slice %arg6[%add3A_392, %dma_start3A_393] : memref<40x64xi32, #tpu.memory_space<vmem>> -> memref<1x64xi32, #tpu.memory_space<vmem>>
        %dma_start3A_395 = tpu.memref_squeeze %dma_start3A_394 : memref<1x64xi32, #tpu.memory_space<vmem>> -> memref<64xi32, #tpu.memory_space<vmem>>
        %dma_start3A_396 = arith.constant 0 : i32
        %dma_start3A_397 = arith.constant 0 : i32
        %dma_start3A_398 = tpu.memref_slice %arg2[%dma_start3A_396, %dma_start3A_397] : memref<80000x128xf32, #tpu.memory_space<hbm>> -> memref<80000x128xf32, #tpu.memory_space<hbm>>
        tpu.enqueue_indirect_dma source(%dma_start3A_398 : memref<80000x128xf32, #tpu.memory_space<hbm>>) target(%arg11 : memref<64x128xf32, #tpu.memory_space<vmem>>) offsets(%dma_start3A_395 : memref<64xi32, #tpu.memory_space<vmem>>) semaphore(%arg16 : memref<!tpu.dma_semaphore, #tpu.memory_space<semaphore_mem>>)
      } else {
      }
      %eq3A_380 = arith.constant 9 : i32
      %eq3A_381 = arith.cmpi eq, %scan3A_269, %eq3A_380 : i32
      %convert_element_type3A_382 = arith.extui %eq3A_381 : i1 to i32
      %cond3A_383 = arith.constant 0 : i32
      %cond3A_384 = arith.cmpi ne, %convert_element_type3A_382, %cond3A_383 : i32
      scf.if %cond3A_384 {
        %dma_wait3A_385 = arith.constant 0 : i32
        %dma_wait3A_386 = tpu.memref_slice %arg7[%add3A_374, %dma_wait3A_385] : memref<40x64xi32, #tpu.memory_space<vmem>> -> memref<1x64xi32, #tpu.memory_space<vmem>>
        %dma_wait3A_387 = tpu.memref_squeeze %dma_wait3A_386 : memref<1x64xi32, #tpu.memory_space<vmem>> -> memref<64xi32, #tpu.memory_space<vmem>>
        %dma_wait3A_388 = arith.constant 0 : i32
        %dma_wait3A_389 = arith.constant 0 : i32
        %dma_wait3A_390 = tpu.memref_slice %arg12[%dma_wait3A_388, %dma_wait3A_389] : memref<10112x128xf32, #tpu.memory_space<vmem_shared>> -> memref<10112x128xf32, #tpu.memory_space<vmem_shared>>
        tpu.wait_indirect_dma semaphore(%arg20 : memref<!tpu.dma_semaphore, #tpu.memory_space<semaphore_mem>>) src(%arg11 : memref<64x128xf32, #tpu.memory_space<vmem>>) dst(%dma_wait3A_390 : memref<10112x128xf32, #tpu.memory_space<vmem_shared>>)
      } else {
      }
    }
    %scan3A_83 = arith.constant 10 : i32
    %mul3A_84 = arith.constant 160 : i32
    %mul3A_85 = arith.muli %add3A, %mul3A_84 : i32
    %add3A_86 = arith.constant 40 : i32
    %add3A_87 = arith.addi %mul3A_85, %add3A_86 : i32
    "tpu.region"() ({
      %run_scoped3A = tpu.sem_alloc : memref<!tpu.dma_semaphore, #tpu.memory_space<semaphore_mem>>
      %dma_start3A_269 = arith.constant 0 : i32
      %dma_start3A_270 = tpu.memref_slice %arg3[%add3A_87, %dma_start3A_269] : memref<5120x64xi32, #tpu.memory_space<hbm>> -> memref<40x64xi32, #tpu.memory_space<hbm>>
      %dma_start3A_271 = arith.constant 0 : i32
      %dma_start3A_272 = tpu.memref_slice %arg3[%add3A_87, %dma_start3A_271] : memref<5120x64xi32, #tpu.memory_space<hbm>> -> memref<40x64xi32, #tpu.memory_space<hbm>>
      tpu.enqueue_dma source(%dma_start3A_272 : memref<40x64xi32, #tpu.memory_space<hbm>>) target(%arg6 : memref<40x64xi32, #tpu.memory_space<vmem>>) target_semaphore(%run_scoped3A : memref<!tpu.dma_semaphore, #tpu.memory_space<semaphore_mem>>)
      %dma_wait3A = arith.constant 0 : i32
      %dma_wait3A_273 = tpu.memref_slice %arg3[%add3A_87, %dma_wait3A] : memref<5120x64xi32, #tpu.memory_space<hbm>> -> memref<40x64xi32, #tpu.memory_space<hbm>>
      %dma_wait3A_274 = arith.constant 0 : i32
      %dma_wait3A_275 = tpu.memref_slice %arg3[%add3A_87, %dma_wait3A_274] : memref<5120x64xi32, #tpu.memory_space<hbm>> -> memref<40x64xi32, #tpu.memory_space<hbm>>
      tpu.wait_dma2 semaphore(%run_scoped3A : memref<!tpu.dma_semaphore, #tpu.memory_space<semaphore_mem>>) src(%dma_wait3A_275 : memref<40x64xi32, #tpu.memory_space<hbm>>) dst(%arg6 : memref<40x64xi32, #tpu.memory_space<vmem>>)
      tpu.yield
    }) : () -> ()
    "tpu.region"() ({
      %run_scoped3A = tpu.sem_alloc : memref<!tpu.dma_semaphore, #tpu.memory_space<semaphore_mem>>
      %dma_start3A_269 = arith.constant 0 : i32
      %dma_start3A_270 = tpu.memref_slice %arg4[%add3A_87, %dma_start3A_269] : memref<5120x64xi32, #tpu.memory_space<hbm>> -> memref<40x64xi32, #tpu.memory_space<hbm>>
      %dma_start3A_271 = arith.constant 0 : i32
      %dma_start3A_272 = tpu.memref_slice %arg4[%add3A_87, %dma_start3A_271] : memref<5120x64xi32, #tpu.memory_space<hbm>> -> memref<40x64xi32, #tpu.memory_space<hbm>>
      tpu.enqueue_dma source(%dma_start3A_272 : memref<40x64xi32, #tpu.memory_space<hbm>>) target(%arg7 : memref<40x64xi32, #tpu.memory_space<vmem>>) target_semaphore(%run_scoped3A : memref<!tpu.dma_semaphore, #tpu.memory_space<semaphore_mem>>)
      %dma_wait3A = arith.constant 0 : i32
      %dma_wait3A_273 = tpu.memref_slice %arg4[%add3A_87, %dma_wait3A] : memref<5120x64xi32, #tpu.memory_space<hbm>> -> memref<40x64xi32, #tpu.memory_space<hbm>>
      %dma_wait3A_274 = arith.constant 0 : i32
      %dma_wait3A_275 = tpu.memref_slice %arg4[%add3A_87, %dma_wait3A_274] : memref<5120x64xi32, #tpu.memory_space<hbm>> -> memref<40x64xi32, #tpu.memory_space<hbm>>
      tpu.wait_dma2 semaphore(%run_scoped3A : memref<!tpu.dma_semaphore, #tpu.memory_space<semaphore_mem>>) src(%dma_wait3A_275 : memref<40x64xi32, #tpu.memory_space<hbm>>) dst(%arg7 : memref<40x64xi32, #tpu.memory_space<vmem>>)
      tpu.yield
    }) : () -> ()
    %dma_start3A_88 = arith.constant 0 : i32
    %dma_start3A_89 = arith.constant 0 : i32
    %dma_start3A_90 = tpu.memref_slice %arg6[%dma_start3A_88, %dma_start3A_89] : memref<40x64xi32, #tpu.memory_space<vmem>> -> memref<1x64xi32, #tpu.memory_space<vmem>>
    %dma_start3A_91 = tpu.memref_squeeze %dma_start3A_90 : memref<1x64xi32, #tpu.memory_space<vmem>> -> memref<64xi32, #tpu.memory_space<vmem>>
    %dma_start3A_92 = arith.constant 0 : i32
    %dma_start3A_93 = arith.constant 0 : i32
    %dma_start3A_94 = tpu.memref_slice %arg2[%dma_start3A_92, %dma_start3A_93] : memref<80000x128xf32, #tpu.memory_space<hbm>> -> memref<80000x128xf32, #tpu.memory_space<hbm>>
    tpu.enqueue_indirect_dma source(%dma_start3A_94 : memref<80000x128xf32, #tpu.memory_space<hbm>>) target(%arg8 : memref<64x128xf32, #tpu.memory_space<vmem>>) offsets(%dma_start3A_91 : memref<64xi32, #tpu.memory_space<vmem>>) semaphore(%arg13 : memref<!tpu.dma_semaphore, #tpu.memory_space<semaphore_mem>>)
    %dma_start3A_95 = arith.constant 1 : i32
    %dma_start3A_96 = arith.constant 0 : i32
    %dma_start3A_97 = tpu.memref_slice %arg6[%dma_start3A_95, %dma_start3A_96] : memref<40x64xi32, #tpu.memory_space<vmem>> -> memref<1x64xi32, #tpu.memory_space<vmem>>
    %dma_start3A_98 = tpu.memref_squeeze %dma_start3A_97 : memref<1x64xi32, #tpu.memory_space<vmem>> -> memref<64xi32, #tpu.memory_space<vmem>>
    %dma_start3A_99 = arith.constant 0 : i32
    %dma_start3A_100 = arith.constant 0 : i32
    %dma_start3A_101 = tpu.memref_slice %arg2[%dma_start3A_99, %dma_start3A_100] : memref<80000x128xf32, #tpu.memory_space<hbm>> -> memref<80000x128xf32, #tpu.memory_space<hbm>>
    tpu.enqueue_indirect_dma source(%dma_start3A_101 : memref<80000x128xf32, #tpu.memory_space<hbm>>) target(%arg9 : memref<64x128xf32, #tpu.memory_space<vmem>>) offsets(%dma_start3A_98 : memref<64xi32, #tpu.memory_space<vmem>>) semaphore(%arg14 : memref<!tpu.dma_semaphore, #tpu.memory_space<semaphore_mem>>)
    %dma_start3A_102 = arith.constant 2 : i32
    %dma_start3A_103 = arith.constant 0 : i32
    %dma_start3A_104 = tpu.memref_slice %arg6[%dma_start3A_102, %dma_start3A_103] : memref<40x64xi32, #tpu.memory_space<vmem>> -> memref<1x64xi32, #tpu.memory_space<vmem>>
    %dma_start3A_105 = tpu.memref_squeeze %dma_start3A_104 : memref<1x64xi32, #tpu.memory_space<vmem>> -> memref<64xi32, #tpu.memory_space<vmem>>
    %dma_start3A_106 = arith.constant 0 : i32
    %dma_start3A_107 = arith.constant 0 : i32
    %dma_start3A_108 = tpu.memref_slice %arg2[%dma_start3A_106, %dma_start3A_107] : memref<80000x128xf32, #tpu.memory_space<hbm>> -> memref<80000x128xf32, #tpu.memory_space<hbm>>
    tpu.enqueue_indirect_dma source(%dma_start3A_108 : memref<80000x128xf32, #tpu.memory_space<hbm>>) target(%arg10 : memref<64x128xf32, #tpu.memory_space<vmem>>) offsets(%dma_start3A_105 : memref<64xi32, #tpu.memory_space<vmem>>) semaphore(%arg15 : memref<!tpu.dma_semaphore, #tpu.memory_space<semaphore_mem>>)
    %dma_start3A_109 = arith.constant 3 : i32
    %dma_start3A_110 = arith.constant 0 : i32
    %dma_start3A_111 = tpu.memref_slice %arg6[%dma_start3A_109, %dma_start3A_110] : memref<40x64xi32, #tpu.memory_space<vmem>> -> memref<1x64xi32, #tpu.memory_space<vmem>>
    %dma_start3A_112 = tpu.memref_squeeze %dma_start3A_111 : memref<1x64xi32, #tpu.memory_space<vmem>> -> memref<64xi32, #tpu.memory_space<vmem>>
    %dma_start3A_113 = arith.constant 0 : i32
    %dma_start3A_114 = arith.constant 0 : i32
    %dma_start3A_115 = tpu.memref_slice %arg2[%dma_start3A_113, %dma_start3A_114] : memref<80000x128xf32, #tpu.memory_space<hbm>> -> memref<80000x128xf32, #tpu.memory_space<hbm>>
    tpu.enqueue_indirect_dma source(%dma_start3A_115 : memref<80000x128xf32, #tpu.memory_space<hbm>>) target(%arg11 : memref<64x128xf32, #tpu.memory_space<vmem>>) offsets(%dma_start3A_112 : memref<64xi32, #tpu.memory_space<vmem>>) semaphore(%arg16 : memref<!tpu.dma_semaphore, #tpu.memory_space<semaphore_mem>>)
    %scan3A_116 = arith.constant 0 : i32
    %scan3A_117 = arith.constant 0 : i32
    %scan3A_118 = arith.constant 10 : i32
    %scan3A_119 = arith.addi %scan3A_117, %scan3A_118 : i32
    %scan3A_120 = arith.constant 1 : i32
    scf.for %scan3A_269 = %scan3A_117 to %scan3A_119 step %scan3A_120  : i32 {
      %mul3A_270 = arith.constant 4 : i32
      %mul3A_271 = arith.muli %scan3A_269, %mul3A_270 : i32
      %add3A_272 = arith.constant 0 : i32
      %add3A_273 = arith.addi %mul3A_271, %add3A_272 : i32
      %dma_wait3A = arith.constant 0 : i32
      %dma_wait3A_274 = tpu.memref_slice %arg6[%add3A_273, %dma_wait3A] : memref<40x64xi32, #tpu.memory_space<vmem>> -> memref<1x64xi32, #tpu.memory_space<vmem>>
      %dma_wait3A_275 = tpu.memref_squeeze %dma_wait3A_274 : memref<1x64xi32, #tpu.memory_space<vmem>> -> memref<64xi32, #tpu.memory_space<vmem>>
      %dma_wait3A_276 = arith.constant 0 : i32
      %dma_wait3A_277 = arith.constant 0 : i32
      %dma_wait3A_278 = tpu.memref_slice %arg2[%dma_wait3A_276, %dma_wait3A_277] : memref<80000x128xf32, #tpu.memory_space<hbm>> -> memref<80000x128xf32, #tpu.memory_space<hbm>>
      tpu.wait_indirect_dma semaphore(%arg13 : memref<!tpu.dma_semaphore, #tpu.memory_space<semaphore_mem>>) src(%dma_wait3A_278 : memref<80000x128xf32, #tpu.memory_space<hbm>>) dst(%arg8 : memref<64x128xf32, #tpu.memory_space<vmem>>)
      %dma_start3A_279 = arith.constant 0 : i32
      %dma_start3A_280 = tpu.memref_slice %arg7[%add3A_273, %dma_start3A_279] : memref<40x64xi32, #tpu.memory_space<vmem>> -> memref<1x64xi32, #tpu.memory_space<vmem>>
      %dma_start3A_281 = tpu.memref_squeeze %dma_start3A_280 : memref<1x64xi32, #tpu.memory_space<vmem>> -> memref<64xi32, #tpu.memory_space<vmem>>
      %dma_start3A_282 = arith.constant 0 : i32
      %dma_start3A_283 = arith.constant 0 : i32
      %dma_start3A_284 = tpu.memref_slice %arg12[%dma_start3A_282, %dma_start3A_283] : memref<10112x128xf32, #tpu.memory_space<vmem_shared>> -> memref<10112x128xf32, #tpu.memory_space<vmem_shared>>
      tpu.enqueue_indirect_dma source(%arg8 : memref<64x128xf32, #tpu.memory_space<vmem>>) target(%dma_start3A_284 : memref<10112x128xf32, #tpu.memory_space<vmem_shared>>) offsets(%dma_start3A_281 : memref<64xi32, #tpu.memory_space<vmem>>) semaphore(%arg17 : memref<!tpu.dma_semaphore, #tpu.memory_space<semaphore_mem>>) {add = true}
      %mul3A_285 = arith.constant 4 : i32
      %mul3A_286 = arith.muli %scan3A_269, %mul3A_285 : i32
      %add3A_287 = arith.constant 1 : i32
      %add3A_288 = arith.addi %mul3A_286, %add3A_287 : i32
      %dma_wait3A_289 = arith.constant 0 : i32
      %dma_wait3A_290 = tpu.memref_slice %arg6[%add3A_288, %dma_wait3A_289] : memref<40x64xi32, #tpu.memory_space<vmem>> -> memref<1x64xi32, #tpu.memory_space<vmem>>
      %dma_wait3A_291 = tpu.memref_squeeze %dma_wait3A_290 : memref<1x64xi32, #tpu.memory_space<vmem>> -> memref<64xi32, #tpu.memory_space<vmem>>
      %dma_wait3A_292 = arith.constant 0 : i32
      %dma_wait3A_293 = arith.constant 0 : i32
      %dma_wait3A_294 = tpu.memref_slice %arg2[%dma_wait3A_292, %dma_wait3A_293] : memref<80000x128xf32, #tpu.memory_space<hbm>> -> memref<80000x128xf32, #tpu.memory_space<hbm>>
      tpu.wait_indirect_dma semaphore(%arg14 : memref<!tpu.dma_semaphore, #tpu.memory_space<semaphore_mem>>) src(%dma_wait3A_294 : memref<80000x128xf32, #tpu.memory_space<hbm>>) dst(%arg9 : memref<64x128xf32, #tpu.memory_space<vmem>>)
      %dma_start3A_295 = arith.constant 0 : i32
      %dma_start3A_296 = tpu.memref_slice %arg7[%add3A_288, %dma_start3A_295] : memref<40x64xi32, #tpu.memory_space<vmem>> -> memref<1x64xi32, #tpu.memory_space<vmem>>
      %dma_start3A_297 = tpu.memref_squeeze %dma_start3A_296 : memref<1x64xi32, #tpu.memory_space<vmem>> -> memref<64xi32, #tpu.memory_space<vmem>>
      %dma_start3A_298 = arith.constant 0 : i32
      %dma_start3A_299 = arith.constant 0 : i32
      %dma_start3A_300 = tpu.memref_slice %arg12[%dma_start3A_298, %dma_start3A_299] : memref<10112x128xf32, #tpu.memory_space<vmem_shared>> -> memref<10112x128xf32, #tpu.memory_space<vmem_shared>>
      tpu.enqueue_indirect_dma source(%arg9 : memref<64x128xf32, #tpu.memory_space<vmem>>) target(%dma_start3A_300 : memref<10112x128xf32, #tpu.memory_space<vmem_shared>>) offsets(%dma_start3A_297 : memref<64xi32, #tpu.memory_space<vmem>>) semaphore(%arg18 : memref<!tpu.dma_semaphore, #tpu.memory_space<semaphore_mem>>) {add = true}
      %mul3A_301 = arith.constant 4 : i32
      %mul3A_302 = arith.muli %scan3A_269, %mul3A_301 : i32
      %add3A_303 = arith.constant 2 : i32
      %add3A_304 = arith.addi %mul3A_302, %add3A_303 : i32
      %dma_wait3A_305 = arith.constant 0 : i32
      %dma_wait3A_306 = tpu.memref_slice %arg6[%add3A_304, %dma_wait3A_305] : memref<40x64xi32, #tpu.memory_space<vmem>> -> memref<1x64xi32, #tpu.memory_space<vmem>>
      %dma_wait3A_307 = tpu.memref_squeeze %dma_wait3A_306 : memref<1x64xi32, #tpu.memory_space<vmem>> -> memref<64xi32, #tpu.memory_space<vmem>>
      %dma_wait3A_308 = arith.constant 0 : i32
      %dma_wait3A_309 = arith.constant 0 : i32
      %dma_wait3A_310 = tpu.memref_slice %arg2[%dma_wait3A_308, %dma_wait3A_309] : memref<80000x128xf32, #tpu.memory_space<hbm>> -> memref<80000x128xf32, #tpu.memory_space<hbm>>
      tpu.wait_indirect_dma semaphore(%arg15 : memref<!tpu.dma_semaphore, #tpu.memory_space<semaphore_mem>>) src(%dma_wait3A_310 : memref<80000x128xf32, #tpu.memory_space<hbm>>) dst(%arg10 : memref<64x128xf32, #tpu.memory_space<vmem>>)
      %dma_start3A_311 = arith.constant 0 : i32
      %dma_start3A_312 = tpu.memref_slice %arg7[%add3A_304, %dma_start3A_311] : memref<40x64xi32, #tpu.memory_space<vmem>> -> memref<1x64xi32, #tpu.memory_space<vmem>>
      %dma_start3A_313 = tpu.memref_squeeze %dma_start3A_312 : memref<1x64xi32, #tpu.memory_space<vmem>> -> memref<64xi32, #tpu.memory_space<vmem>>
      %dma_start3A_314 = arith.constant 0 : i32
      %dma_start3A_315 = arith.constant 0 : i32
      %dma_start3A_316 = tpu.memref_slice %arg12[%dma_start3A_314, %dma_start3A_315] : memref<10112x128xf32, #tpu.memory_space<vmem_shared>> -> memref<10112x128xf32, #tpu.memory_space<vmem_shared>>
      tpu.enqueue_indirect_dma source(%arg10 : memref<64x128xf32, #tpu.memory_space<vmem>>) target(%dma_start3A_316 : memref<10112x128xf32, #tpu.memory_space<vmem_shared>>) offsets(%dma_start3A_313 : memref<64xi32, #tpu.memory_space<vmem>>) semaphore(%arg19 : memref<!tpu.dma_semaphore, #tpu.memory_space<semaphore_mem>>) {add = true}
      %mul3A_317 = arith.constant 4 : i32
      %mul3A_318 = arith.muli %scan3A_269, %mul3A_317 : i32
      %add3A_319 = arith.constant 3 : i32
      %add3A_320 = arith.addi %mul3A_318, %add3A_319 : i32
      %dma_wait3A_321 = arith.constant 0 : i32
      %dma_wait3A_322 = tpu.memref_slice %arg6[%add3A_320, %dma_wait3A_321] : memref<40x64xi32, #tpu.memory_space<vmem>> -> memref<1x64xi32, #tpu.memory_space<vmem>>
      %dma_wait3A_323 = tpu.memref_squeeze %dma_wait3A_322 : memref<1x64xi32, #tpu.memory_space<vmem>> -> memref<64xi32, #tpu.memory_space<vmem>>
      %dma_wait3A_324 = arith.constant 0 : i32
      %dma_wait3A_325 = arith.constant 0 : i32
      %dma_wait3A_326 = tpu.memref_slice %arg2[%dma_wait3A_324, %dma_wait3A_325] : memref<80000x128xf32, #tpu.memory_space<hbm>> -> memref<80000x128xf32, #tpu.memory_space<hbm>>
      tpu.wait_indirect_dma semaphore(%arg16 : memref<!tpu.dma_semaphore, #tpu.memory_space<semaphore_mem>>) src(%dma_wait3A_326 : memref<80000x128xf32, #tpu.memory_space<hbm>>) dst(%arg11 : memref<64x128xf32, #tpu.memory_space<vmem>>)
      %dma_start3A_327 = arith.constant 0 : i32
      %dma_start3A_328 = tpu.memref_slice %arg7[%add3A_320, %dma_start3A_327] : memref<40x64xi32, #tpu.memory_space<vmem>> -> memref<1x64xi32, #tpu.memory_space<vmem>>
      %dma_start3A_329 = tpu.memref_squeeze %dma_start3A_328 : memref<1x64xi32, #tpu.memory_space<vmem>> -> memref<64xi32, #tpu.memory_space<vmem>>
      %dma_start3A_330 = arith.constant 0 : i32
      %dma_start3A_331 = arith.constant 0 : i32
      %dma_start3A_332 = tpu.memref_slice %arg12[%dma_start3A_330, %dma_start3A_331] : memref<10112x128xf32, #tpu.memory_space<vmem_shared>> -> memref<10112x128xf32, #tpu.memory_space<vmem_shared>>
      tpu.enqueue_indirect_dma source(%arg11 : memref<64x128xf32, #tpu.memory_space<vmem>>) target(%dma_start3A_332 : memref<10112x128xf32, #tpu.memory_space<vmem_shared>>) offsets(%dma_start3A_329 : memref<64xi32, #tpu.memory_space<vmem>>) semaphore(%arg20 : memref<!tpu.dma_semaphore, #tpu.memory_space<semaphore_mem>>) {add = true}
      %mul3A_333 = arith.constant 4 : i32
      %mul3A_334 = arith.muli %scan3A_269, %mul3A_333 : i32
      %add3A_335 = arith.constant 0 : i32
      %add3A_336 = arith.addi %mul3A_334, %add3A_335 : i32
      %lt3A = arith.constant 9 : i32
      %lt3A_337 = arith.cmpi slt, %scan3A_269, %lt3A : i32
      %convert_element_type3A = arith.extui %lt3A_337 : i1 to i32
      %cond3A = arith.constant 0 : i32
      %cond3A_338 = arith.cmpi ne, %convert_element_type3A, %cond3A : i32
      scf.if %cond3A_338 {
        %dma_wait3A_385 = arith.constant 0 : i32
        %dma_wait3A_386 = tpu.memref_slice %arg7[%add3A_336, %dma_wait3A_385] : memref<40x64xi32, #tpu.memory_space<vmem>> -> memref<1x64xi32, #tpu.memory_space<vmem>>
        %dma_wait3A_387 = tpu.memref_squeeze %dma_wait3A_386 : memref<1x64xi32, #tpu.memory_space<vmem>> -> memref<64xi32, #tpu.memory_space<vmem>>
        %dma_wait3A_388 = arith.constant 0 : i32
        %dma_wait3A_389 = arith.constant 0 : i32
        %dma_wait3A_390 = tpu.memref_slice %arg12[%dma_wait3A_388, %dma_wait3A_389] : memref<10112x128xf32, #tpu.memory_space<vmem_shared>> -> memref<10112x128xf32, #tpu.memory_space<vmem_shared>>
        tpu.wait_indirect_dma semaphore(%arg17 : memref<!tpu.dma_semaphore, #tpu.memory_space<semaphore_mem>>) src(%arg8 : memref<64x128xf32, #tpu.memory_space<vmem>>) dst(%dma_wait3A_390 : memref<10112x128xf32, #tpu.memory_space<vmem_shared>>)
        %add3A_391 = arith.constant 4 : i32
        %add3A_392 = arith.addi %add3A_336, %add3A_391 : i32
        %dma_start3A_393 = arith.constant 0 : i32
        %dma_start3A_394 = tpu.memref_slice %arg6[%add3A_392, %dma_start3A_393] : memref<40x64xi32, #tpu.memory_space<vmem>> -> memref<1x64xi32, #tpu.memory_space<vmem>>
        %dma_start3A_395 = tpu.memref_squeeze %dma_start3A_394 : memref<1x64xi32, #tpu.memory_space<vmem>> -> memref<64xi32, #tpu.memory_space<vmem>>
        %dma_start3A_396 = arith.constant 0 : i32
        %dma_start3A_397 = arith.constant 0 : i32
        %dma_start3A_398 = tpu.memref_slice %arg2[%dma_start3A_396, %dma_start3A_397] : memref<80000x128xf32, #tpu.memory_space<hbm>> -> memref<80000x128xf32, #tpu.memory_space<hbm>>
        tpu.enqueue_indirect_dma source(%dma_start3A_398 : memref<80000x128xf32, #tpu.memory_space<hbm>>) target(%arg8 : memref<64x128xf32, #tpu.memory_space<vmem>>) offsets(%dma_start3A_395 : memref<64xi32, #tpu.memory_space<vmem>>) semaphore(%arg13 : memref<!tpu.dma_semaphore, #tpu.memory_space<semaphore_mem>>)
      } else {
      }
      %eq3A = arith.constant 9 : i32
      %eq3A_339 = arith.cmpi eq, %scan3A_269, %eq3A : i32
      %convert_element_type3A_340 = arith.extui %eq3A_339 : i1 to i32
      %cond3A_341 = arith.constant 0 : i32
      %cond3A_342 = arith.cmpi ne, %convert_element_type3A_340, %cond3A_341 : i32
      scf.if %cond3A_342 {
        %dma_wait3A_385 = arith.constant 0 : i32
        %dma_wait3A_386 = tpu.memref_slice %arg7[%add3A_336, %dma_wait3A_385] : memref<40x64xi32, #tpu.memory_space<vmem>> -> memref<1x64xi32, #tpu.memory_space<vmem>>
        %dma_wait3A_387 = tpu.memref_squeeze %dma_wait3A_386 : memref<1x64xi32, #tpu.memory_space<vmem>> -> memref<64xi32, #tpu.memory_space<vmem>>
        %dma_wait3A_388 = arith.constant 0 : i32
        %dma_wait3A_389 = arith.constant 0 : i32
        %dma_wait3A_390 = tpu.memref_slice %arg12[%dma_wait3A_388, %dma_wait3A_389] : memref<10112x128xf32, #tpu.memory_space<vmem_shared>> -> memref<10112x128xf32, #tpu.memory_space<vmem_shared>>
        tpu.wait_indirect_dma semaphore(%arg17 : memref<!tpu.dma_semaphore, #tpu.memory_space<semaphore_mem>>) src(%arg8 : memref<64x128xf32, #tpu.memory_space<vmem>>) dst(%dma_wait3A_390 : memref<10112x128xf32, #tpu.memory_space<vmem_shared>>)
      } else {
      }
      %mul3A_343 = arith.constant 4 : i32
      %mul3A_344 = arith.muli %scan3A_269, %mul3A_343 : i32
      %add3A_345 = arith.constant 1 : i32
      %add3A_346 = arith.addi %mul3A_344, %add3A_345 : i32
      %lt3A_347 = arith.constant 9 : i32
      %lt3A_348 = arith.cmpi slt, %scan3A_269, %lt3A_347 : i32
      %convert_element_type3A_349 = arith.extui %lt3A_348 : i1 to i32
      %cond3A_350 = arith.constant 0 : i32
      %cond3A_351 = arith.cmpi ne, %convert_element_type3A_349, %cond3A_350 : i32
      scf.if %cond3A_351 {
        %dma_wait3A_385 = arith.constant 0 : i32
        %dma_wait3A_386 = tpu.memref_slice %arg7[%add3A_346, %dma_wait3A_385] : memref<40x64xi32, #tpu.memory_space<vmem>> -> memref<1x64xi32, #tpu.memory_space<vmem>>
        %dma_wait3A_387 = tpu.memref_squeeze %dma_wait3A_386 : memref<1x64xi32, #tpu.memory_space<vmem>> -> memref<64xi32, #tpu.memory_space<vmem>>
        %dma_wait3A_388 = arith.constant 0 : i32
        %dma_wait3A_389 = arith.constant 0 : i32
        %dma_wait3A_390 = tpu.memref_slice %arg12[%dma_wait3A_388, %dma_wait3A_389] : memref<10112x128xf32, #tpu.memory_space<vmem_shared>> -> memref<10112x128xf32, #tpu.memory_space<vmem_shared>>
        tpu.wait_indirect_dma semaphore(%arg18 : memref<!tpu.dma_semaphore, #tpu.memory_space<semaphore_mem>>) src(%arg9 : memref<64x128xf32, #tpu.memory_space<vmem>>) dst(%dma_wait3A_390 : memref<10112x128xf32, #tpu.memory_space<vmem_shared>>)
        %add3A_391 = arith.constant 4 : i32
        %add3A_392 = arith.addi %add3A_346, %add3A_391 : i32
        %dma_start3A_393 = arith.constant 0 : i32
        %dma_start3A_394 = tpu.memref_slice %arg6[%add3A_392, %dma_start3A_393] : memref<40x64xi32, #tpu.memory_space<vmem>> -> memref<1x64xi32, #tpu.memory_space<vmem>>
        %dma_start3A_395 = tpu.memref_squeeze %dma_start3A_394 : memref<1x64xi32, #tpu.memory_space<vmem>> -> memref<64xi32, #tpu.memory_space<vmem>>
        %dma_start3A_396 = arith.constant 0 : i32
        %dma_start3A_397 = arith.constant 0 : i32
        %dma_start3A_398 = tpu.memref_slice %arg2[%dma_start3A_396, %dma_start3A_397] : memref<80000x128xf32, #tpu.memory_space<hbm>> -> memref<80000x128xf32, #tpu.memory_space<hbm>>
        tpu.enqueue_indirect_dma source(%dma_start3A_398 : memref<80000x128xf32, #tpu.memory_space<hbm>>) target(%arg9 : memref<64x128xf32, #tpu.memory_space<vmem>>) offsets(%dma_start3A_395 : memref<64xi32, #tpu.memory_space<vmem>>) semaphore(%arg14 : memref<!tpu.dma_semaphore, #tpu.memory_space<semaphore_mem>>)
      } else {
      }
      %eq3A_352 = arith.constant 9 : i32
      %eq3A_353 = arith.cmpi eq, %scan3A_269, %eq3A_352 : i32
      %convert_element_type3A_354 = arith.extui %eq3A_353 : i1 to i32
      %cond3A_355 = arith.constant 0 : i32
      %cond3A_356 = arith.cmpi ne, %convert_element_type3A_354, %cond3A_355 : i32
      scf.if %cond3A_356 {
        %dma_wait3A_385 = arith.constant 0 : i32
        %dma_wait3A_386 = tpu.memref_slice %arg7[%add3A_346, %dma_wait3A_385] : memref<40x64xi32, #tpu.memory_space<vmem>> -> memref<1x64xi32, #tpu.memory_space<vmem>>
        %dma_wait3A_387 = tpu.memref_squeeze %dma_wait3A_386 : memref<1x64xi32, #tpu.memory_space<vmem>> -> memref<64xi32, #tpu.memory_space<vmem>>
        %dma_wait3A_388 = arith.constant 0 : i32
        %dma_wait3A_389 = arith.constant 0 : i32
        %dma_wait3A_390 = tpu.memref_slice %arg12[%dma_wait3A_388, %dma_wait3A_389] : memref<10112x128xf32, #tpu.memory_space<vmem_shared>> -> memref<10112x128xf32, #tpu.memory_space<vmem_shared>>
        tpu.wait_indirect_dma semaphore(%arg18 : memref<!tpu.dma_semaphore, #tpu.memory_space<semaphore_mem>>) src(%arg9 : memref<64x128xf32, #tpu.memory_space<vmem>>) dst(%dma_wait3A_390 : memref<10112x128xf32, #tpu.memory_space<vmem_shared>>)
      } else {
      }
      %mul3A_357 = arith.constant 4 : i32
      %mul3A_358 = arith.muli %scan3A_269, %mul3A_357 : i32
      %add3A_359 = arith.constant 2 : i32
      %add3A_360 = arith.addi %mul3A_358, %add3A_359 : i32
      %lt3A_361 = arith.constant 9 : i32
      %lt3A_362 = arith.cmpi slt, %scan3A_269, %lt3A_361 : i32
      %convert_element_type3A_363 = arith.extui %lt3A_362 : i1 to i32
      %cond3A_364 = arith.constant 0 : i32
      %cond3A_365 = arith.cmpi ne, %convert_element_type3A_363, %cond3A_364 : i32
      scf.if %cond3A_365 {
        %dma_wait3A_385 = arith.constant 0 : i32
        %dma_wait3A_386 = tpu.memref_slice %arg7[%add3A_360, %dma_wait3A_385] : memref<40x64xi32, #tpu.memory_space<vmem>> -> memref<1x64xi32, #tpu.memory_space<vmem>>
        %dma_wait3A_387 = tpu.memref_squeeze %dma_wait3A_386 : memref<1x64xi32, #tpu.memory_space<vmem>> -> memref<64xi32, #tpu.memory_space<vmem>>
        %dma_wait3A_388 = arith.constant 0 : i32
        %dma_wait3A_389 = arith.constant 0 : i32
        %dma_wait3A_390 = tpu.memref_slice %arg12[%dma_wait3A_388, %dma_wait3A_389] : memref<10112x128xf32, #tpu.memory_space<vmem_shared>> -> memref<10112x128xf32, #tpu.memory_space<vmem_shared>>
        tpu.wait_indirect_dma semaphore(%arg19 : memref<!tpu.dma_semaphore, #tpu.memory_space<semaphore_mem>>) src(%arg10 : memref<64x128xf32, #tpu.memory_space<vmem>>) dst(%dma_wait3A_390 : memref<10112x128xf32, #tpu.memory_space<vmem_shared>>)
        %add3A_391 = arith.constant 4 : i32
        %add3A_392 = arith.addi %add3A_360, %add3A_391 : i32
        %dma_start3A_393 = arith.constant 0 : i32
        %dma_start3A_394 = tpu.memref_slice %arg6[%add3A_392, %dma_start3A_393] : memref<40x64xi32, #tpu.memory_space<vmem>> -> memref<1x64xi32, #tpu.memory_space<vmem>>
        %dma_start3A_395 = tpu.memref_squeeze %dma_start3A_394 : memref<1x64xi32, #tpu.memory_space<vmem>> -> memref<64xi32, #tpu.memory_space<vmem>>
        %dma_start3A_396 = arith.constant 0 : i32
        %dma_start3A_397 = arith.constant 0 : i32
        %dma_start3A_398 = tpu.memref_slice %arg2[%dma_start3A_396, %dma_start3A_397] : memref<80000x128xf32, #tpu.memory_space<hbm>> -> memref<80000x128xf32, #tpu.memory_space<hbm>>
        tpu.enqueue_indirect_dma source(%dma_start3A_398 : memref<80000x128xf32, #tpu.memory_space<hbm>>) target(%arg10 : memref<64x128xf32, #tpu.memory_space<vmem>>) offsets(%dma_start3A_395 : memref<64xi32, #tpu.memory_space<vmem>>) semaphore(%arg15 : memref<!tpu.dma_semaphore, #tpu.memory_space<semaphore_mem>>)
      } else {
      }
      %eq3A_366 = arith.constant 9 : i32
      %eq3A_367 = arith.cmpi eq, %scan3A_269, %eq3A_366 : i32
      %convert_element_type3A_368 = arith.extui %eq3A_367 : i1 to i32
      %cond3A_369 = arith.constant 0 : i32
      %cond3A_370 = arith.cmpi ne, %convert_element_type3A_368, %cond3A_369 : i32
      scf.if %cond3A_370 {
        %dma_wait3A_385 = arith.constant 0 : i32
        %dma_wait3A_386 = tpu.memref_slice %arg7[%add3A_360, %dma_wait3A_385] : memref<40x64xi32, #tpu.memory_space<vmem>> -> memref<1x64xi32, #tpu.memory_space<vmem>>
        %dma_wait3A_387 = tpu.memref_squeeze %dma_wait3A_386 : memref<1x64xi32, #tpu.memory_space<vmem>> -> memref<64xi32, #tpu.memory_space<vmem>>
        %dma_wait3A_388 = arith.constant 0 : i32
        %dma_wait3A_389 = arith.constant 0 : i32
        %dma_wait3A_390 = tpu.memref_slice %arg12[%dma_wait3A_388, %dma_wait3A_389] : memref<10112x128xf32, #tpu.memory_space<vmem_shared>> -> memref<10112x128xf32, #tpu.memory_space<vmem_shared>>
        tpu.wait_indirect_dma semaphore(%arg19 : memref<!tpu.dma_semaphore, #tpu.memory_space<semaphore_mem>>) src(%arg10 : memref<64x128xf32, #tpu.memory_space<vmem>>) dst(%dma_wait3A_390 : memref<10112x128xf32, #tpu.memory_space<vmem_shared>>)
      } else {
      }
      %mul3A_371 = arith.constant 4 : i32
      %mul3A_372 = arith.muli %scan3A_269, %mul3A_371 : i32
      %add3A_373 = arith.constant 3 : i32
      %add3A_374 = arith.addi %mul3A_372, %add3A_373 : i32
      %lt3A_375 = arith.constant 9 : i32
      %lt3A_376 = arith.cmpi slt, %scan3A_269, %lt3A_375 : i32
      %convert_element_type3A_377 = arith.extui %lt3A_376 : i1 to i32
      %cond3A_378 = arith.constant 0 : i32
      %cond3A_379 = arith.cmpi ne, %convert_element_type3A_377, %cond3A_378 : i32
      scf.if %cond3A_379 {
        %dma_wait3A_385 = arith.constant 0 : i32
        %dma_wait3A_386 = tpu.memref_slice %arg7[%add3A_374, %dma_wait3A_385] : memref<40x64xi32, #tpu.memory_space<vmem>> -> memref<1x64xi32, #tpu.memory_space<vmem>>
        %dma_wait3A_387 = tpu.memref_squeeze %dma_wait3A_386 : memref<1x64xi32, #tpu.memory_space<vmem>> -> memref<64xi32, #tpu.memory_space<vmem>>
        %dma_wait3A_388 = arith.constant 0 : i32
        %dma_wait3A_389 = arith.constant 0 : i32
        %dma_wait3A_390 = tpu.memref_slice %arg12[%dma_wait3A_388, %dma_wait3A_389] : memref<10112x128xf32, #tpu.memory_space<vmem_shared>> -> memref<10112x128xf32, #tpu.memory_space<vmem_shared>>
        tpu.wait_indirect_dma semaphore(%arg20 : memref<!tpu.dma_semaphore, #tpu.memory_space<semaphore_mem>>) src(%arg11 : memref<64x128xf32, #tpu.memory_space<vmem>>) dst(%dma_wait3A_390 : memref<10112x128xf32, #tpu.memory_space<vmem_shared>>)
        %add3A_391 = arith.constant 4 : i32
        %add3A_392 = arith.addi %add3A_374, %add3A_391 : i32
        %dma_start3A_393 = arith.constant 0 : i32
        %dma_start3A_394 = tpu.memref_slice %arg6[%add3A_392, %dma_start3A_393] : memref<40x64xi32, #tpu.memory_space<vmem>> -> memref<1x64xi32, #tpu.memory_space<vmem>>
        %dma_start3A_395 = tpu.memref_squeeze %dma_start3A_394 : memref<1x64xi32, #tpu.memory_space<vmem>> -> memref<64xi32, #tpu.memory_space<vmem>>
        %dma_start3A_396 = arith.constant 0 : i32
        %dma_start3A_397 = arith.constant 0 : i32
        %dma_start3A_398 = tpu.memref_slice %arg2[%dma_start3A_396, %dma_start3A_397] : memref<80000x128xf32, #tpu.memory_space<hbm>> -> memref<80000x128xf32, #tpu.memory_space<hbm>>
        tpu.enqueue_indirect_dma source(%dma_start3A_398 : memref<80000x128xf32, #tpu.memory_space<hbm>>) target(%arg11 : memref<64x128xf32, #tpu.memory_space<vmem>>) offsets(%dma_start3A_395 : memref<64xi32, #tpu.memory_space<vmem>>) semaphore(%arg16 : memref<!tpu.dma_semaphore, #tpu.memory_space<semaphore_mem>>)
      } else {
      }
      %eq3A_380 = arith.constant 9 : i32
      %eq3A_381 = arith.cmpi eq, %scan3A_269, %eq3A_380 : i32
      %convert_element_type3A_382 = arith.extui %eq3A_381 : i1 to i32
      %cond3A_383 = arith.constant 0 : i32
      %cond3A_384 = arith.cmpi ne, %convert_element_type3A_382, %cond3A_383 : i32
      scf.if %cond3A_384 {
        %dma_wait3A_385 = arith.constant 0 : i32
        %dma_wait3A_386 = tpu.memref_slice %arg7[%add3A_374, %dma_wait3A_385] : memref<40x64xi32, #tpu.memory_space<vmem>> -> memref<1x64xi32, #tpu.memory_space<vmem>>
        %dma_wait3A_387 = tpu.memref_squeeze %dma_wait3A_386 : memref<1x64xi32, #tpu.memory_space<vmem>> -> memref<64xi32, #tpu.memory_space<vmem>>
        %dma_wait3A_388 = arith.constant 0 : i32
        %dma_wait3A_389 = arith.constant 0 : i32
        %dma_wait3A_390 = tpu.memref_slice %arg12[%dma_wait3A_388, %dma_wait3A_389] : memref<10112x128xf32, #tpu.memory_space<vmem_shared>> -> memref<10112x128xf32, #tpu.memory_space<vmem_shared>>
        tpu.wait_indirect_dma semaphore(%arg20 : memref<!tpu.dma_semaphore, #tpu.memory_space<semaphore_mem>>) src(%arg11 : memref<64x128xf32, #tpu.memory_space<vmem>>) dst(%dma_wait3A_390 : memref<10112x128xf32, #tpu.memory_space<vmem_shared>>)
      } else {
      }
    }
    %scan3A_121 = arith.constant 10 : i32
    %mul3A_122 = arith.constant 160 : i32
    %mul3A_123 = arith.muli %add3A, %mul3A_122 : i32
    %add3A_124 = arith.constant 80 : i32
    %add3A_125 = arith.addi %mul3A_123, %add3A_124 : i32
    "tpu.region"() ({
      %run_scoped3A = tpu.sem_alloc : memref<!tpu.dma_semaphore, #tpu.memory_space<semaphore_mem>>
      %dma_start3A_269 = arith.constant 0 : i32
      %dma_start3A_270 = tpu.memref_slice %arg3[%add3A_125, %dma_start3A_269] : memref<5120x64xi32, #tpu.memory_space<hbm>> -> memref<40x64xi32, #tpu.memory_space<hbm>>
      %dma_start3A_271 = arith.constant 0 : i32
      %dma_start3A_272 = tpu.memref_slice %arg3[%add3A_125, %dma_start3A_271] : memref<5120x64xi32, #tpu.memory_space<hbm>> -> memref<40x64xi32, #tpu.memory_space<hbm>>
      tpu.enqueue_dma source(%dma_start3A_272 : memref<40x64xi32, #tpu.memory_space<hbm>>) target(%arg6 : memref<40x64xi32, #tpu.memory_space<vmem>>) target_semaphore(%run_scoped3A : memref<!tpu.dma_semaphore, #tpu.memory_space<semaphore_mem>>)
      %dma_wait3A = arith.constant 0 : i32
      %dma_wait3A_273 = tpu.memref_slice %arg3[%add3A_125, %dma_wait3A] : memref<5120x64xi32, #tpu.memory_space<hbm>> -> memref<40x64xi32, #tpu.memory_space<hbm>>
      %dma_wait3A_274 = arith.constant 0 : i32
      %dma_wait3A_275 = tpu.memref_slice %arg3[%add3A_125, %dma_wait3A_274] : memref<5120x64xi32, #tpu.memory_space<hbm>> -> memref<40x64xi32, #tpu.memory_space<hbm>>
      tpu.wait_dma2 semaphore(%run_scoped3A : memref<!tpu.dma_semaphore, #tpu.memory_space<semaphore_mem>>) src(%dma_wait3A_275 : memref<40x64xi32, #tpu.memory_space<hbm>>) dst(%arg6 : memref<40x64xi32, #tpu.memory_space<vmem>>)
      tpu.yield
    }) : () -> ()
    "tpu.region"() ({
      %run_scoped3A = tpu.sem_alloc : memref<!tpu.dma_semaphore, #tpu.memory_space<semaphore_mem>>
      %dma_start3A_269 = arith.constant 0 : i32
      %dma_start3A_270 = tpu.memref_slice %arg4[%add3A_125, %dma_start3A_269] : memref<5120x64xi32, #tpu.memory_space<hbm>> -> memref<40x64xi32, #tpu.memory_space<hbm>>
      %dma_start3A_271 = arith.constant 0 : i32
      %dma_start3A_272 = tpu.memref_slice %arg4[%add3A_125, %dma_start3A_271] : memref<5120x64xi32, #tpu.memory_space<hbm>> -> memref<40x64xi32, #tpu.memory_space<hbm>>
      tpu.enqueue_dma source(%dma_start3A_272 : memref<40x64xi32, #tpu.memory_space<hbm>>) target(%arg7 : memref<40x64xi32, #tpu.memory_space<vmem>>) target_semaphore(%run_scoped3A : memref<!tpu.dma_semaphore, #tpu.memory_space<semaphore_mem>>)
      %dma_wait3A = arith.constant 0 : i32
      %dma_wait3A_273 = tpu.memref_slice %arg4[%add3A_125, %dma_wait3A] : memref<5120x64xi32, #tpu.memory_space<hbm>> -> memref<40x64xi32, #tpu.memory_space<hbm>>
      %dma_wait3A_274 = arith.constant 0 : i32
      %dma_wait3A_275 = tpu.memref_slice %arg4[%add3A_125, %dma_wait3A_274] : memref<5120x64xi32, #tpu.memory_space<hbm>> -> memref<40x64xi32, #tpu.memory_space<hbm>>
      tpu.wait_dma2 semaphore(%run_scoped3A : memref<!tpu.dma_semaphore, #tpu.memory_space<semaphore_mem>>) src(%dma_wait3A_275 : memref<40x64xi32, #tpu.memory_space<hbm>>) dst(%arg7 : memref<40x64xi32, #tpu.memory_space<vmem>>)
      tpu.yield
    }) : () -> ()
    %dma_start3A_126 = arith.constant 0 : i32
    %dma_start3A_127 = arith.constant 0 : i32
    %dma_start3A_128 = tpu.memref_slice %arg6[%dma_start3A_126, %dma_start3A_127] : memref<40x64xi32, #tpu.memory_space<vmem>> -> memref<1x64xi32, #tpu.memory_space<vmem>>
    %dma_start3A_129 = tpu.memref_squeeze %dma_start3A_128 : memref<1x64xi32, #tpu.memory_space<vmem>> -> memref<64xi32, #tpu.memory_space<vmem>>
    %dma_start3A_130 = arith.constant 0 : i32
    %dma_start3A_131 = arith.constant 0 : i32
    %dma_start3A_132 = tpu.memref_slice %arg2[%dma_start3A_130, %dma_start3A_131] : memref<80000x128xf32, #tpu.memory_space<hbm>> -> memref<80000x128xf32, #tpu.memory_space<hbm>>
    tpu.enqueue_indirect_dma source(%dma_start3A_132 : memref<80000x128xf32, #tpu.memory_space<hbm>>) target(%arg8 : memref<64x128xf32, #tpu.memory_space<vmem>>) offsets(%dma_start3A_129 : memref<64xi32, #tpu.memory_space<vmem>>) semaphore(%arg13 : memref<!tpu.dma_semaphore, #tpu.memory_space<semaphore_mem>>)
    %dma_start3A_133 = arith.constant 1 : i32
    %dma_start3A_134 = arith.constant 0 : i32
    %dma_start3A_135 = tpu.memref_slice %arg6[%dma_start3A_133, %dma_start3A_134] : memref<40x64xi32, #tpu.memory_space<vmem>> -> memref<1x64xi32, #tpu.memory_space<vmem>>
    %dma_start3A_136 = tpu.memref_squeeze %dma_start3A_135 : memref<1x64xi32, #tpu.memory_space<vmem>> -> memref<64xi32, #tpu.memory_space<vmem>>
    %dma_start3A_137 = arith.constant 0 : i32
    %dma_start3A_138 = arith.constant 0 : i32
    %dma_start3A_139 = tpu.memref_slice %arg2[%dma_start3A_137, %dma_start3A_138] : memref<80000x128xf32, #tpu.memory_space<hbm>> -> memref<80000x128xf32, #tpu.memory_space<hbm>>
    tpu.enqueue_indirect_dma source(%dma_start3A_139 : memref<80000x128xf32, #tpu.memory_space<hbm>>) target(%arg9 : memref<64x128xf32, #tpu.memory_space<vmem>>) offsets(%dma_start3A_136 : memref<64xi32, #tpu.memory_space<vmem>>) semaphore(%arg14 : memref<!tpu.dma_semaphore, #tpu.memory_space<semaphore_mem>>)
    %dma_start3A_140 = arith.constant 2 : i32
    %dma_start3A_141 = arith.constant 0 : i32
    %dma_start3A_142 = tpu.memref_slice %arg6[%dma_start3A_140, %dma_start3A_141] : memref<40x64xi32, #tpu.memory_space<vmem>> -> memref<1x64xi32, #tpu.memory_space<vmem>>
    %dma_start3A_143 = tpu.memref_squeeze %dma_start3A_142 : memref<1x64xi32, #tpu.memory_space<vmem>> -> memref<64xi32, #tpu.memory_space<vmem>>
    %dma_start3A_144 = arith.constant 0 : i32
    %dma_start3A_145 = arith.constant 0 : i32
    %dma_start3A_146 = tpu.memref_slice %arg2[%dma_start3A_144, %dma_start3A_145] : memref<80000x128xf32, #tpu.memory_space<hbm>> -> memref<80000x128xf32, #tpu.memory_space<hbm>>
    tpu.enqueue_indirect_dma source(%dma_start3A_146 : memref<80000x128xf32, #tpu.memory_space<hbm>>) target(%arg10 : memref<64x128xf32, #tpu.memory_space<vmem>>) offsets(%dma_start3A_143 : memref<64xi32, #tpu.memory_space<vmem>>) semaphore(%arg15 : memref<!tpu.dma_semaphore, #tpu.memory_space<semaphore_mem>>)
    %dma_start3A_147 = arith.constant 3 : i32
    %dma_start3A_148 = arith.constant 0 : i32
    %dma_start3A_149 = tpu.memref_slice %arg6[%dma_start3A_147, %dma_start3A_148] : memref<40x64xi32, #tpu.memory_space<vmem>> -> memref<1x64xi32, #tpu.memory_space<vmem>>
    %dma_start3A_150 = tpu.memref_squeeze %dma_start3A_149 : memref<1x64xi32, #tpu.memory_space<vmem>> -> memref<64xi32, #tpu.memory_space<vmem>>
    %dma_start3A_151 = arith.constant 0 : i32
    %dma_start3A_152 = arith.constant 0 : i32
    %dma_start3A_153 = tpu.memref_slice %arg2[%dma_start3A_151, %dma_start3A_152] : memref<80000x128xf32, #tpu.memory_space<hbm>> -> memref<80000x128xf32, #tpu.memory_space<hbm>>
    tpu.enqueue_indirect_dma source(%dma_start3A_153 : memref<80000x128xf32, #tpu.memory_space<hbm>>) target(%arg11 : memref<64x128xf32, #tpu.memory_space<vmem>>) offsets(%dma_start3A_150 : memref<64xi32, #tpu.memory_space<vmem>>) semaphore(%arg16 : memref<!tpu.dma_semaphore, #tpu.memory_space<semaphore_mem>>)
    %scan3A_154 = arith.constant 0 : i32
    %scan3A_155 = arith.constant 0 : i32
    %scan3A_156 = arith.constant 10 : i32
    %scan3A_157 = arith.addi %scan3A_155, %scan3A_156 : i32
    %scan3A_158 = arith.constant 1 : i32
    scf.for %scan3A_269 = %scan3A_155 to %scan3A_157 step %scan3A_158  : i32 {
      %mul3A_270 = arith.constant 4 : i32
      %mul3A_271 = arith.muli %scan3A_269, %mul3A_270 : i32
      %add3A_272 = arith.constant 0 : i32
      %add3A_273 = arith.addi %mul3A_271, %add3A_272 : i32
      %dma_wait3A = arith.constant 0 : i32
      %dma_wait3A_274 = tpu.memref_slice %arg6[%add3A_273, %dma_wait3A] : memref<40x64xi32, #tpu.memory_space<vmem>> -> memref<1x64xi32, #tpu.memory_space<vmem>>
      %dma_wait3A_275 = tpu.memref_squeeze %dma_wait3A_274 : memref<1x64xi32, #tpu.memory_space<vmem>> -> memref<64xi32, #tpu.memory_space<vmem>>
      %dma_wait3A_276 = arith.constant 0 : i32
      %dma_wait3A_277 = arith.constant 0 : i32
      %dma_wait3A_278 = tpu.memref_slice %arg2[%dma_wait3A_276, %dma_wait3A_277] : memref<80000x128xf32, #tpu.memory_space<hbm>> -> memref<80000x128xf32, #tpu.memory_space<hbm>>
      tpu.wait_indirect_dma semaphore(%arg13 : memref<!tpu.dma_semaphore, #tpu.memory_space<semaphore_mem>>) src(%dma_wait3A_278 : memref<80000x128xf32, #tpu.memory_space<hbm>>) dst(%arg8 : memref<64x128xf32, #tpu.memory_space<vmem>>)
      %dma_start3A_279 = arith.constant 0 : i32
      %dma_start3A_280 = tpu.memref_slice %arg7[%add3A_273, %dma_start3A_279] : memref<40x64xi32, #tpu.memory_space<vmem>> -> memref<1x64xi32, #tpu.memory_space<vmem>>
      %dma_start3A_281 = tpu.memref_squeeze %dma_start3A_280 : memref<1x64xi32, #tpu.memory_space<vmem>> -> memref<64xi32, #tpu.memory_space<vmem>>
      %dma_start3A_282 = arith.constant 0 : i32
      %dma_start3A_283 = arith.constant 0 : i32
      %dma_start3A_284 = tpu.memref_slice %arg12[%dma_start3A_282, %dma_start3A_283] : memref<10112x128xf32, #tpu.memory_space<vmem_shared>> -> memref<10112x128xf32, #tpu.memory_space<vmem_shared>>
      tpu.enqueue_indirect_dma source(%arg8 : memref<64x128xf32, #tpu.memory_space<vmem>>) target(%dma_start3A_284 : memref<10112x128xf32, #tpu.memory_space<vmem_shared>>) offsets(%dma_start3A_281 : memref<64xi32, #tpu.memory_space<vmem>>) semaphore(%arg17 : memref<!tpu.dma_semaphore, #tpu.memory_space<semaphore_mem>>) {add = true}
      %mul3A_285 = arith.constant 4 : i32
      %mul3A_286 = arith.muli %scan3A_269, %mul3A_285 : i32
      %add3A_287 = arith.constant 1 : i32
      %add3A_288 = arith.addi %mul3A_286, %add3A_287 : i32
      %dma_wait3A_289 = arith.constant 0 : i32
      %dma_wait3A_290 = tpu.memref_slice %arg6[%add3A_288, %dma_wait3A_289] : memref<40x64xi32, #tpu.memory_space<vmem>> -> memref<1x64xi32, #tpu.memory_space<vmem>>
      %dma_wait3A_291 = tpu.memref_squeeze %dma_wait3A_290 : memref<1x64xi32, #tpu.memory_space<vmem>> -> memref<64xi32, #tpu.memory_space<vmem>>
      %dma_wait3A_292 = arith.constant 0 : i32
      %dma_wait3A_293 = arith.constant 0 : i32
      %dma_wait3A_294 = tpu.memref_slice %arg2[%dma_wait3A_292, %dma_wait3A_293] : memref<80000x128xf32, #tpu.memory_space<hbm>> -> memref<80000x128xf32, #tpu.memory_space<hbm>>
      tpu.wait_indirect_dma semaphore(%arg14 : memref<!tpu.dma_semaphore, #tpu.memory_space<semaphore_mem>>) src(%dma_wait3A_294 : memref<80000x128xf32, #tpu.memory_space<hbm>>) dst(%arg9 : memref<64x128xf32, #tpu.memory_space<vmem>>)
      %dma_start3A_295 = arith.constant 0 : i32
      %dma_start3A_296 = tpu.memref_slice %arg7[%add3A_288, %dma_start3A_295] : memref<40x64xi32, #tpu.memory_space<vmem>> -> memref<1x64xi32, #tpu.memory_space<vmem>>
      %dma_start3A_297 = tpu.memref_squeeze %dma_start3A_296 : memref<1x64xi32, #tpu.memory_space<vmem>> -> memref<64xi32, #tpu.memory_space<vmem>>
      %dma_start3A_298 = arith.constant 0 : i32
      %dma_start3A_299 = arith.constant 0 : i32
      %dma_start3A_300 = tpu.memref_slice %arg12[%dma_start3A_298, %dma_start3A_299] : memref<10112x128xf32, #tpu.memory_space<vmem_shared>> -> memref<10112x128xf32, #tpu.memory_space<vmem_shared>>
      tpu.enqueue_indirect_dma source(%arg9 : memref<64x128xf32, #tpu.memory_space<vmem>>) target(%dma_start3A_300 : memref<10112x128xf32, #tpu.memory_space<vmem_shared>>) offsets(%dma_start3A_297 : memref<64xi32, #tpu.memory_space<vmem>>) semaphore(%arg18 : memref<!tpu.dma_semaphore, #tpu.memory_space<semaphore_mem>>) {add = true}
      %mul3A_301 = arith.constant 4 : i32
      %mul3A_302 = arith.muli %scan3A_269, %mul3A_301 : i32
      %add3A_303 = arith.constant 2 : i32
      %add3A_304 = arith.addi %mul3A_302, %add3A_303 : i32
      %dma_wait3A_305 = arith.constant 0 : i32
      %dma_wait3A_306 = tpu.memref_slice %arg6[%add3A_304, %dma_wait3A_305] : memref<40x64xi32, #tpu.memory_space<vmem>> -> memref<1x64xi32, #tpu.memory_space<vmem>>
      %dma_wait3A_307 = tpu.memref_squeeze %dma_wait3A_306 : memref<1x64xi32, #tpu.memory_space<vmem>> -> memref<64xi32, #tpu.memory_space<vmem>>
      %dma_wait3A_308 = arith.constant 0 : i32
      %dma_wait3A_309 = arith.constant 0 : i32
      %dma_wait3A_310 = tpu.memref_slice %arg2[%dma_wait3A_308, %dma_wait3A_309] : memref<80000x128xf32, #tpu.memory_space<hbm>> -> memref<80000x128xf32, #tpu.memory_space<hbm>>
      tpu.wait_indirect_dma semaphore(%arg15 : memref<!tpu.dma_semaphore, #tpu.memory_space<semaphore_mem>>) src(%dma_wait3A_310 : memref<80000x128xf32, #tpu.memory_space<hbm>>) dst(%arg10 : memref<64x128xf32, #tpu.memory_space<vmem>>)
      %dma_start3A_311 = arith.constant 0 : i32
      %dma_start3A_312 = tpu.memref_slice %arg7[%add3A_304, %dma_start3A_311] : memref<40x64xi32, #tpu.memory_space<vmem>> -> memref<1x64xi32, #tpu.memory_space<vmem>>
      %dma_start3A_313 = tpu.memref_squeeze %dma_start3A_312 : memref<1x64xi32, #tpu.memory_space<vmem>> -> memref<64xi32, #tpu.memory_space<vmem>>
      %dma_start3A_314 = arith.constant 0 : i32
      %dma_start3A_315 = arith.constant 0 : i32
      %dma_start3A_316 = tpu.memref_slice %arg12[%dma_start3A_314, %dma_start3A_315] : memref<10112x128xf32, #tpu.memory_space<vmem_shared>> -> memref<10112x128xf32, #tpu.memory_space<vmem_shared>>
      tpu.enqueue_indirect_dma source(%arg10 : memref<64x128xf32, #tpu.memory_space<vmem>>) target(%dma_start3A_316 : memref<10112x128xf32, #tpu.memory_space<vmem_shared>>) offsets(%dma_start3A_313 : memref<64xi32, #tpu.memory_space<vmem>>) semaphore(%arg19 : memref<!tpu.dma_semaphore, #tpu.memory_space<semaphore_mem>>) {add = true}
      %mul3A_317 = arith.constant 4 : i32
      %mul3A_318 = arith.muli %scan3A_269, %mul3A_317 : i32
      %add3A_319 = arith.constant 3 : i32
      %add3A_320 = arith.addi %mul3A_318, %add3A_319 : i32
      %dma_wait3A_321 = arith.constant 0 : i32
      %dma_wait3A_322 = tpu.memref_slice %arg6[%add3A_320, %dma_wait3A_321] : memref<40x64xi32, #tpu.memory_space<vmem>> -> memref<1x64xi32, #tpu.memory_space<vmem>>
      %dma_wait3A_323 = tpu.memref_squeeze %dma_wait3A_322 : memref<1x64xi32, #tpu.memory_space<vmem>> -> memref<64xi32, #tpu.memory_space<vmem>>
      %dma_wait3A_324 = arith.constant 0 : i32
      %dma_wait3A_325 = arith.constant 0 : i32
      %dma_wait3A_326 = tpu.memref_slice %arg2[%dma_wait3A_324, %dma_wait3A_325] : memref<80000x128xf32, #tpu.memory_space<hbm>> -> memref<80000x128xf32, #tpu.memory_space<hbm>>
      tpu.wait_indirect_dma semaphore(%arg16 : memref<!tpu.dma_semaphore, #tpu.memory_space<semaphore_mem>>) src(%dma_wait3A_326 : memref<80000x128xf32, #tpu.memory_space<hbm>>) dst(%arg11 : memref<64x128xf32, #tpu.memory_space<vmem>>)
      %dma_start3A_327 = arith.constant 0 : i32
      %dma_start3A_328 = tpu.memref_slice %arg7[%add3A_320, %dma_start3A_327] : memref<40x64xi32, #tpu.memory_space<vmem>> -> memref<1x64xi32, #tpu.memory_space<vmem>>
      %dma_start3A_329 = tpu.memref_squeeze %dma_start3A_328 : memref<1x64xi32, #tpu.memory_space<vmem>> -> memref<64xi32, #tpu.memory_space<vmem>>
      %dma_start3A_330 = arith.constant 0 : i32
      %dma_start3A_331 = arith.constant 0 : i32
      %dma_start3A_332 = tpu.memref_slice %arg12[%dma_start3A_330, %dma_start3A_331] : memref<10112x128xf32, #tpu.memory_space<vmem_shared>> -> memref<10112x128xf32, #tpu.memory_space<vmem_shared>>
      tpu.enqueue_indirect_dma source(%arg11 : memref<64x128xf32, #tpu.memory_space<vmem>>) target(%dma_start3A_332 : memref<10112x128xf32, #tpu.memory_space<vmem_shared>>) offsets(%dma_start3A_329 : memref<64xi32, #tpu.memory_space<vmem>>) semaphore(%arg20 : memref<!tpu.dma_semaphore, #tpu.memory_space<semaphore_mem>>) {add = true}
      %mul3A_333 = arith.constant 4 : i32
      %mul3A_334 = arith.muli %scan3A_269, %mul3A_333 : i32
      %add3A_335 = arith.constant 0 : i32
      %add3A_336 = arith.addi %mul3A_334, %add3A_335 : i32
      %lt3A = arith.constant 9 : i32
      %lt3A_337 = arith.cmpi slt, %scan3A_269, %lt3A : i32
      %convert_element_type3A = arith.extui %lt3A_337 : i1 to i32
      %cond3A = arith.constant 0 : i32
      %cond3A_338 = arith.cmpi ne, %convert_element_type3A, %cond3A : i32
      scf.if %cond3A_338 {
        %dma_wait3A_385 = arith.constant 0 : i32
        %dma_wait3A_386 = tpu.memref_slice %arg7[%add3A_336, %dma_wait3A_385] : memref<40x64xi32, #tpu.memory_space<vmem>> -> memref<1x64xi32, #tpu.memory_space<vmem>>
        %dma_wait3A_387 = tpu.memref_squeeze %dma_wait3A_386 : memref<1x64xi32, #tpu.memory_space<vmem>> -> memref<64xi32, #tpu.memory_space<vmem>>
        %dma_wait3A_388 = arith.constant 0 : i32
        %dma_wait3A_389 = arith.constant 0 : i32
        %dma_wait3A_390 = tpu.memref_slice %arg12[%dma_wait3A_388, %dma_wait3A_389] : memref<10112x128xf32, #tpu.memory_space<vmem_shared>> -> memref<10112x128xf32, #tpu.memory_space<vmem_shared>>
        tpu.wait_indirect_dma semaphore(%arg17 : memref<!tpu.dma_semaphore, #tpu.memory_space<semaphore_mem>>) src(%arg8 : memref<64x128xf32, #tpu.memory_space<vmem>>) dst(%dma_wait3A_390 : memref<10112x128xf32, #tpu.memory_space<vmem_shared>>)
        %add3A_391 = arith.constant 4 : i32
        %add3A_392 = arith.addi %add3A_336, %add3A_391 : i32
        %dma_start3A_393 = arith.constant 0 : i32
        %dma_start3A_394 = tpu.memref_slice %arg6[%add3A_392, %dma_start3A_393] : memref<40x64xi32, #tpu.memory_space<vmem>> -> memref<1x64xi32, #tpu.memory_space<vmem>>
        %dma_start3A_395 = tpu.memref_squeeze %dma_start3A_394 : memref<1x64xi32, #tpu.memory_space<vmem>> -> memref<64xi32, #tpu.memory_space<vmem>>
        %dma_start3A_396 = arith.constant 0 : i32
        %dma_start3A_397 = arith.constant 0 : i32
        %dma_start3A_398 = tpu.memref_slice %arg2[%dma_start3A_396, %dma_start3A_397] : memref<80000x128xf32, #tpu.memory_space<hbm>> -> memref<80000x128xf32, #tpu.memory_space<hbm>>
        tpu.enqueue_indirect_dma source(%dma_start3A_398 : memref<80000x128xf32, #tpu.memory_space<hbm>>) target(%arg8 : memref<64x128xf32, #tpu.memory_space<vmem>>) offsets(%dma_start3A_395 : memref<64xi32, #tpu.memory_space<vmem>>) semaphore(%arg13 : memref<!tpu.dma_semaphore, #tpu.memory_space<semaphore_mem>>)
      } else {
      }
      %eq3A = arith.constant 9 : i32
      %eq3A_339 = arith.cmpi eq, %scan3A_269, %eq3A : i32
      %convert_element_type3A_340 = arith.extui %eq3A_339 : i1 to i32
      %cond3A_341 = arith.constant 0 : i32
      %cond3A_342 = arith.cmpi ne, %convert_element_type3A_340, %cond3A_341 : i32
      scf.if %cond3A_342 {
        %dma_wait3A_385 = arith.constant 0 : i32
        %dma_wait3A_386 = tpu.memref_slice %arg7[%add3A_336, %dma_wait3A_385] : memref<40x64xi32, #tpu.memory_space<vmem>> -> memref<1x64xi32, #tpu.memory_space<vmem>>
        %dma_wait3A_387 = tpu.memref_squeeze %dma_wait3A_386 : memref<1x64xi32, #tpu.memory_space<vmem>> -> memref<64xi32, #tpu.memory_space<vmem>>
        %dma_wait3A_388 = arith.constant 0 : i32
        %dma_wait3A_389 = arith.constant 0 : i32
        %dma_wait3A_390 = tpu.memref_slice %arg12[%dma_wait3A_388, %dma_wait3A_389] : memref<10112x128xf32, #tpu.memory_space<vmem_shared>> -> memref<10112x128xf32, #tpu.memory_space<vmem_shared>>
        tpu.wait_indirect_dma semaphore(%arg17 : memref<!tpu.dma_semaphore, #tpu.memory_space<semaphore_mem>>) src(%arg8 : memref<64x128xf32, #tpu.memory_space<vmem>>) dst(%dma_wait3A_390 : memref<10112x128xf32, #tpu.memory_space<vmem_shared>>)
      } else {
      }
      %mul3A_343 = arith.constant 4 : i32
      %mul3A_344 = arith.muli %scan3A_269, %mul3A_343 : i32
      %add3A_345 = arith.constant 1 : i32
      %add3A_346 = arith.addi %mul3A_344, %add3A_345 : i32
      %lt3A_347 = arith.constant 9 : i32
      %lt3A_348 = arith.cmpi slt, %scan3A_269, %lt3A_347 : i32
      %convert_element_type3A_349 = arith.extui %lt3A_348 : i1 to i32
      %cond3A_350 = arith.constant 0 : i32
      %cond3A_351 = arith.cmpi ne, %convert_element_type3A_349, %cond3A_350 : i32
      scf.if %cond3A_351 {
        %dma_wait3A_385 = arith.constant 0 : i32
        %dma_wait3A_386 = tpu.memref_slice %arg7[%add3A_346, %dma_wait3A_385] : memref<40x64xi32, #tpu.memory_space<vmem>> -> memref<1x64xi32, #tpu.memory_space<vmem>>
        %dma_wait3A_387 = tpu.memref_squeeze %dma_wait3A_386 : memref<1x64xi32, #tpu.memory_space<vmem>> -> memref<64xi32, #tpu.memory_space<vmem>>
        %dma_wait3A_388 = arith.constant 0 : i32
        %dma_wait3A_389 = arith.constant 0 : i32
        %dma_wait3A_390 = tpu.memref_slice %arg12[%dma_wait3A_388, %dma_wait3A_389] : memref<10112x128xf32, #tpu.memory_space<vmem_shared>> -> memref<10112x128xf32, #tpu.memory_space<vmem_shared>>
        tpu.wait_indirect_dma semaphore(%arg18 : memref<!tpu.dma_semaphore, #tpu.memory_space<semaphore_mem>>) src(%arg9 : memref<64x128xf32, #tpu.memory_space<vmem>>) dst(%dma_wait3A_390 : memref<10112x128xf32, #tpu.memory_space<vmem_shared>>)
        %add3A_391 = arith.constant 4 : i32
        %add3A_392 = arith.addi %add3A_346, %add3A_391 : i32
        %dma_start3A_393 = arith.constant 0 : i32
        %dma_start3A_394 = tpu.memref_slice %arg6[%add3A_392, %dma_start3A_393] : memref<40x64xi32, #tpu.memory_space<vmem>> -> memref<1x64xi32, #tpu.memory_space<vmem>>
        %dma_start3A_395 = tpu.memref_squeeze %dma_start3A_394 : memref<1x64xi32, #tpu.memory_space<vmem>> -> memref<64xi32, #tpu.memory_space<vmem>>
        %dma_start3A_396 = arith.constant 0 : i32
        %dma_start3A_397 = arith.constant 0 : i32
        %dma_start3A_398 = tpu.memref_slice %arg2[%dma_start3A_396, %dma_start3A_397] : memref<80000x128xf32, #tpu.memory_space<hbm>> -> memref<80000x128xf32, #tpu.memory_space<hbm>>
        tpu.enqueue_indirect_dma source(%dma_start3A_398 : memref<80000x128xf32, #tpu.memory_space<hbm>>) target(%arg9 : memref<64x128xf32, #tpu.memory_space<vmem>>) offsets(%dma_start3A_395 : memref<64xi32, #tpu.memory_space<vmem>>) semaphore(%arg14 : memref<!tpu.dma_semaphore, #tpu.memory_space<semaphore_mem>>)
      } else {
      }
      %eq3A_352 = arith.constant 9 : i32
      %eq3A_353 = arith.cmpi eq, %scan3A_269, %eq3A_352 : i32
      %convert_element_type3A_354 = arith.extui %eq3A_353 : i1 to i32
      %cond3A_355 = arith.constant 0 : i32
      %cond3A_356 = arith.cmpi ne, %convert_element_type3A_354, %cond3A_355 : i32
      scf.if %cond3A_356 {
        %dma_wait3A_385 = arith.constant 0 : i32
        %dma_wait3A_386 = tpu.memref_slice %arg7[%add3A_346, %dma_wait3A_385] : memref<40x64xi32, #tpu.memory_space<vmem>> -> memref<1x64xi32, #tpu.memory_space<vmem>>
        %dma_wait3A_387 = tpu.memref_squeeze %dma_wait3A_386 : memref<1x64xi32, #tpu.memory_space<vmem>> -> memref<64xi32, #tpu.memory_space<vmem>>
        %dma_wait3A_388 = arith.constant 0 : i32
        %dma_wait3A_389 = arith.constant 0 : i32
        %dma_wait3A_390 = tpu.memref_slice %arg12[%dma_wait3A_388, %dma_wait3A_389] : memref<10112x128xf32, #tpu.memory_space<vmem_shared>> -> memref<10112x128xf32, #tpu.memory_space<vmem_shared>>
        tpu.wait_indirect_dma semaphore(%arg18 : memref<!tpu.dma_semaphore, #tpu.memory_space<semaphore_mem>>) src(%arg9 : memref<64x128xf32, #tpu.memory_space<vmem>>) dst(%dma_wait3A_390 : memref<10112x128xf32, #tpu.memory_space<vmem_shared>>)
      } else {
      }
      %mul3A_357 = arith.constant 4 : i32
      %mul3A_358 = arith.muli %scan3A_269, %mul3A_357 : i32
      %add3A_359 = arith.constant 2 : i32
      %add3A_360 = arith.addi %mul3A_358, %add3A_359 : i32
      %lt3A_361 = arith.constant 9 : i32
      %lt3A_362 = arith.cmpi slt, %scan3A_269, %lt3A_361 : i32
      %convert_element_type3A_363 = arith.extui %lt3A_362 : i1 to i32
      %cond3A_364 = arith.constant 0 : i32
      %cond3A_365 = arith.cmpi ne, %convert_element_type3A_363, %cond3A_364 : i32
      scf.if %cond3A_365 {
        %dma_wait3A_385 = arith.constant 0 : i32
        %dma_wait3A_386 = tpu.memref_slice %arg7[%add3A_360, %dma_wait3A_385] : memref<40x64xi32, #tpu.memory_space<vmem>> -> memref<1x64xi32, #tpu.memory_space<vmem>>
        %dma_wait3A_387 = tpu.memref_squeeze %dma_wait3A_386 : memref<1x64xi32, #tpu.memory_space<vmem>> -> memref<64xi32, #tpu.memory_space<vmem>>
        %dma_wait3A_388 = arith.constant 0 : i32
        %dma_wait3A_389 = arith.constant 0 : i32
        %dma_wait3A_390 = tpu.memref_slice %arg12[%dma_wait3A_388, %dma_wait3A_389] : memref<10112x128xf32, #tpu.memory_space<vmem_shared>> -> memref<10112x128xf32, #tpu.memory_space<vmem_shared>>
        tpu.wait_indirect_dma semaphore(%arg19 : memref<!tpu.dma_semaphore, #tpu.memory_space<semaphore_mem>>) src(%arg10 : memref<64x128xf32, #tpu.memory_space<vmem>>) dst(%dma_wait3A_390 : memref<10112x128xf32, #tpu.memory_space<vmem_shared>>)
        %add3A_391 = arith.constant 4 : i32
        %add3A_392 = arith.addi %add3A_360, %add3A_391 : i32
        %dma_start3A_393 = arith.constant 0 : i32
        %dma_start3A_394 = tpu.memref_slice %arg6[%add3A_392, %dma_start3A_393] : memref<40x64xi32, #tpu.memory_space<vmem>> -> memref<1x64xi32, #tpu.memory_space<vmem>>
        %dma_start3A_395 = tpu.memref_squeeze %dma_start3A_394 : memref<1x64xi32, #tpu.memory_space<vmem>> -> memref<64xi32, #tpu.memory_space<vmem>>
        %dma_start3A_396 = arith.constant 0 : i32
        %dma_start3A_397 = arith.constant 0 : i32
        %dma_start3A_398 = tpu.memref_slice %arg2[%dma_start3A_396, %dma_start3A_397] : memref<80000x128xf32, #tpu.memory_space<hbm>> -> memref<80000x128xf32, #tpu.memory_space<hbm>>
        tpu.enqueue_indirect_dma source(%dma_start3A_398 : memref<80000x128xf32, #tpu.memory_space<hbm>>) target(%arg10 : memref<64x128xf32, #tpu.memory_space<vmem>>) offsets(%dma_start3A_395 : memref<64xi32, #tpu.memory_space<vmem>>) semaphore(%arg15 : memref<!tpu.dma_semaphore, #tpu.memory_space<semaphore_mem>>)
      } else {
      }
      %eq3A_366 = arith.constant 9 : i32
      %eq3A_367 = arith.cmpi eq, %scan3A_269, %eq3A_366 : i32
      %convert_element_type3A_368 = arith.extui %eq3A_367 : i1 to i32
      %cond3A_369 = arith.constant 0 : i32
      %cond3A_370 = arith.cmpi ne, %convert_element_type3A_368, %cond3A_369 : i32
      scf.if %cond3A_370 {
        %dma_wait3A_385 = arith.constant 0 : i32
        %dma_wait3A_386 = tpu.memref_slice %arg7[%add3A_360, %dma_wait3A_385] : memref<40x64xi32, #tpu.memory_space<vmem>> -> memref<1x64xi32, #tpu.memory_space<vmem>>
        %dma_wait3A_387 = tpu.memref_squeeze %dma_wait3A_386 : memref<1x64xi32, #tpu.memory_space<vmem>> -> memref<64xi32, #tpu.memory_space<vmem>>
        %dma_wait3A_388 = arith.constant 0 : i32
        %dma_wait3A_389 = arith.constant 0 : i32
        %dma_wait3A_390 = tpu.memref_slice %arg12[%dma_wait3A_388, %dma_wait3A_389] : memref<10112x128xf32, #tpu.memory_space<vmem_shared>> -> memref<10112x128xf32, #tpu.memory_space<vmem_shared>>
        tpu.wait_indirect_dma semaphore(%arg19 : memref<!tpu.dma_semaphore, #tpu.memory_space<semaphore_mem>>) src(%arg10 : memref<64x128xf32, #tpu.memory_space<vmem>>) dst(%dma_wait3A_390 : memref<10112x128xf32, #tpu.memory_space<vmem_shared>>)
      } else {
      }
      %mul3A_371 = arith.constant 4 : i32
      %mul3A_372 = arith.muli %scan3A_269, %mul3A_371 : i32
      %add3A_373 = arith.constant 3 : i32
      %add3A_374 = arith.addi %mul3A_372, %add3A_373 : i32
      %lt3A_375 = arith.constant 9 : i32
      %lt3A_376 = arith.cmpi slt, %scan3A_269, %lt3A_375 : i32
      %convert_element_type3A_377 = arith.extui %lt3A_376 : i1 to i32
      %cond3A_378 = arith.constant 0 : i32
      %cond3A_379 = arith.cmpi ne, %convert_element_type3A_377, %cond3A_378 : i32
      scf.if %cond3A_379 {
        %dma_wait3A_385 = arith.constant 0 : i32
        %dma_wait3A_386 = tpu.memref_slice %arg7[%add3A_374, %dma_wait3A_385] : memref<40x64xi32, #tpu.memory_space<vmem>> -> memref<1x64xi32, #tpu.memory_space<vmem>>
        %dma_wait3A_387 = tpu.memref_squeeze %dma_wait3A_386 : memref<1x64xi32, #tpu.memory_space<vmem>> -> memref<64xi32, #tpu.memory_space<vmem>>
        %dma_wait3A_388 = arith.constant 0 : i32
        %dma_wait3A_389 = arith.constant 0 : i32
        %dma_wait3A_390 = tpu.memref_slice %arg12[%dma_wait3A_388, %dma_wait3A_389] : memref<10112x128xf32, #tpu.memory_space<vmem_shared>> -> memref<10112x128xf32, #tpu.memory_space<vmem_shared>>
        tpu.wait_indirect_dma semaphore(%arg20 : memref<!tpu.dma_semaphore, #tpu.memory_space<semaphore_mem>>) src(%arg11 : memref<64x128xf32, #tpu.memory_space<vmem>>) dst(%dma_wait3A_390 : memref<10112x128xf32, #tpu.memory_space<vmem_shared>>)
        %add3A_391 = arith.constant 4 : i32
        %add3A_392 = arith.addi %add3A_374, %add3A_391 : i32
        %dma_start3A_393 = arith.constant 0 : i32
        %dma_start3A_394 = tpu.memref_slice %arg6[%add3A_392, %dma_start3A_393] : memref<40x64xi32, #tpu.memory_space<vmem>> -> memref<1x64xi32, #tpu.memory_space<vmem>>
        %dma_start3A_395 = tpu.memref_squeeze %dma_start3A_394 : memref<1x64xi32, #tpu.memory_space<vmem>> -> memref<64xi32, #tpu.memory_space<vmem>>
        %dma_start3A_396 = arith.constant 0 : i32
        %dma_start3A_397 = arith.constant 0 : i32
        %dma_start3A_398 = tpu.memref_slice %arg2[%dma_start3A_396, %dma_start3A_397] : memref<80000x128xf32, #tpu.memory_space<hbm>> -> memref<80000x128xf32, #tpu.memory_space<hbm>>
        tpu.enqueue_indirect_dma source(%dma_start3A_398 : memref<80000x128xf32, #tpu.memory_space<hbm>>) target(%arg11 : memref<64x128xf32, #tpu.memory_space<vmem>>) offsets(%dma_start3A_395 : memref<64xi32, #tpu.memory_space<vmem>>) semaphore(%arg16 : memref<!tpu.dma_semaphore, #tpu.memory_space<semaphore_mem>>)
      } else {
      }
      %eq3A_380 = arith.constant 9 : i32
      %eq3A_381 = arith.cmpi eq, %scan3A_269, %eq3A_380 : i32
      %convert_element_type3A_382 = arith.extui %eq3A_381 : i1 to i32
      %cond3A_383 = arith.constant 0 : i32
      %cond3A_384 = arith.cmpi ne, %convert_element_type3A_382, %cond3A_383 : i32
      scf.if %cond3A_384 {
        %dma_wait3A_385 = arith.constant 0 : i32
        %dma_wait3A_386 = tpu.memref_slice %arg7[%add3A_374, %dma_wait3A_385] : memref<40x64xi32, #tpu.memory_space<vmem>> -> memref<1x64xi32, #tpu.memory_space<vmem>>
        %dma_wait3A_387 = tpu.memref_squeeze %dma_wait3A_386 : memref<1x64xi32, #tpu.memory_space<vmem>> -> memref<64xi32, #tpu.memory_space<vmem>>
        %dma_wait3A_388 = arith.constant 0 : i32
        %dma_wait3A_389 = arith.constant 0 : i32
        %dma_wait3A_390 = tpu.memref_slice %arg12[%dma_wait3A_388, %dma_wait3A_389] : memref<10112x128xf32, #tpu.memory_space<vmem_shared>> -> memref<10112x128xf32, #tpu.memory_space<vmem_shared>>
        tpu.wait_indirect_dma semaphore(%arg20 : memref<!tpu.dma_semaphore, #tpu.memory_space<semaphore_mem>>) src(%arg11 : memref<64x128xf32, #tpu.memory_space<vmem>>) dst(%dma_wait3A_390 : memref<10112x128xf32, #tpu.memory_space<vmem_shared>>)
      } else {
      }
    }
    %scan3A_159 = arith.constant 10 : i32
    %mul3A_160 = arith.constant 160 : i32
    %mul3A_161 = arith.muli %add3A, %mul3A_160 : i32
    %add3A_162 = arith.constant 120 : i32
    %add3A_163 = arith.addi %mul3A_161, %add3A_162 : i32
    "tpu.region"() ({
      %run_scoped3A = tpu.sem_alloc : memref<!tpu.dma_semaphore, #tpu.memory_space<semaphore_mem>>
      %dma_start3A_269 = arith.constant 0 : i32
      %dma_start3A_270 = tpu.memref_slice %arg3[%add3A_163, %dma_start3A_269] : memref<5120x64xi32, #tpu.memory_space<hbm>> -> memref<40x64xi32, #tpu.memory_space<hbm>>
      %dma_start3A_271 = arith.constant 0 : i32
      %dma_start3A_272 = tpu.memref_slice %arg3[%add3A_163, %dma_start3A_271] : memref<5120x64xi32, #tpu.memory_space<hbm>> -> memref<40x64xi32, #tpu.memory_space<hbm>>
      tpu.enqueue_dma source(%dma_start3A_272 : memref<40x64xi32, #tpu.memory_space<hbm>>) target(%arg6 : memref<40x64xi32, #tpu.memory_space<vmem>>) target_semaphore(%run_scoped3A : memref<!tpu.dma_semaphore, #tpu.memory_space<semaphore_mem>>)
      %dma_wait3A = arith.constant 0 : i32
      %dma_wait3A_273 = tpu.memref_slice %arg3[%add3A_163, %dma_wait3A] : memref<5120x64xi32, #tpu.memory_space<hbm>> -> memref<40x64xi32, #tpu.memory_space<hbm>>
      %dma_wait3A_274 = arith.constant 0 : i32
      %dma_wait3A_275 = tpu.memref_slice %arg3[%add3A_163, %dma_wait3A_274] : memref<5120x64xi32, #tpu.memory_space<hbm>> -> memref<40x64xi32, #tpu.memory_space<hbm>>
      tpu.wait_dma2 semaphore(%run_scoped3A : memref<!tpu.dma_semaphore, #tpu.memory_space<semaphore_mem>>) src(%dma_wait3A_275 : memref<40x64xi32, #tpu.memory_space<hbm>>) dst(%arg6 : memref<40x64xi32, #tpu.memory_space<vmem>>)
      tpu.yield
    }) : () -> ()
    "tpu.region"() ({
      %run_scoped3A = tpu.sem_alloc : memref<!tpu.dma_semaphore, #tpu.memory_space<semaphore_mem>>
      %dma_start3A_269 = arith.constant 0 : i32
      %dma_start3A_270 = tpu.memref_slice %arg4[%add3A_163, %dma_start3A_269] : memref<5120x64xi32, #tpu.memory_space<hbm>> -> memref<40x64xi32, #tpu.memory_space<hbm>>
      %dma_start3A_271 = arith.constant 0 : i32
      %dma_start3A_272 = tpu.memref_slice %arg4[%add3A_163, %dma_start3A_271] : memref<5120x64xi32, #tpu.memory_space<hbm>> -> memref<40x64xi32, #tpu.memory_space<hbm>>
      tpu.enqueue_dma source(%dma_start3A_272 : memref<40x64xi32, #tpu.memory_space<hbm>>) target(%arg7 : memref<40x64xi32, #tpu.memory_space<vmem>>) target_semaphore(%run_scoped3A : memref<!tpu.dma_semaphore, #tpu.memory_space<semaphore_mem>>)
      %dma_wait3A = arith.constant 0 : i32
      %dma_wait3A_273 = tpu.memref_slice %arg4[%add3A_163, %dma_wait3A] : memref<5120x64xi32, #tpu.memory_space<hbm>> -> memref<40x64xi32, #tpu.memory_space<hbm>>
      %dma_wait3A_274 = arith.constant 0 : i32
      %dma_wait3A_275 = tpu.memref_slice %arg4[%add3A_163, %dma_wait3A_274] : memref<5120x64xi32, #tpu.memory_space<hbm>> -> memref<40x64xi32, #tpu.memory_space<hbm>>
      tpu.wait_dma2 semaphore(%run_scoped3A : memref<!tpu.dma_semaphore, #tpu.memory_space<semaphore_mem>>) src(%dma_wait3A_275 : memref<40x64xi32, #tpu.memory_space<hbm>>) dst(%arg7 : memref<40x64xi32, #tpu.memory_space<vmem>>)
      tpu.yield
    }) : () -> ()
    %dma_start3A_164 = arith.constant 0 : i32
    %dma_start3A_165 = arith.constant 0 : i32
    %dma_start3A_166 = tpu.memref_slice %arg6[%dma_start3A_164, %dma_start3A_165] : memref<40x64xi32, #tpu.memory_space<vmem>> -> memref<1x64xi32, #tpu.memory_space<vmem>>
    %dma_start3A_167 = tpu.memref_squeeze %dma_start3A_166 : memref<1x64xi32, #tpu.memory_space<vmem>> -> memref<64xi32, #tpu.memory_space<vmem>>
    %dma_start3A_168 = arith.constant 0 : i32
    %dma_start3A_169 = arith.constant 0 : i32
    %dma_start3A_170 = tpu.memref_slice %arg2[%dma_start3A_168, %dma_start3A_169] : memref<80000x128xf32, #tpu.memory_space<hbm>> -> memref<80000x128xf32, #tpu.memory_space<hbm>>
    tpu.enqueue_indirect_dma source(%dma_start3A_170 : memref<80000x128xf32, #tpu.memory_space<hbm>>) target(%arg8 : memref<64x128xf32, #tpu.memory_space<vmem>>) offsets(%dma_start3A_167 : memref<64xi32, #tpu.memory_space<vmem>>) semaphore(%arg13 : memref<!tpu.dma_semaphore, #tpu.memory_space<semaphore_mem>>)
    %dma_start3A_171 = arith.constant 1 : i32
    %dma_start3A_172 = arith.constant 0 : i32
    %dma_start3A_173 = tpu.memref_slice %arg6[%dma_start3A_171, %dma_start3A_172] : memref<40x64xi32, #tpu.memory_space<vmem>> -> memref<1x64xi32, #tpu.memory_space<vmem>>
    %dma_start3A_174 = tpu.memref_squeeze %dma_start3A_173 : memref<1x64xi32, #tpu.memory_space<vmem>> -> memref<64xi32, #tpu.memory_space<vmem>>
    %dma_start3A_175 = arith.constant 0 : i32
    %dma_start3A_176 = arith.constant 0 : i32
    %dma_start3A_177 = tpu.memref_slice %arg2[%dma_start3A_175, %dma_start3A_176] : memref<80000x128xf32, #tpu.memory_space<hbm>> -> memref<80000x128xf32, #tpu.memory_space<hbm>>
    tpu.enqueue_indirect_dma source(%dma_start3A_177 : memref<80000x128xf32, #tpu.memory_space<hbm>>) target(%arg9 : memref<64x128xf32, #tpu.memory_space<vmem>>) offsets(%dma_start3A_174 : memref<64xi32, #tpu.memory_space<vmem>>) semaphore(%arg14 : memref<!tpu.dma_semaphore, #tpu.memory_space<semaphore_mem>>)
    %dma_start3A_178 = arith.constant 2 : i32
    %dma_start3A_179 = arith.constant 0 : i32
    %dma_start3A_180 = tpu.memref_slice %arg6[%dma_start3A_178, %dma_start3A_179] : memref<40x64xi32, #tpu.memory_space<vmem>> -> memref<1x64xi32, #tpu.memory_space<vmem>>
    %dma_start3A_181 = tpu.memref_squeeze %dma_start3A_180 : memref<1x64xi32, #tpu.memory_space<vmem>> -> memref<64xi32, #tpu.memory_space<vmem>>
    %dma_start3A_182 = arith.constant 0 : i32
    %dma_start3A_183 = arith.constant 0 : i32
    %dma_start3A_184 = tpu.memref_slice %arg2[%dma_start3A_182, %dma_start3A_183] : memref<80000x128xf32, #tpu.memory_space<hbm>> -> memref<80000x128xf32, #tpu.memory_space<hbm>>
    tpu.enqueue_indirect_dma source(%dma_start3A_184 : memref<80000x128xf32, #tpu.memory_space<hbm>>) target(%arg10 : memref<64x128xf32, #tpu.memory_space<vmem>>) offsets(%dma_start3A_181 : memref<64xi32, #tpu.memory_space<vmem>>) semaphore(%arg15 : memref<!tpu.dma_semaphore, #tpu.memory_space<semaphore_mem>>)
    %dma_start3A_185 = arith.constant 3 : i32
    %dma_start3A_186 = arith.constant 0 : i32
    %dma_start3A_187 = tpu.memref_slice %arg6[%dma_start3A_185, %dma_start3A_186] : memref<40x64xi32, #tpu.memory_space<vmem>> -> memref<1x64xi32, #tpu.memory_space<vmem>>
    %dma_start3A_188 = tpu.memref_squeeze %dma_start3A_187 : memref<1x64xi32, #tpu.memory_space<vmem>> -> memref<64xi32, #tpu.memory_space<vmem>>
    %dma_start3A_189 = arith.constant 0 : i32
    %dma_start3A_190 = arith.constant 0 : i32
    %dma_start3A_191 = tpu.memref_slice %arg2[%dma_start3A_189, %dma_start3A_190] : memref<80000x128xf32, #tpu.memory_space<hbm>> -> memref<80000x128xf32, #tpu.memory_space<hbm>>
    tpu.enqueue_indirect_dma source(%dma_start3A_191 : memref<80000x128xf32, #tpu.memory_space<hbm>>) target(%arg11 : memref<64x128xf32, #tpu.memory_space<vmem>>) offsets(%dma_start3A_188 : memref<64xi32, #tpu.memory_space<vmem>>) semaphore(%arg16 : memref<!tpu.dma_semaphore, #tpu.memory_space<semaphore_mem>>)
    %scan3A_192 = arith.constant 0 : i32
    %scan3A_193 = arith.constant 0 : i32
    %scan3A_194 = arith.constant 10 : i32
    %scan3A_195 = arith.addi %scan3A_193, %scan3A_194 : i32
    %scan3A_196 = arith.constant 1 : i32
    scf.for %scan3A_269 = %scan3A_193 to %scan3A_195 step %scan3A_196  : i32 {
      %mul3A_270 = arith.constant 4 : i32
      %mul3A_271 = arith.muli %scan3A_269, %mul3A_270 : i32
      %add3A_272 = arith.constant 0 : i32
      %add3A_273 = arith.addi %mul3A_271, %add3A_272 : i32
      %dma_wait3A = arith.constant 0 : i32
      %dma_wait3A_274 = tpu.memref_slice %arg6[%add3A_273, %dma_wait3A] : memref<40x64xi32, #tpu.memory_space<vmem>> -> memref<1x64xi32, #tpu.memory_space<vmem>>
      %dma_wait3A_275 = tpu.memref_squeeze %dma_wait3A_274 : memref<1x64xi32, #tpu.memory_space<vmem>> -> memref<64xi32, #tpu.memory_space<vmem>>
      %dma_wait3A_276 = arith.constant 0 : i32
      %dma_wait3A_277 = arith.constant 0 : i32
      %dma_wait3A_278 = tpu.memref_slice %arg2[%dma_wait3A_276, %dma_wait3A_277] : memref<80000x128xf32, #tpu.memory_space<hbm>> -> memref<80000x128xf32, #tpu.memory_space<hbm>>
      tpu.wait_indirect_dma semaphore(%arg13 : memref<!tpu.dma_semaphore, #tpu.memory_space<semaphore_mem>>) src(%dma_wait3A_278 : memref<80000x128xf32, #tpu.memory_space<hbm>>) dst(%arg8 : memref<64x128xf32, #tpu.memory_space<vmem>>)
      %dma_start3A_279 = arith.constant 0 : i32
      %dma_start3A_280 = tpu.memref_slice %arg7[%add3A_273, %dma_start3A_279] : memref<40x64xi32, #tpu.memory_space<vmem>> -> memref<1x64xi32, #tpu.memory_space<vmem>>
      %dma_start3A_281 = tpu.memref_squeeze %dma_start3A_280 : memref<1x64xi32, #tpu.memory_space<vmem>> -> memref<64xi32, #tpu.memory_space<vmem>>
      %dma_start3A_282 = arith.constant 0 : i32
      %dma_start3A_283 = arith.constant 0 : i32
      %dma_start3A_284 = tpu.memref_slice %arg12[%dma_start3A_282, %dma_start3A_283] : memref<10112x128xf32, #tpu.memory_space<vmem_shared>> -> memref<10112x128xf32, #tpu.memory_space<vmem_shared>>
      tpu.enqueue_indirect_dma source(%arg8 : memref<64x128xf32, #tpu.memory_space<vmem>>) target(%dma_start3A_284 : memref<10112x128xf32, #tpu.memory_space<vmem_shared>>) offsets(%dma_start3A_281 : memref<64xi32, #tpu.memory_space<vmem>>) semaphore(%arg17 : memref<!tpu.dma_semaphore, #tpu.memory_space<semaphore_mem>>) {add = true}
      %mul3A_285 = arith.constant 4 : i32
      %mul3A_286 = arith.muli %scan3A_269, %mul3A_285 : i32
      %add3A_287 = arith.constant 1 : i32
      %add3A_288 = arith.addi %mul3A_286, %add3A_287 : i32
      %dma_wait3A_289 = arith.constant 0 : i32
      %dma_wait3A_290 = tpu.memref_slice %arg6[%add3A_288, %dma_wait3A_289] : memref<40x64xi32, #tpu.memory_space<vmem>> -> memref<1x64xi32, #tpu.memory_space<vmem>>
      %dma_wait3A_291 = tpu.memref_squeeze %dma_wait3A_290 : memref<1x64xi32, #tpu.memory_space<vmem>> -> memref<64xi32, #tpu.memory_space<vmem>>
      %dma_wait3A_292 = arith.constant 0 : i32
      %dma_wait3A_293 = arith.constant 0 : i32
      %dma_wait3A_294 = tpu.memref_slice %arg2[%dma_wait3A_292, %dma_wait3A_293] : memref<80000x128xf32, #tpu.memory_space<hbm>> -> memref<80000x128xf32, #tpu.memory_space<hbm>>
      tpu.wait_indirect_dma semaphore(%arg14 : memref<!tpu.dma_semaphore, #tpu.memory_space<semaphore_mem>>) src(%dma_wait3A_294 : memref<80000x128xf32, #tpu.memory_space<hbm>>) dst(%arg9 : memref<64x128xf32, #tpu.memory_space<vmem>>)
      %dma_start3A_295 = arith.constant 0 : i32
      %dma_start3A_296 = tpu.memref_slice %arg7[%add3A_288, %dma_start3A_295] : memref<40x64xi32, #tpu.memory_space<vmem>> -> memref<1x64xi32, #tpu.memory_space<vmem>>
      %dma_start3A_297 = tpu.memref_squeeze %dma_start3A_296 : memref<1x64xi32, #tpu.memory_space<vmem>> -> memref<64xi32, #tpu.memory_space<vmem>>
      %dma_start3A_298 = arith.constant 0 : i32
      %dma_start3A_299 = arith.constant 0 : i32
      %dma_start3A_300 = tpu.memref_slice %arg12[%dma_start3A_298, %dma_start3A_299] : memref<10112x128xf32, #tpu.memory_space<vmem_shared>> -> memref<10112x128xf32, #tpu.memory_space<vmem_shared>>
      tpu.enqueue_indirect_dma source(%arg9 : memref<64x128xf32, #tpu.memory_space<vmem>>) target(%dma_start3A_300 : memref<10112x128xf32, #tpu.memory_space<vmem_shared>>) offsets(%dma_start3A_297 : memref<64xi32, #tpu.memory_space<vmem>>) semaphore(%arg18 : memref<!tpu.dma_semaphore, #tpu.memory_space<semaphore_mem>>) {add = true}
      %mul3A_301 = arith.constant 4 : i32
      %mul3A_302 = arith.muli %scan3A_269, %mul3A_301 : i32
      %add3A_303 = arith.constant 2 : i32
      %add3A_304 = arith.addi %mul3A_302, %add3A_303 : i32
      %dma_wait3A_305 = arith.constant 0 : i32
      %dma_wait3A_306 = tpu.memref_slice %arg6[%add3A_304, %dma_wait3A_305] : memref<40x64xi32, #tpu.memory_space<vmem>> -> memref<1x64xi32, #tpu.memory_space<vmem>>
      %dma_wait3A_307 = tpu.memref_squeeze %dma_wait3A_306 : memref<1x64xi32, #tpu.memory_space<vmem>> -> memref<64xi32, #tpu.memory_space<vmem>>
      %dma_wait3A_308 = arith.constant 0 : i32
      %dma_wait3A_309 = arith.constant 0 : i32
      %dma_wait3A_310 = tpu.memref_slice %arg2[%dma_wait3A_308, %dma_wait3A_309] : memref<80000x128xf32, #tpu.memory_space<hbm>> -> memref<80000x128xf32, #tpu.memory_space<hbm>>
      tpu.wait_indirect_dma semaphore(%arg15 : memref<!tpu.dma_semaphore, #tpu.memory_space<semaphore_mem>>) src(%dma_wait3A_310 : memref<80000x128xf32, #tpu.memory_space<hbm>>) dst(%arg10 : memref<64x128xf32, #tpu.memory_space<vmem>>)
      %dma_start3A_311 = arith.constant 0 : i32
      %dma_start3A_312 = tpu.memref_slice %arg7[%add3A_304, %dma_start3A_311] : memref<40x64xi32, #tpu.memory_space<vmem>> -> memref<1x64xi32, #tpu.memory_space<vmem>>
      %dma_start3A_313 = tpu.memref_squeeze %dma_start3A_312 : memref<1x64xi32, #tpu.memory_space<vmem>> -> memref<64xi32, #tpu.memory_space<vmem>>
      %dma_start3A_314 = arith.constant 0 : i32
      %dma_start3A_315 = arith.constant 0 : i32
      %dma_start3A_316 = tpu.memref_slice %arg12[%dma_start3A_314, %dma_start3A_315] : memref<10112x128xf32, #tpu.memory_space<vmem_shared>> -> memref<10112x128xf32, #tpu.memory_space<vmem_shared>>
      tpu.enqueue_indirect_dma source(%arg10 : memref<64x128xf32, #tpu.memory_space<vmem>>) target(%dma_start3A_316 : memref<10112x128xf32, #tpu.memory_space<vmem_shared>>) offsets(%dma_start3A_313 : memref<64xi32, #tpu.memory_space<vmem>>) semaphore(%arg19 : memref<!tpu.dma_semaphore, #tpu.memory_space<semaphore_mem>>) {add = true}
      %mul3A_317 = arith.constant 4 : i32
      %mul3A_318 = arith.muli %scan3A_269, %mul3A_317 : i32
      %add3A_319 = arith.constant 3 : i32
      %add3A_320 = arith.addi %mul3A_318, %add3A_319 : i32
      %dma_wait3A_321 = arith.constant 0 : i32
      %dma_wait3A_322 = tpu.memref_slice %arg6[%add3A_320, %dma_wait3A_321] : memref<40x64xi32, #tpu.memory_space<vmem>> -> memref<1x64xi32, #tpu.memory_space<vmem>>
      %dma_wait3A_323 = tpu.memref_squeeze %dma_wait3A_322 : memref<1x64xi32, #tpu.memory_space<vmem>> -> memref<64xi32, #tpu.memory_space<vmem>>
      %dma_wait3A_324 = arith.constant 0 : i32
      %dma_wait3A_325 = arith.constant 0 : i32
      %dma_wait3A_326 = tpu.memref_slice %arg2[%dma_wait3A_324, %dma_wait3A_325] : memref<80000x128xf32, #tpu.memory_space<hbm>> -> memref<80000x128xf32, #tpu.memory_space<hbm>>
      tpu.wait_indirect_dma semaphore(%arg16 : memref<!tpu.dma_semaphore, #tpu.memory_space<semaphore_mem>>) src(%dma_wait3A_326 : memref<80000x128xf32, #tpu.memory_space<hbm>>) dst(%arg11 : memref<64x128xf32, #tpu.memory_space<vmem>>)
      %dma_start3A_327 = arith.constant 0 : i32
      %dma_start3A_328 = tpu.memref_slice %arg7[%add3A_320, %dma_start3A_327] : memref<40x64xi32, #tpu.memory_space<vmem>> -> memref<1x64xi32, #tpu.memory_space<vmem>>
      %dma_start3A_329 = tpu.memref_squeeze %dma_start3A_328 : memref<1x64xi32, #tpu.memory_space<vmem>> -> memref<64xi32, #tpu.memory_space<vmem>>
      %dma_start3A_330 = arith.constant 0 : i32
      %dma_start3A_331 = arith.constant 0 : i32
      %dma_start3A_332 = tpu.memref_slice %arg12[%dma_start3A_330, %dma_start3A_331] : memref<10112x128xf32, #tpu.memory_space<vmem_shared>> -> memref<10112x128xf32, #tpu.memory_space<vmem_shared>>
      tpu.enqueue_indirect_dma source(%arg11 : memref<64x128xf32, #tpu.memory_space<vmem>>) target(%dma_start3A_332 : memref<10112x128xf32, #tpu.memory_space<vmem_shared>>) offsets(%dma_start3A_329 : memref<64xi32, #tpu.memory_space<vmem>>) semaphore(%arg20 : memref<!tpu.dma_semaphore, #tpu.memory_space<semaphore_mem>>) {add = true}
      %mul3A_333 = arith.constant 4 : i32
      %mul3A_334 = arith.muli %scan3A_269, %mul3A_333 : i32
      %add3A_335 = arith.constant 0 : i32
      %add3A_336 = arith.addi %mul3A_334, %add3A_335 : i32
      %lt3A = arith.constant 9 : i32
      %lt3A_337 = arith.cmpi slt, %scan3A_269, %lt3A : i32
      %convert_element_type3A = arith.extui %lt3A_337 : i1 to i32
      %cond3A = arith.constant 0 : i32
      %cond3A_338 = arith.cmpi ne, %convert_element_type3A, %cond3A : i32
      scf.if %cond3A_338 {
        %dma_wait3A_385 = arith.constant 0 : i32
        %dma_wait3A_386 = tpu.memref_slice %arg7[%add3A_336, %dma_wait3A_385] : memref<40x64xi32, #tpu.memory_space<vmem>> -> memref<1x64xi32, #tpu.memory_space<vmem>>
        %dma_wait3A_387 = tpu.memref_squeeze %dma_wait3A_386 : memref<1x64xi32, #tpu.memory_space<vmem>> -> memref<64xi32, #tpu.memory_space<vmem>>
        %dma_wait3A_388 = arith.constant 0 : i32
        %dma_wait3A_389 = arith.constant 0 : i32
        %dma_wait3A_390 = tpu.memref_slice %arg12[%dma_wait3A_388, %dma_wait3A_389] : memref<10112x128xf32, #tpu.memory_space<vmem_shared>> -> memref<10112x128xf32, #tpu.memory_space<vmem_shared>>
        tpu.wait_indirect_dma semaphore(%arg17 : memref<!tpu.dma_semaphore, #tpu.memory_space<semaphore_mem>>) src(%arg8 : memref<64x128xf32, #tpu.memory_space<vmem>>) dst(%dma_wait3A_390 : memref<10112x128xf32, #tpu.memory_space<vmem_shared>>)
        %add3A_391 = arith.constant 4 : i32
        %add3A_392 = arith.addi %add3A_336, %add3A_391 : i32
        %dma_start3A_393 = arith.constant 0 : i32
        %dma_start3A_394 = tpu.memref_slice %arg6[%add3A_392, %dma_start3A_393] : memref<40x64xi32, #tpu.memory_space<vmem>> -> memref<1x64xi32, #tpu.memory_space<vmem>>
        %dma_start3A_395 = tpu.memref_squeeze %dma_start3A_394 : memref<1x64xi32, #tpu.memory_space<vmem>> -> memref<64xi32, #tpu.memory_space<vmem>>
        %dma_start3A_396 = arith.constant 0 : i32
        %dma_start3A_397 = arith.constant 0 : i32
        %dma_start3A_398 = tpu.memref_slice %arg2[%dma_start3A_396, %dma_start3A_397] : memref<80000x128xf32, #tpu.memory_space<hbm>> -> memref<80000x128xf32, #tpu.memory_space<hbm>>
        tpu.enqueue_indirect_dma source(%dma_start3A_398 : memref<80000x128xf32, #tpu.memory_space<hbm>>) target(%arg8 : memref<64x128xf32, #tpu.memory_space<vmem>>) offsets(%dma_start3A_395 : memref<64xi32, #tpu.memory_space<vmem>>) semaphore(%arg13 : memref<!tpu.dma_semaphore, #tpu.memory_space<semaphore_mem>>)
      } else {
      }
      %eq3A = arith.constant 9 : i32
      %eq3A_339 = arith.cmpi eq, %scan3A_269, %eq3A : i32
      %convert_element_type3A_340 = arith.extui %eq3A_339 : i1 to i32
      %cond3A_341 = arith.constant 0 : i32
      %cond3A_342 = arith.cmpi ne, %convert_element_type3A_340, %cond3A_341 : i32
      scf.if %cond3A_342 {
        %dma_wait3A_385 = arith.constant 0 : i32
        %dma_wait3A_386 = tpu.memref_slice %arg7[%add3A_336, %dma_wait3A_385] : memref<40x64xi32, #tpu.memory_space<vmem>> -> memref<1x64xi32, #tpu.memory_space<vmem>>
        %dma_wait3A_387 = tpu.memref_squeeze %dma_wait3A_386 : memref<1x64xi32, #tpu.memory_space<vmem>> -> memref<64xi32, #tpu.memory_space<vmem>>
        %dma_wait3A_388 = arith.constant 0 : i32
        %dma_wait3A_389 = arith.constant 0 : i32
        %dma_wait3A_390 = tpu.memref_slice %arg12[%dma_wait3A_388, %dma_wait3A_389] : memref<10112x128xf32, #tpu.memory_space<vmem_shared>> -> memref<10112x128xf32, #tpu.memory_space<vmem_shared>>
        tpu.wait_indirect_dma semaphore(%arg17 : memref<!tpu.dma_semaphore, #tpu.memory_space<semaphore_mem>>) src(%arg8 : memref<64x128xf32, #tpu.memory_space<vmem>>) dst(%dma_wait3A_390 : memref<10112x128xf32, #tpu.memory_space<vmem_shared>>)
      } else {
      }
      %mul3A_343 = arith.constant 4 : i32
      %mul3A_344 = arith.muli %scan3A_269, %mul3A_343 : i32
      %add3A_345 = arith.constant 1 : i32
      %add3A_346 = arith.addi %mul3A_344, %add3A_345 : i32
      %lt3A_347 = arith.constant 9 : i32
      %lt3A_348 = arith.cmpi slt, %scan3A_269, %lt3A_347 : i32
      %convert_element_type3A_349 = arith.extui %lt3A_348 : i1 to i32
      %cond3A_350 = arith.constant 0 : i32
      %cond3A_351 = arith.cmpi ne, %convert_element_type3A_349, %cond3A_350 : i32
      scf.if %cond3A_351 {
        %dma_wait3A_385 = arith.constant 0 : i32
        %dma_wait3A_386 = tpu.memref_slice %arg7[%add3A_346, %dma_wait3A_385] : memref<40x64xi32, #tpu.memory_space<vmem>> -> memref<1x64xi32, #tpu.memory_space<vmem>>
        %dma_wait3A_387 = tpu.memref_squeeze %dma_wait3A_386 : memref<1x64xi32, #tpu.memory_space<vmem>> -> memref<64xi32, #tpu.memory_space<vmem>>
        %dma_wait3A_388 = arith.constant 0 : i32
        %dma_wait3A_389 = arith.constant 0 : i32
        %dma_wait3A_390 = tpu.memref_slice %arg12[%dma_wait3A_388, %dma_wait3A_389] : memref<10112x128xf32, #tpu.memory_space<vmem_shared>> -> memref<10112x128xf32, #tpu.memory_space<vmem_shared>>
        tpu.wait_indirect_dma semaphore(%arg18 : memref<!tpu.dma_semaphore, #tpu.memory_space<semaphore_mem>>) src(%arg9 : memref<64x128xf32, #tpu.memory_space<vmem>>) dst(%dma_wait3A_390 : memref<10112x128xf32, #tpu.memory_space<vmem_shared>>)
        %add3A_391 = arith.constant 4 : i32
        %add3A_392 = arith.addi %add3A_346, %add3A_391 : i32
        %dma_start3A_393 = arith.constant 0 : i32
        %dma_start3A_394 = tpu.memref_slice %arg6[%add3A_392, %dma_start3A_393] : memref<40x64xi32, #tpu.memory_space<vmem>> -> memref<1x64xi32, #tpu.memory_space<vmem>>
        %dma_start3A_395 = tpu.memref_squeeze %dma_start3A_394 : memref<1x64xi32, #tpu.memory_space<vmem>> -> memref<64xi32, #tpu.memory_space<vmem>>
        %dma_start3A_396 = arith.constant 0 : i32
        %dma_start3A_397 = arith.constant 0 : i32
        %dma_start3A_398 = tpu.memref_slice %arg2[%dma_start3A_396, %dma_start3A_397] : memref<80000x128xf32, #tpu.memory_space<hbm>> -> memref<80000x128xf32, #tpu.memory_space<hbm>>
        tpu.enqueue_indirect_dma source(%dma_start3A_398 : memref<80000x128xf32, #tpu.memory_space<hbm>>) target(%arg9 : memref<64x128xf32, #tpu.memory_space<vmem>>) offsets(%dma_start3A_395 : memref<64xi32, #tpu.memory_space<vmem>>) semaphore(%arg14 : memref<!tpu.dma_semaphore, #tpu.memory_space<semaphore_mem>>)
      } else {
      }
      %eq3A_352 = arith.constant 9 : i32
      %eq3A_353 = arith.cmpi eq, %scan3A_269, %eq3A_352 : i32
      %convert_element_type3A_354 = arith.extui %eq3A_353 : i1 to i32
      %cond3A_355 = arith.constant 0 : i32
      %cond3A_356 = arith.cmpi ne, %convert_element_type3A_354, %cond3A_355 : i32
      scf.if %cond3A_356 {
        %dma_wait3A_385 = arith.constant 0 : i32
        %dma_wait3A_386 = tpu.memref_slice %arg7[%add3A_346, %dma_wait3A_385] : memref<40x64xi32, #tpu.memory_space<vmem>> -> memref<1x64xi32, #tpu.memory_space<vmem>>
        %dma_wait3A_387 = tpu.memref_squeeze %dma_wait3A_386 : memref<1x64xi32, #tpu.memory_space<vmem>> -> memref<64xi32, #tpu.memory_space<vmem>>
        %dma_wait3A_388 = arith.constant 0 : i32
        %dma_wait3A_389 = arith.constant 0 : i32
        %dma_wait3A_390 = tpu.memref_slice %arg12[%dma_wait3A_388, %dma_wait3A_389] : memref<10112x128xf32, #tpu.memory_space<vmem_shared>> -> memref<10112x128xf32, #tpu.memory_space<vmem_shared>>
        tpu.wait_indirect_dma semaphore(%arg18 : memref<!tpu.dma_semaphore, #tpu.memory_space<semaphore_mem>>) src(%arg9 : memref<64x128xf32, #tpu.memory_space<vmem>>) dst(%dma_wait3A_390 : memref<10112x128xf32, #tpu.memory_space<vmem_shared>>)
      } else {
      }
      %mul3A_357 = arith.constant 4 : i32
      %mul3A_358 = arith.muli %scan3A_269, %mul3A_357 : i32
      %add3A_359 = arith.constant 2 : i32
      %add3A_360 = arith.addi %mul3A_358, %add3A_359 : i32
      %lt3A_361 = arith.constant 9 : i32
      %lt3A_362 = arith.cmpi slt, %scan3A_269, %lt3A_361 : i32
      %convert_element_type3A_363 = arith.extui %lt3A_362 : i1 to i32
      %cond3A_364 = arith.constant 0 : i32
      %cond3A_365 = arith.cmpi ne, %convert_element_type3A_363, %cond3A_364 : i32
      scf.if %cond3A_365 {
        %dma_wait3A_385 = arith.constant 0 : i32
        %dma_wait3A_386 = tpu.memref_slice %arg7[%add3A_360, %dma_wait3A_385] : memref<40x64xi32, #tpu.memory_space<vmem>> -> memref<1x64xi32, #tpu.memory_space<vmem>>
        %dma_wait3A_387 = tpu.memref_squeeze %dma_wait3A_386 : memref<1x64xi32, #tpu.memory_space<vmem>> -> memref<64xi32, #tpu.memory_space<vmem>>
        %dma_wait3A_388 = arith.constant 0 : i32
        %dma_wait3A_389 = arith.constant 0 : i32
        %dma_wait3A_390 = tpu.memref_slice %arg12[%dma_wait3A_388, %dma_wait3A_389] : memref<10112x128xf32, #tpu.memory_space<vmem_shared>> -> memref<10112x128xf32, #tpu.memory_space<vmem_shared>>
        tpu.wait_indirect_dma semaphore(%arg19 : memref<!tpu.dma_semaphore, #tpu.memory_space<semaphore_mem>>) src(%arg10 : memref<64x128xf32, #tpu.memory_space<vmem>>) dst(%dma_wait3A_390 : memref<10112x128xf32, #tpu.memory_space<vmem_shared>>)
        %add3A_391 = arith.constant 4 : i32
        %add3A_392 = arith.addi %add3A_360, %add3A_391 : i32
        %dma_start3A_393 = arith.constant 0 : i32
        %dma_start3A_394 = tpu.memref_slice %arg6[%add3A_392, %dma_start3A_393] : memref<40x64xi32, #tpu.memory_space<vmem>> -> memref<1x64xi32, #tpu.memory_space<vmem>>
        %dma_start3A_395 = tpu.memref_squeeze %dma_start3A_394 : memref<1x64xi32, #tpu.memory_space<vmem>> -> memref<64xi32, #tpu.memory_space<vmem>>
        %dma_start3A_396 = arith.constant 0 : i32
        %dma_start3A_397 = arith.constant 0 : i32
        %dma_start3A_398 = tpu.memref_slice %arg2[%dma_start3A_396, %dma_start3A_397] : memref<80000x128xf32, #tpu.memory_space<hbm>> -> memref<80000x128xf32, #tpu.memory_space<hbm>>
        tpu.enqueue_indirect_dma source(%dma_start3A_398 : memref<80000x128xf32, #tpu.memory_space<hbm>>) target(%arg10 : memref<64x128xf32, #tpu.memory_space<vmem>>) offsets(%dma_start3A_395 : memref<64xi32, #tpu.memory_space<vmem>>) semaphore(%arg15 : memref<!tpu.dma_semaphore, #tpu.memory_space<semaphore_mem>>)
      } else {
      }
      %eq3A_366 = arith.constant 9 : i32
      %eq3A_367 = arith.cmpi eq, %scan3A_269, %eq3A_366 : i32
      %convert_element_type3A_368 = arith.extui %eq3A_367 : i1 to i32
      %cond3A_369 = arith.constant 0 : i32
      %cond3A_370 = arith.cmpi ne, %convert_element_type3A_368, %cond3A_369 : i32
      scf.if %cond3A_370 {
        %dma_wait3A_385 = arith.constant 0 : i32
        %dma_wait3A_386 = tpu.memref_slice %arg7[%add3A_360, %dma_wait3A_385] : memref<40x64xi32, #tpu.memory_space<vmem>> -> memref<1x64xi32, #tpu.memory_space<vmem>>
        %dma_wait3A_387 = tpu.memref_squeeze %dma_wait3A_386 : memref<1x64xi32, #tpu.memory_space<vmem>> -> memref<64xi32, #tpu.memory_space<vmem>>
        %dma_wait3A_388 = arith.constant 0 : i32
        %dma_wait3A_389 = arith.constant 0 : i32
        %dma_wait3A_390 = tpu.memref_slice %arg12[%dma_wait3A_388, %dma_wait3A_389] : memref<10112x128xf32, #tpu.memory_space<vmem_shared>> -> memref<10112x128xf32, #tpu.memory_space<vmem_shared>>
        tpu.wait_indirect_dma semaphore(%arg19 : memref<!tpu.dma_semaphore, #tpu.memory_space<semaphore_mem>>) src(%arg10 : memref<64x128xf32, #tpu.memory_space<vmem>>) dst(%dma_wait3A_390 : memref<10112x128xf32, #tpu.memory_space<vmem_shared>>)
      } else {
      }
      %mul3A_371 = arith.constant 4 : i32
      %mul3A_372 = arith.muli %scan3A_269, %mul3A_371 : i32
      %add3A_373 = arith.constant 3 : i32
      %add3A_374 = arith.addi %mul3A_372, %add3A_373 : i32
      %lt3A_375 = arith.constant 9 : i32
      %lt3A_376 = arith.cmpi slt, %scan3A_269, %lt3A_375 : i32
      %convert_element_type3A_377 = arith.extui %lt3A_376 : i1 to i32
      %cond3A_378 = arith.constant 0 : i32
      %cond3A_379 = arith.cmpi ne, %convert_element_type3A_377, %cond3A_378 : i32
      scf.if %cond3A_379 {
        %dma_wait3A_385 = arith.constant 0 : i32
        %dma_wait3A_386 = tpu.memref_slice %arg7[%add3A_374, %dma_wait3A_385] : memref<40x64xi32, #tpu.memory_space<vmem>> -> memref<1x64xi32, #tpu.memory_space<vmem>>
        %dma_wait3A_387 = tpu.memref_squeeze %dma_wait3A_386 : memref<1x64xi32, #tpu.memory_space<vmem>> -> memref<64xi32, #tpu.memory_space<vmem>>
        %dma_wait3A_388 = arith.constant 0 : i32
        %dma_wait3A_389 = arith.constant 0 : i32
        %dma_wait3A_390 = tpu.memref_slice %arg12[%dma_wait3A_388, %dma_wait3A_389] : memref<10112x128xf32, #tpu.memory_space<vmem_shared>> -> memref<10112x128xf32, #tpu.memory_space<vmem_shared>>
        tpu.wait_indirect_dma semaphore(%arg20 : memref<!tpu.dma_semaphore, #tpu.memory_space<semaphore_mem>>) src(%arg11 : memref<64x128xf32, #tpu.memory_space<vmem>>) dst(%dma_wait3A_390 : memref<10112x128xf32, #tpu.memory_space<vmem_shared>>)
        %add3A_391 = arith.constant 4 : i32
        %add3A_392 = arith.addi %add3A_374, %add3A_391 : i32
        %dma_start3A_393 = arith.constant 0 : i32
        %dma_start3A_394 = tpu.memref_slice %arg6[%add3A_392, %dma_start3A_393] : memref<40x64xi32, #tpu.memory_space<vmem>> -> memref<1x64xi32, #tpu.memory_space<vmem>>
        %dma_start3A_395 = tpu.memref_squeeze %dma_start3A_394 : memref<1x64xi32, #tpu.memory_space<vmem>> -> memref<64xi32, #tpu.memory_space<vmem>>
        %dma_start3A_396 = arith.constant 0 : i32
        %dma_start3A_397 = arith.constant 0 : i32
        %dma_start3A_398 = tpu.memref_slice %arg2[%dma_start3A_396, %dma_start3A_397] : memref<80000x128xf32, #tpu.memory_space<hbm>> -> memref<80000x128xf32, #tpu.memory_space<hbm>>
        tpu.enqueue_indirect_dma source(%dma_start3A_398 : memref<80000x128xf32, #tpu.memory_space<hbm>>) target(%arg11 : memref<64x128xf32, #tpu.memory_space<vmem>>) offsets(%dma_start3A_395 : memref<64xi32, #tpu.memory_space<vmem>>) semaphore(%arg16 : memref<!tpu.dma_semaphore, #tpu.memory_space<semaphore_mem>>)
      } else {
      }
      %eq3A_380 = arith.constant 9 : i32
      %eq3A_381 = arith.cmpi eq, %scan3A_269, %eq3A_380 : i32
      %convert_element_type3A_382 = arith.extui %eq3A_381 : i1 to i32
      %cond3A_383 = arith.constant 0 : i32
      %cond3A_384 = arith.cmpi ne, %convert_element_type3A_382, %cond3A_383 : i32
      scf.if %cond3A_384 {
        %dma_wait3A_385 = arith.constant 0 : i32
        %dma_wait3A_386 = tpu.memref_slice %arg7[%add3A_374, %dma_wait3A_385] : memref<40x64xi32, #tpu.memory_space<vmem>> -> memref<1x64xi32, #tpu.memory_space<vmem>>
        %dma_wait3A_387 = tpu.memref_squeeze %dma_wait3A_386 : memref<1x64xi32, #tpu.memory_space<vmem>> -> memref<64xi32, #tpu.memory_space<vmem>>
        %dma_wait3A_388 = arith.constant 0 : i32
        %dma_wait3A_389 = arith.constant 0 : i32
        %dma_wait3A_390 = tpu.memref_slice %arg12[%dma_wait3A_388, %dma_wait3A_389] : memref<10112x128xf32, #tpu.memory_space<vmem_shared>> -> memref<10112x128xf32, #tpu.memory_space<vmem_shared>>
        tpu.wait_indirect_dma semaphore(%arg20 : memref<!tpu.dma_semaphore, #tpu.memory_space<semaphore_mem>>) src(%arg11 : memref<64x128xf32, #tpu.memory_space<vmem>>) dst(%dma_wait3A_390 : memref<10112x128xf32, #tpu.memory_space<vmem_shared>>)
      } else {
      }
    }
    %scan3A_197 = arith.constant 10 : i32
    %barrier3A_198 = arith.constant 0 : index
    tpu.barrier barrier_id(%barrier3A_198)
    %mul3A_199 = arith.constant 632 : i32
    %mul3A_200 = arith.muli %arg1, %mul3A_199 : i32
    %add3A_201 = arith.constant 0 : i32
    %add3A_202 = arith.addi %mul3A_200, %add3A_201 : i32
    "tpu.region"() ({
      %run_scoped3A = tpu.sem_alloc : memref<!tpu.dma_semaphore, #tpu.memory_space<semaphore_mem>>
      %dma_start3A_269 = arith.constant 0 : i32
      %dma_start3A_270 = arith.constant 0 : i32
      %dma_start3A_271 = tpu.memref_slice %arg8[%dma_start3A_269, %dma_start3A_270] : memref<64x128xf32, #tpu.memory_space<vmem>> -> memref<64x128xf32, #tpu.memory_space<vmem>>
      %dma_start3A_272 = arith.constant 0 : i32
      %dma_start3A_273 = tpu.memref_slice %arg12[%add3A_202, %dma_start3A_272] : memref<10112x128xf32, #tpu.memory_space<vmem_shared>> -> memref<64x128xf32, #tpu.memory_space<vmem_shared>>
      %dma_start3A_274 = arith.constant 0 : i32
      %dma_start3A_275 = arith.constant 0 : i32
      %dma_start3A_276 = tpu.memref_slice %arg8[%dma_start3A_274, %dma_start3A_275] : memref<64x128xf32, #tpu.memory_space<vmem>> -> memref<64x128xf32, #tpu.memory_space<vmem>>
      %dma_start3A_277 = arith.constant 0 : i32
      %dma_start3A_278 = tpu.memref_slice %arg12[%add3A_202, %dma_start3A_277] : memref<10112x128xf32, #tpu.memory_space<vmem_shared>> -> memref<64x128xf32, #tpu.memory_space<vmem_shared>>
      tpu.enqueue_dma source(%dma_start3A_278 : memref<64x128xf32, #tpu.memory_space<vmem_shared>>) target(%dma_start3A_276 : memref<64x128xf32, #tpu.memory_space<vmem>>) target_semaphore(%run_scoped3A : memref<!tpu.dma_semaphore, #tpu.memory_space<semaphore_mem>>)
      %dma_wait3A = arith.constant 0 : i32
      %dma_wait3A_279 = arith.constant 0 : i32
      %dma_wait3A_280 = tpu.memref_slice %arg8[%dma_wait3A, %dma_wait3A_279] : memref<64x128xf32, #tpu.memory_space<vmem>> -> memref<64x128xf32, #tpu.memory_space<vmem>>
      %dma_wait3A_281 = arith.constant 0 : i32
      %dma_wait3A_282 = tpu.memref_slice %arg12[%add3A_202, %dma_wait3A_281] : memref<10112x128xf32, #tpu.memory_space<vmem_shared>> -> memref<64x128xf32, #tpu.memory_space<vmem_shared>>
      %dma_wait3A_283 = arith.constant 0 : i32
      %dma_wait3A_284 = arith.constant 0 : i32
      %dma_wait3A_285 = tpu.memref_slice %arg8[%dma_wait3A_283, %dma_wait3A_284] : memref<64x128xf32, #tpu.memory_space<vmem>> -> memref<64x128xf32, #tpu.memory_space<vmem>>
      %dma_wait3A_286 = arith.constant 0 : i32
      %dma_wait3A_287 = tpu.memref_slice %arg12[%add3A_202, %dma_wait3A_286] : memref<10112x128xf32, #tpu.memory_space<vmem_shared>> -> memref<64x128xf32, #tpu.memory_space<vmem_shared>>
      tpu.wait_dma2 semaphore(%run_scoped3A : memref<!tpu.dma_semaphore, #tpu.memory_space<semaphore_mem>>) src(%dma_wait3A_287 : memref<64x128xf32, #tpu.memory_space<vmem_shared>>) dst(%dma_wait3A_285 : memref<64x128xf32, #tpu.memory_space<vmem>>)
      tpu.yield
    }) : () -> ()
    %mul3A_203 = arith.constant 10112 : i32
    %mul3A_204 = arith.muli %arg0, %mul3A_203 : i32
    %add3A_205 = arith.addi %mul3A_204, %add3A_202 : i32
    "tpu.region"() ({
      %run_scoped3A = tpu.sem_alloc : memref<!tpu.dma_semaphore, #tpu.memory_space<semaphore_mem>>
      %dma_start3A_269 = arith.constant 0 : i32
      %dma_start3A_270 = arith.constant 0 : i32
      %dma_start3A_271 = tpu.memref_slice %arg8[%dma_start3A_269, %dma_start3A_270] : memref<64x128xf32, #tpu.memory_space<vmem>> -> memref<64x128xf32, #tpu.memory_space<vmem>>
      %dma_start3A_272 = arith.constant 0 : i32
      %dma_start3A_273 = tpu.memref_slice %arg5[%add3A_205, %dma_start3A_272] : memref<20224x128xf32, #tpu.memory_space<hbm>> -> memref<64x128xf32, #tpu.memory_space<hbm>>
      %dma_start3A_274 = arith.constant 0 : i32
      %dma_start3A_275 = tpu.memref_slice %arg5[%add3A_205, %dma_start3A_274] : memref<20224x128xf32, #tpu.memory_space<hbm>> -> memref<64x128xf32, #tpu.memory_space<hbm>>
      %dma_start3A_276 = arith.constant 0 : i32
      %dma_start3A_277 = arith.constant 0 : i32
      %dma_start3A_278 = tpu.memref_slice %arg8[%dma_start3A_276, %dma_start3A_277] : memref<64x128xf32, #tpu.memory_space<vmem>> -> memref<64x128xf32, #tpu.memory_space<vmem>>
      tpu.enqueue_dma source(%dma_start3A_278 : memref<64x128xf32, #tpu.memory_space<vmem>>) target(%dma_start3A_275 : memref<64x128xf32, #tpu.memory_space<hbm>>) target_semaphore(%run_scoped3A : memref<!tpu.dma_semaphore, #tpu.memory_space<semaphore_mem>>)
      %dma_wait3A = arith.constant 0 : i32
      %dma_wait3A_279 = arith.constant 0 : i32
      %dma_wait3A_280 = tpu.memref_slice %arg8[%dma_wait3A, %dma_wait3A_279] : memref<64x128xf32, #tpu.memory_space<vmem>> -> memref<64x128xf32, #tpu.memory_space<vmem>>
      %dma_wait3A_281 = arith.constant 0 : i32
      %dma_wait3A_282 = tpu.memref_slice %arg5[%add3A_205, %dma_wait3A_281] : memref<20224x128xf32, #tpu.memory_space<hbm>> -> memref<64x128xf32, #tpu.memory_space<hbm>>
      %dma_wait3A_283 = arith.constant 0 : i32
      %dma_wait3A_284 = tpu.memref_slice %arg5[%add3A_205, %dma_wait3A_283] : memref<20224x128xf32, #tpu.memory_space<hbm>> -> memref<64x128xf32, #tpu.memory_space<hbm>>
      %dma_wait3A_285 = arith.constant 0 : i32
      %dma_wait3A_286 = arith.constant 0 : i32
      %dma_wait3A_287 = tpu.memref_slice %arg8[%dma_wait3A_285, %dma_wait3A_286] : memref<64x128xf32, #tpu.memory_space<vmem>> -> memref<64x128xf32, #tpu.memory_space<vmem>>
      tpu.wait_dma2 semaphore(%run_scoped3A : memref<!tpu.dma_semaphore, #tpu.memory_space<semaphore_mem>>) src(%dma_wait3A_287 : memref<64x128xf32, #tpu.memory_space<vmem>>) dst(%dma_wait3A_284 : memref<64x128xf32, #tpu.memory_space<hbm>>)
      tpu.yield
    }) : () -> ()
    %mul3A_206 = arith.constant 632 : i32
    %mul3A_207 = arith.muli %arg1, %mul3A_206 : i32
    %add3A_208 = arith.constant 64 : i32
    %add3A_209 = arith.addi %mul3A_207, %add3A_208 : i32
    "tpu.region"() ({
      %run_scoped3A = tpu.sem_alloc : memref<!tpu.dma_semaphore, #tpu.memory_space<semaphore_mem>>
      %dma_start3A_269 = arith.constant 0 : i32
      %dma_start3A_270 = arith.constant 0 : i32
      %dma_start3A_271 = tpu.memref_slice %arg8[%dma_start3A_269, %dma_start3A_270] : memref<64x128xf32, #tpu.memory_space<vmem>> -> memref<64x128xf32, #tpu.memory_space<vmem>>
      %dma_start3A_272 = arith.constant 0 : i32
      %dma_start3A_273 = tpu.memref_slice %arg12[%add3A_209, %dma_start3A_272] : memref<10112x128xf32, #tpu.memory_space<vmem_shared>> -> memref<64x128xf32, #tpu.memory_space<vmem_shared>>
      %dma_start3A_274 = arith.constant 0 : i32
      %dma_start3A_275 = arith.constant 0 : i32
      %dma_start3A_276 = tpu.memref_slice %arg8[%dma_start3A_274, %dma_start3A_275] : memref<64x128xf32, #tpu.memory_space<vmem>> -> memref<64x128xf32, #tpu.memory_space<vmem>>
      %dma_start3A_277 = arith.constant 0 : i32
      %dma_start3A_278 = tpu.memref_slice %arg12[%add3A_209, %dma_start3A_277] : memref<10112x128xf32, #tpu.memory_space<vmem_shared>> -> memref<64x128xf32, #tpu.memory_space<vmem_shared>>
      tpu.enqueue_dma source(%dma_start3A_278 : memref<64x128xf32, #tpu.memory_space<vmem_shared>>) target(%dma_start3A_276 : memref<64x128xf32, #tpu.memory_space<vmem>>) target_semaphore(%run_scoped3A : memref<!tpu.dma_semaphore, #tpu.memory_space<semaphore_mem>>)
      %dma_wait3A = arith.constant 0 : i32
      %dma_wait3A_279 = arith.constant 0 : i32
      %dma_wait3A_280 = tpu.memref_slice %arg8[%dma_wait3A, %dma_wait3A_279] : memref<64x128xf32, #tpu.memory_space<vmem>> -> memref<64x128xf32, #tpu.memory_space<vmem>>
      %dma_wait3A_281 = arith.constant 0 : i32
      %dma_wait3A_282 = tpu.memref_slice %arg12[%add3A_209, %dma_wait3A_281] : memref<10112x128xf32, #tpu.memory_space<vmem_shared>> -> memref<64x128xf32, #tpu.memory_space<vmem_shared>>
      %dma_wait3A_283 = arith.constant 0 : i32
      %dma_wait3A_284 = arith.constant 0 : i32
      %dma_wait3A_285 = tpu.memref_slice %arg8[%dma_wait3A_283, %dma_wait3A_284] : memref<64x128xf32, #tpu.memory_space<vmem>> -> memref<64x128xf32, #tpu.memory_space<vmem>>
      %dma_wait3A_286 = arith.constant 0 : i32
      %dma_wait3A_287 = tpu.memref_slice %arg12[%add3A_209, %dma_wait3A_286] : memref<10112x128xf32, #tpu.memory_space<vmem_shared>> -> memref<64x128xf32, #tpu.memory_space<vmem_shared>>
      tpu.wait_dma2 semaphore(%run_scoped3A : memref<!tpu.dma_semaphore, #tpu.memory_space<semaphore_mem>>) src(%dma_wait3A_287 : memref<64x128xf32, #tpu.memory_space<vmem_shared>>) dst(%dma_wait3A_285 : memref<64x128xf32, #tpu.memory_space<vmem>>)
      tpu.yield
    }) : () -> ()
    %mul3A_210 = arith.constant 10112 : i32
    %mul3A_211 = arith.muli %arg0, %mul3A_210 : i32
    %add3A_212 = arith.addi %mul3A_211, %add3A_209 : i32
    "tpu.region"() ({
      %run_scoped3A = tpu.sem_alloc : memref<!tpu.dma_semaphore, #tpu.memory_space<semaphore_mem>>
      %dma_start3A_269 = arith.constant 0 : i32
      %dma_start3A_270 = arith.constant 0 : i32
      %dma_start3A_271 = tpu.memref_slice %arg8[%dma_start3A_269, %dma_start3A_270] : memref<64x128xf32, #tpu.memory_space<vmem>> -> memref<64x128xf32, #tpu.memory_space<vmem>>
      %dma_start3A_272 = arith.constant 0 : i32
      %dma_start3A_273 = tpu.memref_slice %arg5[%add3A_212, %dma_start3A_272] : memref<20224x128xf32, #tpu.memory_space<hbm>> -> memref<64x128xf32, #tpu.memory_space<hbm>>
      %dma_start3A_274 = arith.constant 0 : i32
      %dma_start3A_275 = tpu.memref_slice %arg5[%add3A_212, %dma_start3A_274] : memref<20224x128xf32, #tpu.memory_space<hbm>> -> memref<64x128xf32, #tpu.memory_space<hbm>>
      %dma_start3A_276 = arith.constant 0 : i32
      %dma_start3A_277 = arith.constant 0 : i32
      %dma_start3A_278 = tpu.memref_slice %arg8[%dma_start3A_276, %dma_start3A_277] : memref<64x128xf32, #tpu.memory_space<vmem>> -> memref<64x128xf32, #tpu.memory_space<vmem>>
      tpu.enqueue_dma source(%dma_start3A_278 : memref<64x128xf32, #tpu.memory_space<vmem>>) target(%dma_start3A_275 : memref<64x128xf32, #tpu.memory_space<hbm>>) target_semaphore(%run_scoped3A : memref<!tpu.dma_semaphore, #tpu.memory_space<semaphore_mem>>)
      %dma_wait3A = arith.constant 0 : i32
      %dma_wait3A_279 = arith.constant 0 : i32
      %dma_wait3A_280 = tpu.memref_slice %arg8[%dma_wait3A, %dma_wait3A_279] : memref<64x128xf32, #tpu.memory_space<vmem>> -> memref<64x128xf32, #tpu.memory_space<vmem>>
      %dma_wait3A_281 = arith.constant 0 : i32
      %dma_wait3A_282 = tpu.memref_slice %arg5[%add3A_212, %dma_wait3A_281] : memref<20224x128xf32, #tpu.memory_space<hbm>> -> memref<64x128xf32, #tpu.memory_space<hbm>>
      %dma_wait3A_283 = arith.constant 0 : i32
      %dma_wait3A_284 = tpu.memref_slice %arg5[%add3A_212, %dma_wait3A_283] : memref<20224x128xf32, #tpu.memory_space<hbm>> -> memref<64x128xf32, #tpu.memory_space<hbm>>
      %dma_wait3A_285 = arith.constant 0 : i32
      %dma_wait3A_286 = arith.constant 0 : i32
      %dma_wait3A_287 = tpu.memref_slice %arg8[%dma_wait3A_285, %dma_wait3A_286] : memref<64x128xf32, #tpu.memory_space<vmem>> -> memref<64x128xf32, #tpu.memory_space<vmem>>
      tpu.wait_dma2 semaphore(%run_scoped3A : memref<!tpu.dma_semaphore, #tpu.memory_space<semaphore_mem>>) src(%dma_wait3A_287 : memref<64x128xf32, #tpu.memory_space<vmem>>) dst(%dma_wait3A_284 : memref<64x128xf32, #tpu.memory_space<hbm>>)
      tpu.yield
    }) : () -> ()
    %mul3A_213 = arith.constant 632 : i32
    %mul3A_214 = arith.muli %arg1, %mul3A_213 : i32
    %add3A_215 = arith.constant 128 : i32
    %add3A_216 = arith.addi %mul3A_214, %add3A_215 : i32
    "tpu.region"() ({
      %run_scoped3A = tpu.sem_alloc : memref<!tpu.dma_semaphore, #tpu.memory_space<semaphore_mem>>
      %dma_start3A_269 = arith.constant 0 : i32
      %dma_start3A_270 = arith.constant 0 : i32
      %dma_start3A_271 = tpu.memref_slice %arg8[%dma_start3A_269, %dma_start3A_270] : memref<64x128xf32, #tpu.memory_space<vmem>> -> memref<64x128xf32, #tpu.memory_space<vmem>>
      %dma_start3A_272 = arith.constant 0 : i32
      %dma_start3A_273 = tpu.memref_slice %arg12[%add3A_216, %dma_start3A_272] : memref<10112x128xf32, #tpu.memory_space<vmem_shared>> -> memref<64x128xf32, #tpu.memory_space<vmem_shared>>
      %dma_start3A_274 = arith.constant 0 : i32
      %dma_start3A_275 = arith.constant 0 : i32
      %dma_start3A_276 = tpu.memref_slice %arg8[%dma_start3A_274, %dma_start3A_275] : memref<64x128xf32, #tpu.memory_space<vmem>> -> memref<64x128xf32, #tpu.memory_space<vmem>>
      %dma_start3A_277 = arith.constant 0 : i32
      %dma_start3A_278 = tpu.memref_slice %arg12[%add3A_216, %dma_start3A_277] : memref<10112x128xf32, #tpu.memory_space<vmem_shared>> -> memref<64x128xf32, #tpu.memory_space<vmem_shared>>
      tpu.enqueue_dma source(%dma_start3A_278 : memref<64x128xf32, #tpu.memory_space<vmem_shared>>) target(%dma_start3A_276 : memref<64x128xf32, #tpu.memory_space<vmem>>) target_semaphore(%run_scoped3A : memref<!tpu.dma_semaphore, #tpu.memory_space<semaphore_mem>>)
      %dma_wait3A = arith.constant 0 : i32
      %dma_wait3A_279 = arith.constant 0 : i32
      %dma_wait3A_280 = tpu.memref_slice %arg8[%dma_wait3A, %dma_wait3A_279] : memref<64x128xf32, #tpu.memory_space<vmem>> -> memref<64x128xf32, #tpu.memory_space<vmem>>
      %dma_wait3A_281 = arith.constant 0 : i32
      %dma_wait3A_282 = tpu.memref_slice %arg12[%add3A_216, %dma_wait3A_281] : memref<10112x128xf32, #tpu.memory_space<vmem_shared>> -> memref<64x128xf32, #tpu.memory_space<vmem_shared>>
      %dma_wait3A_283 = arith.constant 0 : i32
      %dma_wait3A_284 = arith.constant 0 : i32
      %dma_wait3A_285 = tpu.memref_slice %arg8[%dma_wait3A_283, %dma_wait3A_284] : memref<64x128xf32, #tpu.memory_space<vmem>> -> memref<64x128xf32, #tpu.memory_space<vmem>>
      %dma_wait3A_286 = arith.constant 0 : i32
      %dma_wait3A_287 = tpu.memref_slice %arg12[%add3A_216, %dma_wait3A_286] : memref<10112x128xf32, #tpu.memory_space<vmem_shared>> -> memref<64x128xf32, #tpu.memory_space<vmem_shared>>
      tpu.wait_dma2 semaphore(%run_scoped3A : memref<!tpu.dma_semaphore, #tpu.memory_space<semaphore_mem>>) src(%dma_wait3A_287 : memref<64x128xf32, #tpu.memory_space<vmem_shared>>) dst(%dma_wait3A_285 : memref<64x128xf32, #tpu.memory_space<vmem>>)
      tpu.yield
    }) : () -> ()
    %mul3A_217 = arith.constant 10112 : i32
    %mul3A_218 = arith.muli %arg0, %mul3A_217 : i32
    %add3A_219 = arith.addi %mul3A_218, %add3A_216 : i32
    "tpu.region"() ({
      %run_scoped3A = tpu.sem_alloc : memref<!tpu.dma_semaphore, #tpu.memory_space<semaphore_mem>>
      %dma_start3A_269 = arith.constant 0 : i32
      %dma_start3A_270 = arith.constant 0 : i32
      %dma_start3A_271 = tpu.memref_slice %arg8[%dma_start3A_269, %dma_start3A_270] : memref<64x128xf32, #tpu.memory_space<vmem>> -> memref<64x128xf32, #tpu.memory_space<vmem>>
      %dma_start3A_272 = arith.constant 0 : i32
      %dma_start3A_273 = tpu.memref_slice %arg5[%add3A_219, %dma_start3A_272] : memref<20224x128xf32, #tpu.memory_space<hbm>> -> memref<64x128xf32, #tpu.memory_space<hbm>>
      %dma_start3A_274 = arith.constant 0 : i32
      %dma_start3A_275 = tpu.memref_slice %arg5[%add3A_219, %dma_start3A_274] : memref<20224x128xf32, #tpu.memory_space<hbm>> -> memref<64x128xf32, #tpu.memory_space<hbm>>
      %dma_start3A_276 = arith.constant 0 : i32
      %dma_start3A_277 = arith.constant 0 : i32
      %dma_start3A_278 = tpu.memref_slice %arg8[%dma_start3A_276, %dma_start3A_277] : memref<64x128xf32, #tpu.memory_space<vmem>> -> memref<64x128xf32, #tpu.memory_space<vmem>>
      tpu.enqueue_dma source(%dma_start3A_278 : memref<64x128xf32, #tpu.memory_space<vmem>>) target(%dma_start3A_275 : memref<64x128xf32, #tpu.memory_space<hbm>>) target_semaphore(%run_scoped3A : memref<!tpu.dma_semaphore, #tpu.memory_space<semaphore_mem>>)
      %dma_wait3A = arith.constant 0 : i32
      %dma_wait3A_279 = arith.constant 0 : i32
      %dma_wait3A_280 = tpu.memref_slice %arg8[%dma_wait3A, %dma_wait3A_279] : memref<64x128xf32, #tpu.memory_space<vmem>> -> memref<64x128xf32, #tpu.memory_space<vmem>>
      %dma_wait3A_281 = arith.constant 0 : i32
      %dma_wait3A_282 = tpu.memref_slice %arg5[%add3A_219, %dma_wait3A_281] : memref<20224x128xf32, #tpu.memory_space<hbm>> -> memref<64x128xf32, #tpu.memory_space<hbm>>
      %dma_wait3A_283 = arith.constant 0 : i32
      %dma_wait3A_284 = tpu.memref_slice %arg5[%add3A_219, %dma_wait3A_283] : memref<20224x128xf32, #tpu.memory_space<hbm>> -> memref<64x128xf32, #tpu.memory_space<hbm>>
      %dma_wait3A_285 = arith.constant 0 : i32
      %dma_wait3A_286 = arith.constant 0 : i32
      %dma_wait3A_287 = tpu.memref_slice %arg8[%dma_wait3A_285, %dma_wait3A_286] : memref<64x128xf32, #tpu.memory_space<vmem>> -> memref<64x128xf32, #tpu.memory_space<vmem>>
      tpu.wait_dma2 semaphore(%run_scoped3A : memref<!tpu.dma_semaphore, #tpu.memory_space<semaphore_mem>>) src(%dma_wait3A_287 : memref<64x128xf32, #tpu.memory_space<vmem>>) dst(%dma_wait3A_284 : memref<64x128xf32, #tpu.memory_space<hbm>>)
      tpu.yield
    }) : () -> ()
    %mul3A_220 = arith.constant 632 : i32
    %mul3A_221 = arith.muli %arg1, %mul3A_220 : i32
    %add3A_222 = arith.constant 192 : i32
    %add3A_223 = arith.addi %mul3A_221, %add3A_222 : i32
    "tpu.region"() ({
      %run_scoped3A = tpu.sem_alloc : memref<!tpu.dma_semaphore, #tpu.memory_space<semaphore_mem>>
      %dma_start3A_269 = arith.constant 0 : i32
      %dma_start3A_270 = arith.constant 0 : i32
      %dma_start3A_271 = tpu.memref_slice %arg8[%dma_start3A_269, %dma_start3A_270] : memref<64x128xf32, #tpu.memory_space<vmem>> -> memref<64x128xf32, #tpu.memory_space<vmem>>
      %dma_start3A_272 = arith.constant 0 : i32
      %dma_start3A_273 = tpu.memref_slice %arg12[%add3A_223, %dma_start3A_272] : memref<10112x128xf32, #tpu.memory_space<vmem_shared>> -> memref<64x128xf32, #tpu.memory_space<vmem_shared>>
      %dma_start3A_274 = arith.constant 0 : i32
      %dma_start3A_275 = arith.constant 0 : i32
      %dma_start3A_276 = tpu.memref_slice %arg8[%dma_start3A_274, %dma_start3A_275] : memref<64x128xf32, #tpu.memory_space<vmem>> -> memref<64x128xf32, #tpu.memory_space<vmem>>
      %dma_start3A_277 = arith.constant 0 : i32
      %dma_start3A_278 = tpu.memref_slice %arg12[%add3A_223, %dma_start3A_277] : memref<10112x128xf32, #tpu.memory_space<vmem_shared>> -> memref<64x128xf32, #tpu.memory_space<vmem_shared>>
      tpu.enqueue_dma source(%dma_start3A_278 : memref<64x128xf32, #tpu.memory_space<vmem_shared>>) target(%dma_start3A_276 : memref<64x128xf32, #tpu.memory_space<vmem>>) target_semaphore(%run_scoped3A : memref<!tpu.dma_semaphore, #tpu.memory_space<semaphore_mem>>)
      %dma_wait3A = arith.constant 0 : i32
      %dma_wait3A_279 = arith.constant 0 : i32
      %dma_wait3A_280 = tpu.memref_slice %arg8[%dma_wait3A, %dma_wait3A_279] : memref<64x128xf32, #tpu.memory_space<vmem>> -> memref<64x128xf32, #tpu.memory_space<vmem>>
      %dma_wait3A_281 = arith.constant 0 : i32
      %dma_wait3A_282 = tpu.memref_slice %arg12[%add3A_223, %dma_wait3A_281] : memref<10112x128xf32, #tpu.memory_space<vmem_shared>> -> memref<64x128xf32, #tpu.memory_space<vmem_shared>>
      %dma_wait3A_283 = arith.constant 0 : i32
      %dma_wait3A_284 = arith.constant 0 : i32
      %dma_wait3A_285 = tpu.memref_slice %arg8[%dma_wait3A_283, %dma_wait3A_284] : memref<64x128xf32, #tpu.memory_space<vmem>> -> memref<64x128xf32, #tpu.memory_space<vmem>>
      %dma_wait3A_286 = arith.constant 0 : i32
      %dma_wait3A_287 = tpu.memref_slice %arg12[%add3A_223, %dma_wait3A_286] : memref<10112x128xf32, #tpu.memory_space<vmem_shared>> -> memref<64x128xf32, #tpu.memory_space<vmem_shared>>
      tpu.wait_dma2 semaphore(%run_scoped3A : memref<!tpu.dma_semaphore, #tpu.memory_space<semaphore_mem>>) src(%dma_wait3A_287 : memref<64x128xf32, #tpu.memory_space<vmem_shared>>) dst(%dma_wait3A_285 : memref<64x128xf32, #tpu.memory_space<vmem>>)
      tpu.yield
    }) : () -> ()
    %mul3A_224 = arith.constant 10112 : i32
    %mul3A_225 = arith.muli %arg0, %mul3A_224 : i32
    %add3A_226 = arith.addi %mul3A_225, %add3A_223 : i32
    "tpu.region"() ({
      %run_scoped3A = tpu.sem_alloc : memref<!tpu.dma_semaphore, #tpu.memory_space<semaphore_mem>>
      %dma_start3A_269 = arith.constant 0 : i32
      %dma_start3A_270 = arith.constant 0 : i32
      %dma_start3A_271 = tpu.memref_slice %arg8[%dma_start3A_269, %dma_start3A_270] : memref<64x128xf32, #tpu.memory_space<vmem>> -> memref<64x128xf32, #tpu.memory_space<vmem>>
      %dma_start3A_272 = arith.constant 0 : i32
      %dma_start3A_273 = tpu.memref_slice %arg5[%add3A_226, %dma_start3A_272] : memref<20224x128xf32, #tpu.memory_space<hbm>> -> memref<64x128xf32, #tpu.memory_space<hbm>>
      %dma_start3A_274 = arith.constant 0 : i32
      %dma_start3A_275 = tpu.memref_slice %arg5[%add3A_226, %dma_start3A_274] : memref<20224x128xf32, #tpu.memory_space<hbm>> -> memref<64x128xf32, #tpu.memory_space<hbm>>
      %dma_start3A_276 = arith.constant 0 : i32
      %dma_start3A_277 = arith.constant 0 : i32
      %dma_start3A_278 = tpu.memref_slice %arg8[%dma_start3A_276, %dma_start3A_277] : memref<64x128xf32, #tpu.memory_space<vmem>> -> memref<64x128xf32, #tpu.memory_space<vmem>>
      tpu.enqueue_dma source(%dma_start3A_278 : memref<64x128xf32, #tpu.memory_space<vmem>>) target(%dma_start3A_275 : memref<64x128xf32, #tpu.memory_space<hbm>>) target_semaphore(%run_scoped3A : memref<!tpu.dma_semaphore, #tpu.memory_space<semaphore_mem>>)
      %dma_wait3A = arith.constant 0 : i32
      %dma_wait3A_279 = arith.constant 0 : i32
      %dma_wait3A_280 = tpu.memref_slice %arg8[%dma_wait3A, %dma_wait3A_279] : memref<64x128xf32, #tpu.memory_space<vmem>> -> memref<64x128xf32, #tpu.memory_space<vmem>>
      %dma_wait3A_281 = arith.constant 0 : i32
      %dma_wait3A_282 = tpu.memref_slice %arg5[%add3A_226, %dma_wait3A_281] : memref<20224x128xf32, #tpu.memory_space<hbm>> -> memref<64x128xf32, #tpu.memory_space<hbm>>
      %dma_wait3A_283 = arith.constant 0 : i32
      %dma_wait3A_284 = tpu.memref_slice %arg5[%add3A_226, %dma_wait3A_283] : memref<20224x128xf32, #tpu.memory_space<hbm>> -> memref<64x128xf32, #tpu.memory_space<hbm>>
      %dma_wait3A_285 = arith.constant 0 : i32
      %dma_wait3A_286 = arith.constant 0 : i32
      %dma_wait3A_287 = tpu.memref_slice %arg8[%dma_wait3A_285, %dma_wait3A_286] : memref<64x128xf32, #tpu.memory_space<vmem>> -> memref<64x128xf32, #tpu.memory_space<vmem>>
      tpu.wait_dma2 semaphore(%run_scoped3A : memref<!tpu.dma_semaphore, #tpu.memory_space<semaphore_mem>>) src(%dma_wait3A_287 : memref<64x128xf32, #tpu.memory_space<vmem>>) dst(%dma_wait3A_284 : memref<64x128xf32, #tpu.memory_space<hbm>>)
      tpu.yield
    }) : () -> ()
    %mul3A_227 = arith.constant 632 : i32
    %mul3A_228 = arith.muli %arg1, %mul3A_227 : i32
    %add3A_229 = arith.constant 256 : i32
    %add3A_230 = arith.addi %mul3A_228, %add3A_229 : i32
    "tpu.region"() ({
      %run_scoped3A = tpu.sem_alloc : memref<!tpu.dma_semaphore, #tpu.memory_space<semaphore_mem>>
      %dma_start3A_269 = arith.constant 0 : i32
      %dma_start3A_270 = arith.constant 0 : i32
      %dma_start3A_271 = tpu.memref_slice %arg8[%dma_start3A_269, %dma_start3A_270] : memref<64x128xf32, #tpu.memory_space<vmem>> -> memref<64x128xf32, #tpu.memory_space<vmem>>
      %dma_start3A_272 = arith.constant 0 : i32
      %dma_start3A_273 = tpu.memref_slice %arg12[%add3A_230, %dma_start3A_272] : memref<10112x128xf32, #tpu.memory_space<vmem_shared>> -> memref<64x128xf32, #tpu.memory_space<vmem_shared>>
      %dma_start3A_274 = arith.constant 0 : i32
      %dma_start3A_275 = arith.constant 0 : i32
      %dma_start3A_276 = tpu.memref_slice %arg8[%dma_start3A_274, %dma_start3A_275] : memref<64x128xf32, #tpu.memory_space<vmem>> -> memref<64x128xf32, #tpu.memory_space<vmem>>
      %dma_start3A_277 = arith.constant 0 : i32
      %dma_start3A_278 = tpu.memref_slice %arg12[%add3A_230, %dma_start3A_277] : memref<10112x128xf32, #tpu.memory_space<vmem_shared>> -> memref<64x128xf32, #tpu.memory_space<vmem_shared>>
      tpu.enqueue_dma source(%dma_start3A_278 : memref<64x128xf32, #tpu.memory_space<vmem_shared>>) target(%dma_start3A_276 : memref<64x128xf32, #tpu.memory_space<vmem>>) target_semaphore(%run_scoped3A : memref<!tpu.dma_semaphore, #tpu.memory_space<semaphore_mem>>)
      %dma_wait3A = arith.constant 0 : i32
      %dma_wait3A_279 = arith.constant 0 : i32
      %dma_wait3A_280 = tpu.memref_slice %arg8[%dma_wait3A, %dma_wait3A_279] : memref<64x128xf32, #tpu.memory_space<vmem>> -> memref<64x128xf32, #tpu.memory_space<vmem>>
      %dma_wait3A_281 = arith.constant 0 : i32
      %dma_wait3A_282 = tpu.memref_slice %arg12[%add3A_230, %dma_wait3A_281] : memref<10112x128xf32, #tpu.memory_space<vmem_shared>> -> memref<64x128xf32, #tpu.memory_space<vmem_shared>>
      %dma_wait3A_283 = arith.constant 0 : i32
      %dma_wait3A_284 = arith.constant 0 : i32
      %dma_wait3A_285 = tpu.memref_slice %arg8[%dma_wait3A_283, %dma_wait3A_284] : memref<64x128xf32, #tpu.memory_space<vmem>> -> memref<64x128xf32, #tpu.memory_space<vmem>>
      %dma_wait3A_286 = arith.constant 0 : i32
      %dma_wait3A_287 = tpu.memref_slice %arg12[%add3A_230, %dma_wait3A_286] : memref<10112x128xf32, #tpu.memory_space<vmem_shared>> -> memref<64x128xf32, #tpu.memory_space<vmem_shared>>
      tpu.wait_dma2 semaphore(%run_scoped3A : memref<!tpu.dma_semaphore, #tpu.memory_space<semaphore_mem>>) src(%dma_wait3A_287 : memref<64x128xf32, #tpu.memory_space<vmem_shared>>) dst(%dma_wait3A_285 : memref<64x128xf32, #tpu.memory_space<vmem>>)
      tpu.yield
    }) : () -> ()
    %mul3A_231 = arith.constant 10112 : i32
    %mul3A_232 = arith.muli %arg0, %mul3A_231 : i32
    %add3A_233 = arith.addi %mul3A_232, %add3A_230 : i32
    "tpu.region"() ({
      %run_scoped3A = tpu.sem_alloc : memref<!tpu.dma_semaphore, #tpu.memory_space<semaphore_mem>>
      %dma_start3A_269 = arith.constant 0 : i32
      %dma_start3A_270 = arith.constant 0 : i32
      %dma_start3A_271 = tpu.memref_slice %arg8[%dma_start3A_269, %dma_start3A_270] : memref<64x128xf32, #tpu.memory_space<vmem>> -> memref<64x128xf32, #tpu.memory_space<vmem>>
      %dma_start3A_272 = arith.constant 0 : i32
      %dma_start3A_273 = tpu.memref_slice %arg5[%add3A_233, %dma_start3A_272] : memref<20224x128xf32, #tpu.memory_space<hbm>> -> memref<64x128xf32, #tpu.memory_space<hbm>>
      %dma_start3A_274 = arith.constant 0 : i32
      %dma_start3A_275 = tpu.memref_slice %arg5[%add3A_233, %dma_start3A_274] : memref<20224x128xf32, #tpu.memory_space<hbm>> -> memref<64x128xf32, #tpu.memory_space<hbm>>
      %dma_start3A_276 = arith.constant 0 : i32
      %dma_start3A_277 = arith.constant 0 : i32
      %dma_start3A_278 = tpu.memref_slice %arg8[%dma_start3A_276, %dma_start3A_277] : memref<64x128xf32, #tpu.memory_space<vmem>> -> memref<64x128xf32, #tpu.memory_space<vmem>>
      tpu.enqueue_dma source(%dma_start3A_278 : memref<64x128xf32, #tpu.memory_space<vmem>>) target(%dma_start3A_275 : memref<64x128xf32, #tpu.memory_space<hbm>>) target_semaphore(%run_scoped3A : memref<!tpu.dma_semaphore, #tpu.memory_space<semaphore_mem>>)
      %dma_wait3A = arith.constant 0 : i32
      %dma_wait3A_279 = arith.constant 0 : i32
      %dma_wait3A_280 = tpu.memref_slice %arg8[%dma_wait3A, %dma_wait3A_279] : memref<64x128xf32, #tpu.memory_space<vmem>> -> memref<64x128xf32, #tpu.memory_space<vmem>>
      %dma_wait3A_281 = arith.constant 0 : i32
      %dma_wait3A_282 = tpu.memref_slice %arg5[%add3A_233, %dma_wait3A_281] : memref<20224x128xf32, #tpu.memory_space<hbm>> -> memref<64x128xf32, #tpu.memory_space<hbm>>
      %dma_wait3A_283 = arith.constant 0 : i32
      %dma_wait3A_284 = tpu.memref_slice %arg5[%add3A_233, %dma_wait3A_283] : memref<20224x128xf32, #tpu.memory_space<hbm>> -> memref<64x128xf32, #tpu.memory_space<hbm>>
      %dma_wait3A_285 = arith.constant 0 : i32
      %dma_wait3A_286 = arith.constant 0 : i32
      %dma_wait3A_287 = tpu.memref_slice %arg8[%dma_wait3A_285, %dma_wait3A_286] : memref<64x128xf32, #tpu.memory_space<vmem>> -> memref<64x128xf32, #tpu.memory_space<vmem>>
      tpu.wait_dma2 semaphore(%run_scoped3A : memref<!tpu.dma_semaphore, #tpu.memory_space<semaphore_mem>>) src(%dma_wait3A_287 : memref<64x128xf32, #tpu.memory_space<vmem>>) dst(%dma_wait3A_284 : memref<64x128xf32, #tpu.memory_space<hbm>>)
      tpu.yield
    }) : () -> ()
    %mul3A_234 = arith.constant 632 : i32
    %mul3A_235 = arith.muli %arg1, %mul3A_234 : i32
    %add3A_236 = arith.constant 320 : i32
    %add3A_237 = arith.addi %mul3A_235, %add3A_236 : i32
    "tpu.region"() ({
      %run_scoped3A = tpu.sem_alloc : memref<!tpu.dma_semaphore, #tpu.memory_space<semaphore_mem>>
      %dma_start3A_269 = arith.constant 0 : i32
      %dma_start3A_270 = arith.constant 0 : i32
      %dma_start3A_271 = tpu.memref_slice %arg8[%dma_start3A_269, %dma_start3A_270] : memref<64x128xf32, #tpu.memory_space<vmem>> -> memref<64x128xf32, #tpu.memory_space<vmem>>
      %dma_start3A_272 = arith.constant 0 : i32
      %dma_start3A_273 = tpu.memref_slice %arg12[%add3A_237, %dma_start3A_272] : memref<10112x128xf32, #tpu.memory_space<vmem_shared>> -> memref<64x128xf32, #tpu.memory_space<vmem_shared>>
      %dma_start3A_274 = arith.constant 0 : i32
      %dma_start3A_275 = arith.constant 0 : i32
      %dma_start3A_276 = tpu.memref_slice %arg8[%dma_start3A_274, %dma_start3A_275] : memref<64x128xf32, #tpu.memory_space<vmem>> -> memref<64x128xf32, #tpu.memory_space<vmem>>
      %dma_start3A_277 = arith.constant 0 : i32
      %dma_start3A_278 = tpu.memref_slice %arg12[%add3A_237, %dma_start3A_277] : memref<10112x128xf32, #tpu.memory_space<vmem_shared>> -> memref<64x128xf32, #tpu.memory_space<vmem_shared>>
      tpu.enqueue_dma source(%dma_start3A_278 : memref<64x128xf32, #tpu.memory_space<vmem_shared>>) target(%dma_start3A_276 : memref<64x128xf32, #tpu.memory_space<vmem>>) target_semaphore(%run_scoped3A : memref<!tpu.dma_semaphore, #tpu.memory_space<semaphore_mem>>)
      %dma_wait3A = arith.constant 0 : i32
      %dma_wait3A_279 = arith.constant 0 : i32
      %dma_wait3A_280 = tpu.memref_slice %arg8[%dma_wait3A, %dma_wait3A_279] : memref<64x128xf32, #tpu.memory_space<vmem>> -> memref<64x128xf32, #tpu.memory_space<vmem>>
      %dma_wait3A_281 = arith.constant 0 : i32
      %dma_wait3A_282 = tpu.memref_slice %arg12[%add3A_237, %dma_wait3A_281] : memref<10112x128xf32, #tpu.memory_space<vmem_shared>> -> memref<64x128xf32, #tpu.memory_space<vmem_shared>>
      %dma_wait3A_283 = arith.constant 0 : i32
      %dma_wait3A_284 = arith.constant 0 : i32
      %dma_wait3A_285 = tpu.memref_slice %arg8[%dma_wait3A_283, %dma_wait3A_284] : memref<64x128xf32, #tpu.memory_space<vmem>> -> memref<64x128xf32, #tpu.memory_space<vmem>>
      %dma_wait3A_286 = arith.constant 0 : i32
      %dma_wait3A_287 = tpu.memref_slice %arg12[%add3A_237, %dma_wait3A_286] : memref<10112x128xf32, #tpu.memory_space<vmem_shared>> -> memref<64x128xf32, #tpu.memory_space<vmem_shared>>
      tpu.wait_dma2 semaphore(%run_scoped3A : memref<!tpu.dma_semaphore, #tpu.memory_space<semaphore_mem>>) src(%dma_wait3A_287 : memref<64x128xf32, #tpu.memory_space<vmem_shared>>) dst(%dma_wait3A_285 : memref<64x128xf32, #tpu.memory_space<vmem>>)
      tpu.yield
    }) : () -> ()
    %mul3A_238 = arith.constant 10112 : i32
    %mul3A_239 = arith.muli %arg0, %mul3A_238 : i32
    %add3A_240 = arith.addi %mul3A_239, %add3A_237 : i32
    "tpu.region"() ({
      %run_scoped3A = tpu.sem_alloc : memref<!tpu.dma_semaphore, #tpu.memory_space<semaphore_mem>>
      %dma_start3A_269 = arith.constant 0 : i32
      %dma_start3A_270 = arith.constant 0 : i32
      %dma_start3A_271 = tpu.memref_slice %arg8[%dma_start3A_269, %dma_start3A_270] : memref<64x128xf32, #tpu.memory_space<vmem>> -> memref<64x128xf32, #tpu.memory_space<vmem>>
      %dma_start3A_272 = arith.constant 0 : i32
      %dma_start3A_273 = tpu.memref_slice %arg5[%add3A_240, %dma_start3A_272] : memref<20224x128xf32, #tpu.memory_space<hbm>> -> memref<64x128xf32, #tpu.memory_space<hbm>>
      %dma_start3A_274 = arith.constant 0 : i32
      %dma_start3A_275 = tpu.memref_slice %arg5[%add3A_240, %dma_start3A_274] : memref<20224x128xf32, #tpu.memory_space<hbm>> -> memref<64x128xf32, #tpu.memory_space<hbm>>
      %dma_start3A_276 = arith.constant 0 : i32
      %dma_start3A_277 = arith.constant 0 : i32
      %dma_start3A_278 = tpu.memref_slice %arg8[%dma_start3A_276, %dma_start3A_277] : memref<64x128xf32, #tpu.memory_space<vmem>> -> memref<64x128xf32, #tpu.memory_space<vmem>>
      tpu.enqueue_dma source(%dma_start3A_278 : memref<64x128xf32, #tpu.memory_space<vmem>>) target(%dma_start3A_275 : memref<64x128xf32, #tpu.memory_space<hbm>>) target_semaphore(%run_scoped3A : memref<!tpu.dma_semaphore, #tpu.memory_space<semaphore_mem>>)
      %dma_wait3A = arith.constant 0 : i32
      %dma_wait3A_279 = arith.constant 0 : i32
      %dma_wait3A_280 = tpu.memref_slice %arg8[%dma_wait3A, %dma_wait3A_279] : memref<64x128xf32, #tpu.memory_space<vmem>> -> memref<64x128xf32, #tpu.memory_space<vmem>>
      %dma_wait3A_281 = arith.constant 0 : i32
      %dma_wait3A_282 = tpu.memref_slice %arg5[%add3A_240, %dma_wait3A_281] : memref<20224x128xf32, #tpu.memory_space<hbm>> -> memref<64x128xf32, #tpu.memory_space<hbm>>
      %dma_wait3A_283 = arith.constant 0 : i32
      %dma_wait3A_284 = tpu.memref_slice %arg5[%add3A_240, %dma_wait3A_283] : memref<20224x128xf32, #tpu.memory_space<hbm>> -> memref<64x128xf32, #tpu.memory_space<hbm>>
      %dma_wait3A_285 = arith.constant 0 : i32
      %dma_wait3A_286 = arith.constant 0 : i32
      %dma_wait3A_287 = tpu.memref_slice %arg8[%dma_wait3A_285, %dma_wait3A_286] : memref<64x128xf32, #tpu.memory_space<vmem>> -> memref<64x128xf32, #tpu.memory_space<vmem>>
      tpu.wait_dma2 semaphore(%run_scoped3A : memref<!tpu.dma_semaphore, #tpu.memory_space<semaphore_mem>>) src(%dma_wait3A_287 : memref<64x128xf32, #tpu.memory_space<vmem>>) dst(%dma_wait3A_284 : memref<64x128xf32, #tpu.memory_space<hbm>>)
      tpu.yield
    }) : () -> ()
    %mul3A_241 = arith.constant 632 : i32
    %mul3A_242 = arith.muli %arg1, %mul3A_241 : i32
    %add3A_243 = arith.constant 384 : i32
    %add3A_244 = arith.addi %mul3A_242, %add3A_243 : i32
    "tpu.region"() ({
      %run_scoped3A = tpu.sem_alloc : memref<!tpu.dma_semaphore, #tpu.memory_space<semaphore_mem>>
      %dma_start3A_269 = arith.constant 0 : i32
      %dma_start3A_270 = arith.constant 0 : i32
      %dma_start3A_271 = tpu.memref_slice %arg8[%dma_start3A_269, %dma_start3A_270] : memref<64x128xf32, #tpu.memory_space<vmem>> -> memref<64x128xf32, #tpu.memory_space<vmem>>
      %dma_start3A_272 = arith.constant 0 : i32
      %dma_start3A_273 = tpu.memref_slice %arg12[%add3A_244, %dma_start3A_272] : memref<10112x128xf32, #tpu.memory_space<vmem_shared>> -> memref<64x128xf32, #tpu.memory_space<vmem_shared>>
      %dma_start3A_274 = arith.constant 0 : i32
      %dma_start3A_275 = arith.constant 0 : i32
      %dma_start3A_276 = tpu.memref_slice %arg8[%dma_start3A_274, %dma_start3A_275] : memref<64x128xf32, #tpu.memory_space<vmem>> -> memref<64x128xf32, #tpu.memory_space<vmem>>
      %dma_start3A_277 = arith.constant 0 : i32
      %dma_start3A_278 = tpu.memref_slice %arg12[%add3A_244, %dma_start3A_277] : memref<10112x128xf32, #tpu.memory_space<vmem_shared>> -> memref<64x128xf32, #tpu.memory_space<vmem_shared>>
      tpu.enqueue_dma source(%dma_start3A_278 : memref<64x128xf32, #tpu.memory_space<vmem_shared>>) target(%dma_start3A_276 : memref<64x128xf32, #tpu.memory_space<vmem>>) target_semaphore(%run_scoped3A : memref<!tpu.dma_semaphore, #tpu.memory_space<semaphore_mem>>)
      %dma_wait3A = arith.constant 0 : i32
      %dma_wait3A_279 = arith.constant 0 : i32
      %dma_wait3A_280 = tpu.memref_slice %arg8[%dma_wait3A, %dma_wait3A_279] : memref<64x128xf32, #tpu.memory_space<vmem>> -> memref<64x128xf32, #tpu.memory_space<vmem>>
      %dma_wait3A_281 = arith.constant 0 : i32
      %dma_wait3A_282 = tpu.memref_slice %arg12[%add3A_244, %dma_wait3A_281] : memref<10112x128xf32, #tpu.memory_space<vmem_shared>> -> memref<64x128xf32, #tpu.memory_space<vmem_shared>>
      %dma_wait3A_283 = arith.constant 0 : i32
      %dma_wait3A_284 = arith.constant 0 : i32
      %dma_wait3A_285 = tpu.memref_slice %arg8[%dma_wait3A_283, %dma_wait3A_284] : memref<64x128xf32, #tpu.memory_space<vmem>> -> memref<64x128xf32, #tpu.memory_space<vmem>>
      %dma_wait3A_286 = arith.constant 0 : i32
      %dma_wait3A_287 = tpu.memref_slice %arg12[%add3A_244, %dma_wait3A_286] : memref<10112x128xf32, #tpu.memory_space<vmem_shared>> -> memref<64x128xf32, #tpu.memory_space<vmem_shared>>
      tpu.wait_dma2 semaphore(%run_scoped3A : memref<!tpu.dma_semaphore, #tpu.memory_space<semaphore_mem>>) src(%dma_wait3A_287 : memref<64x128xf32, #tpu.memory_space<vmem_shared>>) dst(%dma_wait3A_285 : memref<64x128xf32, #tpu.memory_space<vmem>>)
      tpu.yield
    }) : () -> ()
    %mul3A_245 = arith.constant 10112 : i32
    %mul3A_246 = arith.muli %arg0, %mul3A_245 : i32
    %add3A_247 = arith.addi %mul3A_246, %add3A_244 : i32
    "tpu.region"() ({
      %run_scoped3A = tpu.sem_alloc : memref<!tpu.dma_semaphore, #tpu.memory_space<semaphore_mem>>
      %dma_start3A_269 = arith.constant 0 : i32
      %dma_start3A_270 = arith.constant 0 : i32
      %dma_start3A_271 = tpu.memref_slice %arg8[%dma_start3A_269, %dma_start3A_270] : memref<64x128xf32, #tpu.memory_space<vmem>> -> memref<64x128xf32, #tpu.memory_space<vmem>>
      %dma_start3A_272 = arith.constant 0 : i32
      %dma_start3A_273 = tpu.memref_slice %arg5[%add3A_247, %dma_start3A_272] : memref<20224x128xf32, #tpu.memory_space<hbm>> -> memref<64x128xf32, #tpu.memory_space<hbm>>
      %dma_start3A_274 = arith.constant 0 : i32
      %dma_start3A_275 = tpu.memref_slice %arg5[%add3A_247, %dma_start3A_274] : memref<20224x128xf32, #tpu.memory_space<hbm>> -> memref<64x128xf32, #tpu.memory_space<hbm>>
      %dma_start3A_276 = arith.constant 0 : i32
      %dma_start3A_277 = arith.constant 0 : i32
      %dma_start3A_278 = tpu.memref_slice %arg8[%dma_start3A_276, %dma_start3A_277] : memref<64x128xf32, #tpu.memory_space<vmem>> -> memref<64x128xf32, #tpu.memory_space<vmem>>
      tpu.enqueue_dma source(%dma_start3A_278 : memref<64x128xf32, #tpu.memory_space<vmem>>) target(%dma_start3A_275 : memref<64x128xf32, #tpu.memory_space<hbm>>) target_semaphore(%run_scoped3A : memref<!tpu.dma_semaphore, #tpu.memory_space<semaphore_mem>>)
      %dma_wait3A = arith.constant 0 : i32
      %dma_wait3A_279 = arith.constant 0 : i32
      %dma_wait3A_280 = tpu.memref_slice %arg8[%dma_wait3A, %dma_wait3A_279] : memref<64x128xf32, #tpu.memory_space<vmem>> -> memref<64x128xf32, #tpu.memory_space<vmem>>
      %dma_wait3A_281 = arith.constant 0 : i32
      %dma_wait3A_282 = tpu.memref_slice %arg5[%add3A_247, %dma_wait3A_281] : memref<20224x128xf32, #tpu.memory_space<hbm>> -> memref<64x128xf32, #tpu.memory_space<hbm>>
      %dma_wait3A_283 = arith.constant 0 : i32
      %dma_wait3A_284 = tpu.memref_slice %arg5[%add3A_247, %dma_wait3A_283] : memref<20224x128xf32, #tpu.memory_space<hbm>> -> memref<64x128xf32, #tpu.memory_space<hbm>>
      %dma_wait3A_285 = arith.constant 0 : i32
      %dma_wait3A_286 = arith.constant 0 : i32
      %dma_wait3A_287 = tpu.memref_slice %arg8[%dma_wait3A_285, %dma_wait3A_286] : memref<64x128xf32, #tpu.memory_space<vmem>> -> memref<64x128xf32, #tpu.memory_space<vmem>>
      tpu.wait_dma2 semaphore(%run_scoped3A : memref<!tpu.dma_semaphore, #tpu.memory_space<semaphore_mem>>) src(%dma_wait3A_287 : memref<64x128xf32, #tpu.memory_space<vmem>>) dst(%dma_wait3A_284 : memref<64x128xf32, #tpu.memory_space<hbm>>)
      tpu.yield
    }) : () -> ()
    %mul3A_248 = arith.constant 632 : i32
    %mul3A_249 = arith.muli %arg1, %mul3A_248 : i32
    %add3A_250 = arith.constant 448 : i32
    %add3A_251 = arith.addi %mul3A_249, %add3A_250 : i32
    "tpu.region"() ({
      %run_scoped3A = tpu.sem_alloc : memref<!tpu.dma_semaphore, #tpu.memory_space<semaphore_mem>>
      %dma_start3A_269 = arith.constant 0 : i32
      %dma_start3A_270 = arith.constant 0 : i32
      %dma_start3A_271 = tpu.memref_slice %arg8[%dma_start3A_269, %dma_start3A_270] : memref<64x128xf32, #tpu.memory_space<vmem>> -> memref<64x128xf32, #tpu.memory_space<vmem>>
      %dma_start3A_272 = arith.constant 0 : i32
      %dma_start3A_273 = tpu.memref_slice %arg12[%add3A_251, %dma_start3A_272] : memref<10112x128xf32, #tpu.memory_space<vmem_shared>> -> memref<64x128xf32, #tpu.memory_space<vmem_shared>>
      %dma_start3A_274 = arith.constant 0 : i32
      %dma_start3A_275 = arith.constant 0 : i32
      %dma_start3A_276 = tpu.memref_slice %arg8[%dma_start3A_274, %dma_start3A_275] : memref<64x128xf32, #tpu.memory_space<vmem>> -> memref<64x128xf32, #tpu.memory_space<vmem>>
      %dma_start3A_277 = arith.constant 0 : i32
      %dma_start3A_278 = tpu.memref_slice %arg12[%add3A_251, %dma_start3A_277] : memref<10112x128xf32, #tpu.memory_space<vmem_shared>> -> memref<64x128xf32, #tpu.memory_space<vmem_shared>>
      tpu.enqueue_dma source(%dma_start3A_278 : memref<64x128xf32, #tpu.memory_space<vmem_shared>>) target(%dma_start3A_276 : memref<64x128xf32, #tpu.memory_space<vmem>>) target_semaphore(%run_scoped3A : memref<!tpu.dma_semaphore, #tpu.memory_space<semaphore_mem>>)
      %dma_wait3A = arith.constant 0 : i32
      %dma_wait3A_279 = arith.constant 0 : i32
      %dma_wait3A_280 = tpu.memref_slice %arg8[%dma_wait3A, %dma_wait3A_279] : memref<64x128xf32, #tpu.memory_space<vmem>> -> memref<64x128xf32, #tpu.memory_space<vmem>>
      %dma_wait3A_281 = arith.constant 0 : i32
      %dma_wait3A_282 = tpu.memref_slice %arg12[%add3A_251, %dma_wait3A_281] : memref<10112x128xf32, #tpu.memory_space<vmem_shared>> -> memref<64x128xf32, #tpu.memory_space<vmem_shared>>
      %dma_wait3A_283 = arith.constant 0 : i32
      %dma_wait3A_284 = arith.constant 0 : i32
      %dma_wait3A_285 = tpu.memref_slice %arg8[%dma_wait3A_283, %dma_wait3A_284] : memref<64x128xf32, #tpu.memory_space<vmem>> -> memref<64x128xf32, #tpu.memory_space<vmem>>
      %dma_wait3A_286 = arith.constant 0 : i32
      %dma_wait3A_287 = tpu.memref_slice %arg12[%add3A_251, %dma_wait3A_286] : memref<10112x128xf32, #tpu.memory_space<vmem_shared>> -> memref<64x128xf32, #tpu.memory_space<vmem_shared>>
      tpu.wait_dma2 semaphore(%run_scoped3A : memref<!tpu.dma_semaphore, #tpu.memory_space<semaphore_mem>>) src(%dma_wait3A_287 : memref<64x128xf32, #tpu.memory_space<vmem_shared>>) dst(%dma_wait3A_285 : memref<64x128xf32, #tpu.memory_space<vmem>>)
      tpu.yield
    }) : () -> ()
    %mul3A_252 = arith.constant 10112 : i32
    %mul3A_253 = arith.muli %arg0, %mul3A_252 : i32
    %add3A_254 = arith.addi %mul3A_253, %add3A_251 : i32
    "tpu.region"() ({
      %run_scoped3A = tpu.sem_alloc : memref<!tpu.dma_semaphore, #tpu.memory_space<semaphore_mem>>
      %dma_start3A_269 = arith.constant 0 : i32
      %dma_start3A_270 = arith.constant 0 : i32
      %dma_start3A_271 = tpu.memref_slice %arg8[%dma_start3A_269, %dma_start3A_270] : memref<64x128xf32, #tpu.memory_space<vmem>> -> memref<64x128xf32, #tpu.memory_space<vmem>>
      %dma_start3A_272 = arith.constant 0 : i32
      %dma_start3A_273 = tpu.memref_slice %arg5[%add3A_254, %dma_start3A_272] : memref<20224x128xf32, #tpu.memory_space<hbm>> -> memref<64x128xf32, #tpu.memory_space<hbm>>
      %dma_start3A_274 = arith.constant 0 : i32
      %dma_start3A_275 = tpu.memref_slice %arg5[%add3A_254, %dma_start3A_274] : memref<20224x128xf32, #tpu.memory_space<hbm>> -> memref<64x128xf32, #tpu.memory_space<hbm>>
      %dma_start3A_276 = arith.constant 0 : i32
      %dma_start3A_277 = arith.constant 0 : i32
      %dma_start3A_278 = tpu.memref_slice %arg8[%dma_start3A_276, %dma_start3A_277] : memref<64x128xf32, #tpu.memory_space<vmem>> -> memref<64x128xf32, #tpu.memory_space<vmem>>
      tpu.enqueue_dma source(%dma_start3A_278 : memref<64x128xf32, #tpu.memory_space<vmem>>) target(%dma_start3A_275 : memref<64x128xf32, #tpu.memory_space<hbm>>) target_semaphore(%run_scoped3A : memref<!tpu.dma_semaphore, #tpu.memory_space<semaphore_mem>>)
      %dma_wait3A = arith.constant 0 : i32
      %dma_wait3A_279 = arith.constant 0 : i32
      %dma_wait3A_280 = tpu.memref_slice %arg8[%dma_wait3A, %dma_wait3A_279] : memref<64x128xf32, #tpu.memory_space<vmem>> -> memref<64x128xf32, #tpu.memory_space<vmem>>
      %dma_wait3A_281 = arith.constant 0 : i32
      %dma_wait3A_282 = tpu.memref_slice %arg5[%add3A_254, %dma_wait3A_281] : memref<20224x128xf32, #tpu.memory_space<hbm>> -> memref<64x128xf32, #tpu.memory_space<hbm>>
      %dma_wait3A_283 = arith.constant 0 : i32
      %dma_wait3A_284 = tpu.memref_slice %arg5[%add3A_254, %dma_wait3A_283] : memref<20224x128xf32, #tpu.memory_space<hbm>> -> memref<64x128xf32, #tpu.memory_space<hbm>>
      %dma_wait3A_285 = arith.constant 0 : i32
      %dma_wait3A_286 = arith.constant 0 : i32
      %dma_wait3A_287 = tpu.memref_slice %arg8[%dma_wait3A_285, %dma_wait3A_286] : memref<64x128xf32, #tpu.memory_space<vmem>> -> memref<64x128xf32, #tpu.memory_space<vmem>>
      tpu.wait_dma2 semaphore(%run_scoped3A : memref<!tpu.dma_semaphore, #tpu.memory_space<semaphore_mem>>) src(%dma_wait3A_287 : memref<64x128xf32, #tpu.memory_space<vmem>>) dst(%dma_wait3A_284 : memref<64x128xf32, #tpu.memory_space<hbm>>)
      tpu.yield
    }) : () -> ()
    %mul3A_255 = arith.constant 632 : i32
    %mul3A_256 = arith.muli %arg1, %mul3A_255 : i32
    %add3A_257 = arith.constant 512 : i32
    %add3A_258 = arith.addi %mul3A_256, %add3A_257 : i32
    "tpu.region"() ({
      %run_scoped3A = tpu.sem_alloc : memref<!tpu.dma_semaphore, #tpu.memory_space<semaphore_mem>>
      %dma_start3A_269 = arith.constant 0 : i32
      %dma_start3A_270 = arith.constant 0 : i32
      %dma_start3A_271 = tpu.memref_slice %arg8[%dma_start3A_269, %dma_start3A_270] : memref<64x128xf32, #tpu.memory_space<vmem>> -> memref<64x128xf32, #tpu.memory_space<vmem>>
      %dma_start3A_272 = arith.constant 0 : i32
      %dma_start3A_273 = tpu.memref_slice %arg12[%add3A_258, %dma_start3A_272] : memref<10112x128xf32, #tpu.memory_space<vmem_shared>> -> memref<64x128xf32, #tpu.memory_space<vmem_shared>>
      %dma_start3A_274 = arith.constant 0 : i32
      %dma_start3A_275 = arith.constant 0 : i32
      %dma_start3A_276 = tpu.memref_slice %arg8[%dma_start3A_274, %dma_start3A_275] : memref<64x128xf32, #tpu.memory_space<vmem>> -> memref<64x128xf32, #tpu.memory_space<vmem>>
      %dma_start3A_277 = arith.constant 0 : i32
      %dma_start3A_278 = tpu.memref_slice %arg12[%add3A_258, %dma_start3A_277] : memref<10112x128xf32, #tpu.memory_space<vmem_shared>> -> memref<64x128xf32, #tpu.memory_space<vmem_shared>>
      tpu.enqueue_dma source(%dma_start3A_278 : memref<64x128xf32, #tpu.memory_space<vmem_shared>>) target(%dma_start3A_276 : memref<64x128xf32, #tpu.memory_space<vmem>>) target_semaphore(%run_scoped3A : memref<!tpu.dma_semaphore, #tpu.memory_space<semaphore_mem>>)
      %dma_wait3A = arith.constant 0 : i32
      %dma_wait3A_279 = arith.constant 0 : i32
      %dma_wait3A_280 = tpu.memref_slice %arg8[%dma_wait3A, %dma_wait3A_279] : memref<64x128xf32, #tpu.memory_space<vmem>> -> memref<64x128xf32, #tpu.memory_space<vmem>>
      %dma_wait3A_281 = arith.constant 0 : i32
      %dma_wait3A_282 = tpu.memref_slice %arg12[%add3A_258, %dma_wait3A_281] : memref<10112x128xf32, #tpu.memory_space<vmem_shared>> -> memref<64x128xf32, #tpu.memory_space<vmem_shared>>
      %dma_wait3A_283 = arith.constant 0 : i32
      %dma_wait3A_284 = arith.constant 0 : i32
      %dma_wait3A_285 = tpu.memref_slice %arg8[%dma_wait3A_283, %dma_wait3A_284] : memref<64x128xf32, #tpu.memory_space<vmem>> -> memref<64x128xf32, #tpu.memory_space<vmem>>
      %dma_wait3A_286 = arith.constant 0 : i32
      %dma_wait3A_287 = tpu.memref_slice %arg12[%add3A_258, %dma_wait3A_286] : memref<10112x128xf32, #tpu.memory_space<vmem_shared>> -> memref<64x128xf32, #tpu.memory_space<vmem_shared>>
      tpu.wait_dma2 semaphore(%run_scoped3A : memref<!tpu.dma_semaphore, #tpu.memory_space<semaphore_mem>>) src(%dma_wait3A_287 : memref<64x128xf32, #tpu.memory_space<vmem_shared>>) dst(%dma_wait3A_285 : memref<64x128xf32, #tpu.memory_space<vmem>>)
      tpu.yield
    }) : () -> ()
    %mul3A_259 = arith.constant 10112 : i32
    %mul3A_260 = arith.muli %arg0, %mul3A_259 : i32
    %add3A_261 = arith.addi %mul3A_260, %add3A_258 : i32
    "tpu.region"() ({
      %run_scoped3A = tpu.sem_alloc : memref<!tpu.dma_semaphore, #tpu.memory_space<semaphore_mem>>
      %dma_start3A_269 = arith.constant 0 : i32
      %dma_start3A_270 = arith.constant 0 : i32
      %dma_start3A_271 = tpu.memref_slice %arg8[%dma_start3A_269, %dma_start3A_270] : memref<64x128xf32, #tpu.memory_space<vmem>> -> memref<64x128xf32, #tpu.memory_space<vmem>>
      %dma_start3A_272 = arith.constant 0 : i32
      %dma_start3A_273 = tpu.memref_slice %arg5[%add3A_261, %dma_start3A_272] : memref<20224x128xf32, #tpu.memory_space<hbm>> -> memref<64x128xf32, #tpu.memory_space<hbm>>
      %dma_start3A_274 = arith.constant 0 : i32
      %dma_start3A_275 = tpu.memref_slice %arg5[%add3A_261, %dma_start3A_274] : memref<20224x128xf32, #tpu.memory_space<hbm>> -> memref<64x128xf32, #tpu.memory_space<hbm>>
      %dma_start3A_276 = arith.constant 0 : i32
      %dma_start3A_277 = arith.constant 0 : i32
      %dma_start3A_278 = tpu.memref_slice %arg8[%dma_start3A_276, %dma_start3A_277] : memref<64x128xf32, #tpu.memory_space<vmem>> -> memref<64x128xf32, #tpu.memory_space<vmem>>
      tpu.enqueue_dma source(%dma_start3A_278 : memref<64x128xf32, #tpu.memory_space<vmem>>) target(%dma_start3A_275 : memref<64x128xf32, #tpu.memory_space<hbm>>) target_semaphore(%run_scoped3A : memref<!tpu.dma_semaphore, #tpu.memory_space<semaphore_mem>>)
      %dma_wait3A = arith.constant 0 : i32
      %dma_wait3A_279 = arith.constant 0 : i32
      %dma_wait3A_280 = tpu.memref_slice %arg8[%dma_wait3A, %dma_wait3A_279] : memref<64x128xf32, #tpu.memory_space<vmem>> -> memref<64x128xf32, #tpu.memory_space<vmem>>
      %dma_wait3A_281 = arith.constant 0 : i32
      %dma_wait3A_282 = tpu.memref_slice %arg5[%add3A_261, %dma_wait3A_281] : memref<20224x128xf32, #tpu.memory_space<hbm>> -> memref<64x128xf32, #tpu.memory_space<hbm>>
      %dma_wait3A_283 = arith.constant 0 : i32
      %dma_wait3A_284 = tpu.memref_slice %arg5[%add3A_261, %dma_wait3A_283] : memref<20224x128xf32, #tpu.memory_space<hbm>> -> memref<64x128xf32, #tpu.memory_space<hbm>>
      %dma_wait3A_285 = arith.constant 0 : i32
      %dma_wait3A_286 = arith.constant 0 : i32
      %dma_wait3A_287 = tpu.memref_slice %arg8[%dma_wait3A_285, %dma_wait3A_286] : memref<64x128xf32, #tpu.memory_space<vmem>> -> memref<64x128xf32, #tpu.memory_space<vmem>>
      tpu.wait_dma2 semaphore(%run_scoped3A : memref<!tpu.dma_semaphore, #tpu.memory_space<semaphore_mem>>) src(%dma_wait3A_287 : memref<64x128xf32, #tpu.memory_space<vmem>>) dst(%dma_wait3A_284 : memref<64x128xf32, #tpu.memory_space<hbm>>)
      tpu.yield
    }) : () -> ()
    %mul3A_262 = arith.constant 632 : i32
    %mul3A_263 = arith.muli %arg1, %mul3A_262 : i32
    %add3A_264 = arith.constant 576 : i32
    %add3A_265 = arith.addi %mul3A_263, %add3A_264 : i32
    "tpu.region"() ({
      %run_scoped3A = tpu.sem_alloc : memref<!tpu.dma_semaphore, #tpu.memory_space<semaphore_mem>>
      %dma_start3A_269 = arith.constant 0 : i32
      %dma_start3A_270 = arith.constant 0 : i32
      %dma_start3A_271 = tpu.memref_slice %arg8[%dma_start3A_269, %dma_start3A_270] : memref<64x128xf32, #tpu.memory_space<vmem>> -> memref<56x128xf32, #tpu.memory_space<vmem>>
      %dma_start3A_272 = arith.constant 0 : i32
      %dma_start3A_273 = tpu.memref_slice %arg12[%add3A_265, %dma_start3A_272] : memref<10112x128xf32, #tpu.memory_space<vmem_shared>> -> memref<56x128xf32, #tpu.memory_space<vmem_shared>>
      %dma_start3A_274 = arith.constant 0 : i32
      %dma_start3A_275 = arith.constant 0 : i32
      %dma_start3A_276 = tpu.memref_slice %arg8[%dma_start3A_274, %dma_start3A_275] : memref<64x128xf32, #tpu.memory_space<vmem>> -> memref<56x128xf32, #tpu.memory_space<vmem>>
      %dma_start3A_277 = arith.constant 0 : i32
      %dma_start3A_278 = tpu.memref_slice %arg12[%add3A_265, %dma_start3A_277] : memref<10112x128xf32, #tpu.memory_space<vmem_shared>> -> memref<56x128xf32, #tpu.memory_space<vmem_shared>>
      tpu.enqueue_dma source(%dma_start3A_278 : memref<56x128xf32, #tpu.memory_space<vmem_shared>>) target(%dma_start3A_276 : memref<56x128xf32, #tpu.memory_space<vmem>>) target_semaphore(%run_scoped3A : memref<!tpu.dma_semaphore, #tpu.memory_space<semaphore_mem>>)
      %dma_wait3A = arith.constant 0 : i32
      %dma_wait3A_279 = arith.constant 0 : i32
      %dma_wait3A_280 = tpu.memref_slice %arg8[%dma_wait3A, %dma_wait3A_279] : memref<64x128xf32, #tpu.memory_space<vmem>> -> memref<56x128xf32, #tpu.memory_space<vmem>>
      %dma_wait3A_281 = arith.constant 0 : i32
      %dma_wait3A_282 = tpu.memref_slice %arg12[%add3A_265, %dma_wait3A_281] : memref<10112x128xf32, #tpu.memory_space<vmem_shared>> -> memref<56x128xf32, #tpu.memory_space<vmem_shared>>
      %dma_wait3A_283 = arith.constant 0 : i32
      %dma_wait3A_284 = arith.constant 0 : i32
      %dma_wait3A_285 = tpu.memref_slice %arg8[%dma_wait3A_283, %dma_wait3A_284] : memref<64x128xf32, #tpu.memory_space<vmem>> -> memref<56x128xf32, #tpu.memory_space<vmem>>
      %dma_wait3A_286 = arith.constant 0 : i32
      %dma_wait3A_287 = tpu.memref_slice %arg12[%add3A_265, %dma_wait3A_286] : memref<10112x128xf32, #tpu.memory_space<vmem_shared>> -> memref<56x128xf32, #tpu.memory_space<vmem_shared>>
      tpu.wait_dma2 semaphore(%run_scoped3A : memref<!tpu.dma_semaphore, #tpu.memory_space<semaphore_mem>>) src(%dma_wait3A_287 : memref<56x128xf32, #tpu.memory_space<vmem_shared>>) dst(%dma_wait3A_285 : memref<56x128xf32, #tpu.memory_space<vmem>>)
      tpu.yield
    }) : () -> ()
    %mul3A_266 = arith.constant 10112 : i32
    %mul3A_267 = arith.muli %arg0, %mul3A_266 : i32
    %add3A_268 = arith.addi %mul3A_267, %add3A_265 : i32
    "tpu.region"() ({
      %run_scoped3A = tpu.sem_alloc : memref<!tpu.dma_semaphore, #tpu.memory_space<semaphore_mem>>
      %dma_start3A_269 = arith.constant 0 : i32
      %dma_start3A_270 = arith.constant 0 : i32
      %dma_start3A_271 = tpu.memref_slice %arg8[%dma_start3A_269, %dma_start3A_270] : memref<64x128xf32, #tpu.memory_space<vmem>> -> memref<56x128xf32, #tpu.memory_space<vmem>>
      %dma_start3A_272 = arith.constant 0 : i32
      %dma_start3A_273 = tpu.memref_slice %arg5[%add3A_268, %dma_start3A_272] : memref<20224x128xf32, #tpu.memory_space<hbm>> -> memref<56x128xf32, #tpu.memory_space<hbm>>
      %dma_start3A_274 = arith.constant 0 : i32
      %dma_start3A_275 = tpu.memref_slice %arg5[%add3A_268, %dma_start3A_274] : memref<20224x128xf32, #tpu.memory_space<hbm>> -> memref<56x128xf32, #tpu.memory_space<hbm>>
      %dma_start3A_276 = arith.constant 0 : i32
      %dma_start3A_277 = arith.constant 0 : i32
      %dma_start3A_278 = tpu.memref_slice %arg8[%dma_start3A_276, %dma_start3A_277] : memref<64x128xf32, #tpu.memory_space<vmem>> -> memref<56x128xf32, #tpu.memory_space<vmem>>
      tpu.enqueue_dma source(%dma_start3A_278 : memref<56x128xf32, #tpu.memory_space<vmem>>) target(%dma_start3A_275 : memref<56x128xf32, #tpu.memory_space<hbm>>) target_semaphore(%run_scoped3A : memref<!tpu.dma_semaphore, #tpu.memory_space<semaphore_mem>>)
      %dma_wait3A = arith.constant 0 : i32
      %dma_wait3A_279 = arith.constant 0 : i32
      %dma_wait3A_280 = tpu.memref_slice %arg8[%dma_wait3A, %dma_wait3A_279] : memref<64x128xf32, #tpu.memory_space<vmem>> -> memref<56x128xf32, #tpu.memory_space<vmem>>
      %dma_wait3A_281 = arith.constant 0 : i32
      %dma_wait3A_282 = tpu.memref_slice %arg5[%add3A_268, %dma_wait3A_281] : memref<20224x128xf32, #tpu.memory_space<hbm>> -> memref<56x128xf32, #tpu.memory_space<hbm>>
      %dma_wait3A_283 = arith.constant 0 : i32
      %dma_wait3A_284 = tpu.memref_slice %arg5[%add3A_268, %dma_wait3A_283] : memref<20224x128xf32, #tpu.memory_space<hbm>> -> memref<56x128xf32, #tpu.memory_space<hbm>>
      %dma_wait3A_285 = arith.constant 0 : i32
      %dma_wait3A_286 = arith.constant 0 : i32
      %dma_wait3A_287 = tpu.memref_slice %arg8[%dma_wait3A_285, %dma_wait3A_286] : memref<64x128xf32, #tpu.memory_space<vmem>> -> memref<56x128xf32, #tpu.memory_space<vmem>>
      tpu.wait_dma2 semaphore(%run_scoped3A : memref<!tpu.dma_semaphore, #tpu.memory_space<semaphore_mem>>) src(%dma_wait3A_287 : memref<56x128xf32, #tpu.memory_space<vmem>>) dst(%dma_wait3A_284 : memref<56x128xf32, #tpu.memory_space<hbm>>)
      tpu.yield
    }) : () -> ()
    return
  }
}

module attributes {stable_mosaic.version = 14 : i64} {
  func.func @_xscaled_body(%arg0: i32, %arg1: i32, %arg2: memref<1000x128xf32, #tpu.memory_space<vmem>>, %arg3: memref<1x128x128xf32, #tpu.memory_space<vmem>>, %arg4: memref<1x1x128xf32, #tpu.memory_space<vmem>>, %arg5: memref<64x64xi32, #tpu.memory_space<vmem>>, %arg6: memref<64x64xi32, #tpu.memory_space<vmem>>, %arg7: memref<1000x128xf32, #tpu.memory_space<vmem>>, %arg8: memref<64x64xi32, #tpu.memory_space<vmem>>) attributes {dimension_semantics = [#tpu.dimension_semantics<arbitrary>, #tpu.dimension_semantics<arbitrary>], iteration_bounds = array<i64: 10, 8>, scalar_prefetch = 0 : i64, scratch_operands = 0 : i64, tpu.core_type = #tpu.core_type<tc>, window_params = [{transform_indices = @transform_0, window_bounds = array<i64: 1000, 128>}, {transform_indices = @transform_1, window_bounds = array<i64: 1, 128, 128>}, {transform_indices = @transform_2, window_bounds = array<i64: 1, 1, 128>}, {transform_indices = @transform_3, window_bounds = array<i64: 64, 64>}, {transform_indices = @transform_4, window_bounds = array<i64: 64, 64>}, {transform_indices = @transform_5, window_bounds = array<i64: 1000, 128>}, {transform_indices = @transform_6, window_bounds = array<i64: 64, 64>}]} {
    %get3A = arith.constant 0 : index
    %get3A_0 = arith.constant 0 : index
    %get3A_1 = vector.load %arg2[%get3A, %get3A_0] : memref<1000x128xf32, #tpu.memory_space<vmem>>, vector<1000x128xf32>
    %get3A_2 = arith.constant 0 : index
    %get3A_3 = arith.constant 0 : index
    %get3A_4 = arith.constant 0 : index
    %get3A_5 = vector.load %arg3[%get3A_2, %get3A_3, %get3A_4] : memref<1x128x128xf32, #tpu.memory_space<vmem>>, vector<1x128x128xf32>
    %get3A_6 = vector.shape_cast %get3A_5 : vector<1x128x128xf32> to vector<128x128xf32>
    %dot_general3A = arith.constant dense<0.000000e+00> : vector<1000x128xf32>
    %dot_general3A_7 = tpu.matmul %get3A_1, %get3A_6, %dot_general3A {dimension_numbers = #tpu.dot_dimension_numbers<[1], [0], [0], [1], [0, 0, 1, 1], [], []>, transpose_lhs_hint = false} : vector<1000x128xf32>, vector<128x128xf32>, vector<1000x128xf32> -> vector<1000x128xf32>
    %get3A_8 = arith.constant 0 : index
    %get3A_9 = arith.constant 0 : index
    %get3A_10 = arith.constant 0 : index
    %get3A_11 = vector.load %arg4[%get3A_8, %get3A_9, %get3A_10] : memref<1x1x128xf32, #tpu.memory_space<vmem>>, vector<1x1x128xf32>
    %get3A_12 = vector.shape_cast %get3A_11 : vector<1x1x128xf32> to vector<1x128xf32>
    %add3A = vector.broadcast %get3A_12 : vector<1x128xf32> to vector<1000x128xf32>
    %add3A_13 = arith.addf %dot_general3A_7, %add3A : vector<1000x128xf32>
    %tanh3A = math.tanh %add3A_13 : vector<1000x128xf32>
    %mul3A = arith.mulf %dot_general3A_7, %tanh3A : vector<1000x128xf32>
    %reduce_sum3A = arith.constant dense<0.000000e+00> : vector<1000xf32>
    %reduce_sum3A_14 = vector.multi_reduction <add>, %mul3A, %reduce_sum3A [1] : vector<1000x128xf32> to vector<1000xf32>
    %broadcast_in_dim3A = vector.shape_cast %reduce_sum3A_14 : vector<1000xf32> to vector<1000x1xf32>
    %mul3A_15 = vector.broadcast %broadcast_in_dim3A : vector<1000x1xf32> to vector<1000x128xf32>
    %mul3A_16 = arith.mulf %get3A_1, %mul3A_15 : vector<1000x128xf32>
    %swap3A = arith.constant 0 : index
    %swap3A_17 = arith.constant 0 : index
    %swap3A_18 = vector.load %arg7[%swap3A, %swap3A_17] : memref<1000x128xf32, #tpu.memory_space<vmem>>, vector<1000x128xf32>
    tpu.vector_store %arg7[%swap3A, %swap3A_17], %mul3A_16 {strides = array<i32>} : memref<1000x128xf32, #tpu.memory_space<vmem>>, vector<1000x128xf32>,
    %get3A_19 = arith.constant 0 : index
    %get3A_20 = arith.constant 0 : index
    %get3A_21 = vector.load %arg6[%get3A_19, %get3A_20] : memref<64x64xi32, #tpu.memory_space<vmem>>, vector<64x64xi32>
    %mul3A_22 = arith.constant 10000 : i32
    %mul3A_23 = vector.broadcast %mul3A_22 : i32 to vector<64x64xi32>
    %mul3A_24 = arith.muli %get3A_21, %mul3A_23 : vector<64x64xi32>
    %get3A_25 = arith.constant 0 : index
    %get3A_26 = arith.constant 0 : index
    %get3A_27 = vector.load %arg5[%get3A_25, %get3A_26] : memref<64x64xi32, #tpu.memory_space<vmem>>, vector<64x64xi32>
    %add3A_28 = arith.addi %mul3A_24, %get3A_27 : vector<64x64xi32>
    %swap3A_29 = arith.constant 0 : index
    %swap3A_30 = arith.constant 0 : index
    %swap3A_31 = vector.load %arg8[%swap3A_29, %swap3A_30] : memref<64x64xi32, #tpu.memory_space<vmem>>, vector<64x64xi32>
    tpu.vector_store %arg8[%swap3A_29, %swap3A_30], %add3A_28 {strides = array<i32>} : memref<64x64xi32, #tpu.memory_space<vmem>>, vector<64x64xi32>,
    return
  }
  func.func @transform_0(%arg0: i32, %arg1: i32) -> (i32, i32) {
    %c0_i32 = arith.constant 0 : i32
    %c0_i32_0 = arith.constant 0 : i32
    return %arg0, %c0_i32 : i32, i32
  }
  func.func @transform_1(%arg0: i32, %arg1: i32) -> (i32, i32, i32) {
    %c0_i32 = arith.constant 0 : i32
    %c0_i32_0 = arith.constant 0 : i32
    %c0_i32_1 = arith.constant 0 : i32
    return %arg1, %c0_i32, %c0_i32_0 : i32, i32, i32
  }
  func.func @transform_2(%arg0: i32, %arg1: i32) -> (i32, i32, i32) {
    %c0_i32 = arith.constant 0 : i32
    %c0_i32_0 = arith.constant 0 : i32
    %c0_i32_1 = arith.constant 0 : i32
    return %arg1, %c0_i32, %c0_i32_0 : i32, i32, i32
  }
  func.func @transform_3(%arg0: i32, %arg1: i32) -> (i32, i32) {
    %mul3A = arith.constant 8 : i32
    %mul3A_0 = arith.muli %arg0, %mul3A : i32
    %add3A = arith.addi %mul3A_0, %arg1 : i32
    %c0_i32 = arith.constant 0 : i32
    %c0_i32_1 = arith.constant 0 : i32
    return %add3A, %c0_i32 : i32, i32
  }
  func.func @transform_4(%arg0: i32, %arg1: i32) -> (i32, i32) {
    %mul3A = arith.constant 8 : i32
    %mul3A_0 = arith.muli %arg0, %mul3A : i32
    %add3A = arith.addi %mul3A_0, %arg1 : i32
    %c0_i32 = arith.constant 0 : i32
    %c0_i32_1 = arith.constant 0 : i32
    return %add3A, %c0_i32 : i32, i32
  }
  func.func @transform_5(%arg0: i32, %arg1: i32) -> (i32, i32) {
    %mul3A = arith.constant 10 : i32
    %mul3A_0 = arith.muli %arg1, %mul3A : i32
    %add3A = arith.addi %mul3A_0, %arg0 : i32
    %c0_i32 = arith.constant 0 : i32
    %c0_i32_1 = arith.constant 0 : i32
    return %add3A, %c0_i32 : i32, i32
  }
  func.func @transform_6(%arg0: i32, %arg1: i32) -> (i32, i32) {
    %mul3A = arith.constant 8 : i32
    %mul3A_0 = arith.muli %arg0, %mul3A : i32
    %add3A = arith.addi %mul3A_0, %arg1 : i32
    %c0_i32 = arith.constant 0 : i32
    %c0_i32_1 = arith.constant 0 : i32
    return %add3A, %c0_i32 : i32, i32
  }
}

module attributes {stable_mosaic.version = 14 : i64} {
  func.func @_out_body(%arg0: i32, %arg1: memref<1000x128xf32, #tpu.memory_space<vmem>>, %arg2: memref<1000x128xf32, #tpu.memory_space<vmem>>, %arg3: memref<1000x128xf32, #tpu.memory_space<vmem>>, %arg4: memref<128x128xf32, #tpu.memory_space<vmem>>, %arg5: memref<128x128xf32, #tpu.memory_space<vmem>>, %arg6: memref<1x128xf32, #tpu.memory_space<vmem>>, %arg7: memref<1000x128xf32, #tpu.memory_space<vmem>>) attributes {dimension_semantics = [#tpu.dimension_semantics<arbitrary>], iteration_bounds = array<i64: 10>, scalar_prefetch = 0 : i64, scratch_operands = 0 : i64, tpu.core_type = #tpu.core_type<tc>, window_params = [{transform_indices = @transform_0, window_bounds = array<i64: 1000, 128>}, {transform_indices = @transform_1, window_bounds = array<i64: 1000, 128>}, {transform_indices = @transform_2, window_bounds = array<i64: 1000, 128>}, {pipeline_mode = #tpu.pipeline_mode<synchronous>, transform_indices = @transform_3, window_bounds = array<i64: 128, 128>}, {pipeline_mode = #tpu.pipeline_mode<synchronous>, transform_indices = @transform_4, window_bounds = array<i64: 128, 128>}, {pipeline_mode = #tpu.pipeline_mode<synchronous>, transform_indices = @transform_5, window_bounds = array<i64: 1, 128>}, {transform_indices = @transform_6, window_bounds = array<i64: 1000, 128>}]} {
    %get3A = arith.constant 0 : index
    %get3A_0 = arith.constant 0 : index
    %get3A_1 = vector.load %arg1[%get3A, %get3A_0] : memref<1000x128xf32, #tpu.memory_space<vmem>>, vector<1000x128xf32>
    %get3A_2 = arith.constant 0 : index
    %get3A_3 = arith.constant 0 : index
    %get3A_4 = vector.load %arg2[%get3A_2, %get3A_3] : memref<1000x128xf32, #tpu.memory_space<vmem>>, vector<1000x128xf32>
    %get3A_5 = arith.constant 0 : index
    %get3A_6 = arith.constant 0 : index
    %get3A_7 = vector.load %arg3[%get3A_5, %get3A_6] : memref<1000x128xf32, #tpu.memory_space<vmem>>, vector<1000x128xf32>
    %add3A = arith.addf %get3A_4, %get3A_7 : vector<1000x128xf32>
    %get3A_8 = arith.constant 0 : index
    %get3A_9 = arith.constant 0 : index
    %get3A_10 = vector.load %arg4[%get3A_8, %get3A_9] : memref<128x128xf32, #tpu.memory_space<vmem>>, vector<128x128xf32>
    %dot_general3A = arith.constant dense<0.000000e+00> : vector<1000x128xf32>
    %dot_general3A_11 = tpu.matmul %get3A_1, %get3A_10, %dot_general3A {dimension_numbers = #tpu.dot_dimension_numbers<[1], [0], [0], [1], [0, 0, 1, 1], [], []>, transpose_lhs_hint = false} : vector<1000x128xf32>, vector<128x128xf32>, vector<1000x128xf32> -> vector<1000x128xf32>
    %get3A_12 = arith.constant 0 : index
    %get3A_13 = arith.constant 0 : index
    %get3A_14 = vector.load %arg5[%get3A_12, %get3A_13] : memref<128x128xf32, #tpu.memory_space<vmem>>, vector<128x128xf32>
    %dot_general3A_15 = arith.constant dense<0.000000e+00> : vector<1000x128xf32>
    %dot_general3A_16 = tpu.matmul %add3A, %get3A_14, %dot_general3A_15 {dimension_numbers = #tpu.dot_dimension_numbers<[1], [0], [0], [1], [0, 0, 1, 1], [], []>, transpose_lhs_hint = false} : vector<1000x128xf32>, vector<128x128xf32>, vector<1000x128xf32> -> vector<1000x128xf32>
    %add3A_17 = arith.addf %dot_general3A_11, %dot_general3A_16 : vector<1000x128xf32>
    %get3A_18 = arith.constant 0 : index
    %get3A_19 = arith.constant 0 : index
    %get3A_20 = vector.load %arg6[%get3A_18, %get3A_19] : memref<1x128xf32, #tpu.memory_space<vmem>>, vector<1x128xf32>
    %add3A_21 = vector.broadcast %get3A_20 : vector<1x128xf32> to vector<1000x128xf32>
    %add3A_22 = arith.addf %add3A_17, %add3A_21 : vector<1000x128xf32>
    %ge3A = arith.constant 0.000000e+00 : f32
    %ge3A_23 = vector.broadcast %ge3A : f32 to vector<1000x128xf32>
    %ge3A_24 = arith.cmpf oge, %add3A_22, %ge3A_23 : vector<1000x128xf32>
    %mul3A = arith.constant 0.00999999977 : f32
    %mul3A_25 = vector.broadcast %mul3A : f32 to vector<1000x128xf32>
    %mul3A_26 = arith.mulf %mul3A_25, %add3A_22 : vector<1000x128xf32>
    %select_n3A = arith.select %ge3A_24, %add3A_22, %mul3A_26 : vector<1000x128xi1>, vector<1000x128xf32>
    %add3A_27 = arith.addf %select_n3A, %get3A_1 : vector<1000x128xf32>
    %swap3A = arith.constant 0 : index
    %swap3A_28 = arith.constant 0 : index
    %swap3A_29 = vector.load %arg7[%swap3A, %swap3A_28] : memref<1000x128xf32, #tpu.memory_space<vmem>>, vector<1000x128xf32>
    tpu.vector_store %arg7[%swap3A, %swap3A_28], %add3A_27 {strides = array<i32>} : memref<1000x128xf32, #tpu.memory_space<vmem>>, vector<1000x128xf32>,
    return
  }
  func.func @transform_0(%arg0: i32) -> (i32, i32) {
    %c0_i32 = arith.constant 0 : i32
    %c0_i32_0 = arith.constant 0 : i32
    return %arg0, %c0_i32 : i32, i32
  }
  func.func @transform_1(%arg0: i32) -> (i32, i32) {
    %c0_i32 = arith.constant 0 : i32
    %c0_i32_0 = arith.constant 0 : i32
    return %arg0, %c0_i32 : i32, i32
  }
  func.func @transform_2(%arg0: i32) -> (i32, i32) {
    %c0_i32 = arith.constant 0 : i32
    %c0_i32_0 = arith.constant 0 : i32
    return %arg0, %c0_i32 : i32, i32
  }
  func.func @transform_3(%arg0: i32) -> (i32, i32) {
    %c0_i32 = arith.constant 0 : i32
    %c0_i32_0 = arith.constant 0 : i32
    %c0_i32_1 = arith.constant 0 : i32
    return %c0_i32, %c0_i32_0 : i32, i32
  }
  func.func @transform_4(%arg0: i32) -> (i32, i32) {
    %c0_i32 = arith.constant 0 : i32
    %c0_i32_0 = arith.constant 0 : i32
    %c0_i32_1 = arith.constant 0 : i32
    return %c0_i32, %c0_i32_0 : i32, i32
  }
  func.func @transform_5(%arg0: i32) -> (i32, i32) {
    %c0_i32 = arith.constant 0 : i32
    %c0_i32_0 = arith.constant 0 : i32
    %c0_i32_1 = arith.constant 0 : i32
    return %c0_i32, %c0_i32_0 : i32, i32
  }
  func.func @transform_6(%arg0: i32) -> (i32, i32) {
    %c0_i32 = arith.constant 0 : i32
    %c0_i32_0 = arith.constant 0 : i32
    return %arg0, %c0_i32 : i32, i32
  }
}

</mosaic_0001>

<sc_bundles>
// kernel: kernel.5.cloned.1.call-start
scs
__scs_entry_jumppad:
0x0: {  	(pc) =	sbr.rel $0x88, $3  }
0x1: {  	(tag) =	ssettag $0x0;
	lr =	simm.s32 $0x1  }
0x2: {  	[smem:$0x3F9A] =	sst lr;
	_ =	strace $0xD0000000  }
0x3: {  	_ = 	snop  }
0x4: {  	_ = 	snop  }
0x5: {  	_ = 	snop  }
0x6: {  	_ = 	snop  }
0x7: {  	_ = 	snop  }
__scs_overlays_trampoline_lowered:
0x8: {  	[smem:$0x3FA9] =	sst s0  }
0x9: {  	[smem:$0x3FAA] =	sst s1  }
0xa: {  	[smem:$0x3FAB] =	sst s2  }
0xb: {  	[smem:$0x3FAC] =	sst s3  }
0xc: {  	[smem:$0x3FAD] =	sst s4  }
0xd: {  	[smem:$0x3FAE] =	sst s5  }
0xe: {  	[smem:$0x3FAF] =	sst s6  }
0xf: {  	[smem:$0x3FB0] =	sst s7  }
0x10: {  	[smem:$0x3FB1] =	sst s8  }
0x11: {  	[smem:$0x3FB2] =	sst s9;
	s0 =	simm.s32 @!p0 $0x0  }
0x12: {  	s1 =	sld [smem:$0x3F98];
	s0 =	simm.s32 @p0 $0x1  }
0x13: {  	[smem:$0x3FB3] =	sst s0;
	s0 =	simm.s32 @!p1 $0x0  }
0x14: {  	s2 =	sld [smem:$0x3F97];
	s0 =	simm.s32 @p1 $0x1  }
0x15: {  	[smem:$0x3FB4] =	sst s0;
	s0 =	simm.s32 @!p2 $0x0  }
0x16: {  	s3 =	sld [smem:$0x3FDB];
	s0 =	simm.s32 @p2 $0x1  }
0x17: {  	s4 =	simm.s32 $0x1BF5;
	[smem:$0x3FB6] =	sst s0  }
0x18: {  	s0 =	sld [smem:$0x3F99];
	_ =	swait.ge [sflag:s4], $0x0  }
0x19: {  	s7 =	sld [smem:$0x3F9A]  }
0x1a: {  	s8 =	sadd.s32 $0xFFFFE003, lr  }
0x1b: {  	s9 =	sadd.s32 $0xFFFFFEF7, lr;
	s5 =	simm.s32 $0xFFFFFFFF;
	p2 =	slt.u32 s8, $0xFFFFF086  }
0x1c: {  	p1 =	slt.u32 s9, $0xF7A;
	s5 =	simm.s32 @!p2 $0x0  }
0x1d: {  	s5 =	simm.s32 @p1 $0x1;
	p0 =	seq.s32 s7, s2  }
0x1e: {  	s7 =	smul.u32 @!p0 $0xF7A, s2;
	p2 =	seq.s32 @!p0 s5, $0x0  }
0x1f: {  	s9 =	smul.u32 $0xF7A, s1;
	s8 =	simm.s32 @!p0 $0x1BF5;
	p2 =	por !p2, p0  }
0x20: {  	[sflag:s8] =	ssyncset.s32 @!p0 $0xFFFFF086;
	s6 =	sadd.s32 @!p0 s3, s7;
	s7 =	simm.s32 @!p0 $0x108  }
0x21: {  	s3 =	sadd.s32 s3, s9;
	s6 =	sadd.s32 @!p0 $0x88, s6;
	s7 =	simm.s32 @p2 $0x1082  }
0x22: {  	[simem:s7], [sflag:s8] =	dma.local @!p0 [hbm:s6], $0xF7A  }
0x23: {  	s9 =	sor.u32 $0xD0000000, s2;
	s6 =	simm.s32 $0x108;
	_ =	swait.ge @!p0 [sflag:s8], $0x0  }
0x24: {  	s3 =	sadd.s32 $0x88, s3;
	s6 =	simm.s32 @!p1 $0x1082;
	[sflag:s4] =	ssyncset.s32 $0xFFFFF086  }
0x25: {  	[simem:s6], [sflag:s4] =	dma.local [hbm:s3], $0xF7A  }
0x26: {  	[smem:$0x3F9A] =	sst s1;
	(tag) =	ssettag s2;
	_ =	strace s9  }
0x27: {  	s1 =	sld [smem:$0x3FAA]  }
0x28: {  	s2 =	sld [smem:$0x3FAB]  }
0x29: {  	s4 =	sld [smem:$0x3FAD]  }
0x2a: {  	p0 =	seq.s32 s5, $0x0;
	s5 =	sld [smem:$0x3FAE]  }
0x2b: {  	s6 =	sld [smem:$0x3FAF]  }
0x2c: {  	s7 =	sld [smem:$0x3FB0]  }
0x2d: {  	s3 =	simm.s32 $0x108;
	s8 =	sld [smem:$0x3FB1]  }
0x2e: {  	s3 =	simm.s32 @!p0 $0x1082;
	s9 =	sld [smem:$0x3FB2]  }
0x2f: {  	lr =	sadd.s32 s0, s3;
	s0 =	sld [smem:$0x3FA9]  }
0x30: {  	s3 =	sld [smem:$0x3FAC]  }
0x31: {  	[smem:$0x3FB5] =	sst s10  }
0x32: {  	s10 =	sld [smem:$0x3FB3];
	_ =	sdelay $0x3  }
0x33: {  	p0 =	seq.s32 s10, $0x1;
	s10 =	sld [smem:$0x3FB5];
	_ =	sdelay $0x3  }
0x34: {  	[smem:$0x3FB5] =	sst s10  }
0x35: {  	s10 =	sld [smem:$0x3FB4];
	_ =	sdelay $0x3  }
0x36: {  	p1 =	seq.s32 s10, $0x1;
	s10 =	sld [smem:$0x3FB5];
	_ =	sdelay $0x3  }
0x37: {  	[smem:$0x3FB5] =	sst s10  }
0x38: {  	s10 =	sld [smem:$0x3FB6]  }
0x39: {  	_ = 	snop;
	(pc) =	sbr.ind lr, $3  }
0x3a: {  	_ = 	snop  }
0x3b: {  	_ = 	snop  }
0x3c: {  	p2 =	seq.s32 s10, $0x1;
	s10 =	sld [smem:$0x3FB5]  }
0x3d: {  	_ =	shalt  }
0x3e: {  	_ =	shalt  }
0x3f: {  	_ =	shalt  }
0x40: {  	_ =	shalt  }
0x41: {  	_ =	shalt  }
0x42: {  	_ =	shalt  }
0x43: {  	_ =	shalt  }
0x44: {  	_ =	shalt  }
0x45: {  	_ =	shalt  }
0x46: {  	_ =	shalt  }
0x47: {  	_ =	shalt  }
0x48: {  	_ =	shalt  }
0x49: {  	_ =	shalt  }
0x4a: {  	_ =	shalt  }
0x4b: {  	_ =	shalt  }
0x4c: {  	_ =	shalt  }
0x4d: {  	_ =	shalt  }
0x4e: {  	_ =	shalt  }
0x4f: {  	_ =	shalt  }
0x50: {  	_ =	shalt  }
0x51: {  	_ =	shalt  }
0x52: {  	_ =	shalt  }
0x53: {  	_ =	shalt  }
0x54: {  	_ =	shalt  }
0x55: {  	_ =	shalt  }
0x56: {  	_ =	shalt  }
0x57: {  	_ =	shalt  }
0x58: {  	_ =	shalt  }
0x59: {  	_ =	shalt  }
0x5a: {  	_ =	shalt  }
0x5b: {  	_ =	shalt  }
0x5c: {  	_ =	shalt  }
0x5d: {  	_ =	shalt  }
0x5e: {  	_ =	shalt  }
0x5f: {  	_ =	shalt  }
0x60: {  	_ =	shalt  }
0x61: {  	_ =	shalt  }
0x62: {  	_ =	shalt  }
0x63: {  	_ =	shalt  }
0x64: {  	_ =	shalt  }
0x65: {  	_ =	shalt  }
0x66: {  	_ =	shalt  }
0x67: {  	_ =	shalt  }
0x68: {  	_ =	shalt  }
0x69: {  	_ =	shalt  }
0x6a: {  	_ =	shalt  }
0x6b: {  	_ =	shalt  }
0x6c: {  	_ =	shalt  }
0x6d: {  	_ =	shalt  }
0x6e: {  	_ =	shalt  }
0x6f: {  	_ =	shalt  }
0x70: {  	_ =	shalt  }
0x71: {  	_ =	shalt  }
0x72: {  	_ =	shalt  }
0x73: {  	_ =	shalt  }
0x74: {  	_ =	shalt  }
0x75: {  	_ =	shalt  }
0x76: {  	_ =	shalt  }
0x77: {  	_ =	shalt  }
0x78: {  	_ =	shalt  }
0x79: {  	_ =	shalt  }
0x7a: {  	_ =	shalt  }
0x7b: {  	_ =	shalt  }
0x7c: {  	_ =	shalt  }
0x7d: {  	_ =	shalt  }
0x7e: {  	_ =	shalt  }
0x7f: {  	_ =	shalt  }
0x80: {  	_ =	shalt  }
0x81: {  	_ =	shalt  }
0x82: {  	_ =	shalt  }
0x83: {  	_ =	shalt  }
0x84: {  	_ =	shalt  }
0x85: {  	_ =	shalt  }
0x86: {  	_ =	shalt  }
0x87: {  	_ =	shalt  }
.Lfunc_end0:
.L_simem_size_0:
called_computation_lowered:
.L_overlay_start_0:
0x88: {  	s2 =	sld [smem:$0x3FD9]  }
0x89: {  	s3 =	sld [smem:$0x3FFE];
	_ =	sdelay $0x1  }
0x8a: {  	s1 =	srdreg.scid  }
0x8b: {  	s0 =	sand.u32 $0x1, s1  }
0x8c: {  	s17 =	sshll.u32 s0, $0xA;
	s2 =	sadd.s32 s3, s2  }
0x8d: {  	s2 =	sadd.s32 s2, s17  }
0x8e: {  	[smem:$0x3FC1] =	sst s2  }
0x8f: {  	_ = 	snop  }
0x90: {  	s2 =	sld [smem:$0x3FD0];
	(tm) =	ssettm $0x1  }
0x91: {  	s18 =	sld [smem:$0x3FFB];
	_ =	sdelay $0x3  }
0x92: {  	_ =	strace s18  }
0x93: {  	s3 =	sld [smem:$0x3FFC];
	_ =	sdelay $0x3  }
0x94: {  	_ =	strace s3  }
0x95: {  	s3 =	sld [smem:$0x3FFD];
	_ =	sdelay $0x3  }
0x96: {  	_ =	strace s3  }
0x97: {  	_ =	strace $0x8FFFFFFF  }
0x98: {  	s19 =	sld [smem:$0x3FDB];
	_ =	sdelay $0x1  }
0x99: {  	s4 =	simm.s32 $_scs_section_size  }
0x9a: {  	s5 =	simm.s32 $_size__tile_overlayer_lowered;
	s6 =	simm.s32 $_tile_overlayer_lowered  }
0x9b: {  	s22 =	simm.s32 $0x1BFF;
	s21 =	sshll.u32 s6, $0x1;
	s3 =	sadd.s32 s4, s19  }
0x9c: {  	s7 =	simm.s32 $0x0;
	s20 =	sshll.u32 s5, $0x1;
	s5 =	sadd.s32 s21, s3  }
0x9d: {  	[timem:s7], [sflag:s22] =	dma.local [hbm:s5], s20  }
0x9e: {  	_ =	swait.ge [sflag:s22], s20  }
0x9f: {  	s4 =	ssub.s32 $0x0, s20;
	[sflag:s22] =	ssyncset.done $0x0  }
0xa0: {  	[sflag:s22] =	ssyncadd.s32 s4;
	_ =	sdelay $0x1  }
0xa1: {  	s23 =	simm.s32 $0x1B8B  }
0xa2: {  	_ =	swait.ge [sflag:s23], $0x1  }
0xa3: {  	[sflag:s23] =	ssyncset.done $0x0  }
0xa4: {  	s25 =	simm.s32 $0x1B8E;
	s24 =	sld [smem:$0x3FFE];
	[sflag:s23] =	ssyncadd.s32 $0xFFFFFFFF  }
0xa5: {  	s26 =	simm.s32 $execute0_lowered;
	[smem:$0x3FD2] =	sst s25  }
0xa6: {  	s5 =	sshll.u32 s26, $0x1;
	_ =	strace $0x80000046;
	[dreg:$0x1] =	wrdreg $0xFFFFFFFF  }
0xa7: {  	s28 =	simm.s32 $_size_execute0_lowered;
	s3 =	sadd.s32 s3, s5;
	[dreg:$0x0] =	wrdreg $0x0  }
0xa8: {  	s5 =	sshll.u32 s28, $0x1;
	[dreg:$0x2] =	wrdreg s3  }
0xa9: {  	[dreg:$0x3] =	wrdreg s5  }
0xaa: {  	[dreg:$0x4] =	wrdreg $0xC0  }
0xab: {  	_ =	task [dreg:s7], $0x5FFFF  }
0xac: {  	[dreg:$0x1] =	wrdreg $0xFFFFFFFF  }
0xad: {  	[dreg:$0x0] =	wrdreg $0x60  }
0xae: {  	[dreg:$0x2] =	wrdreg s24  }
0xaf: {  	[dreg:$0x3] =	wrdreg s2  }
0xb0: {  	[dreg:$0x4] =	wrdreg $0xA8000  }
0xb1: {  	[dreg:$0x5] =	wrdreg $0x9  }
0xb2: {  	_ =	task.clear_ibuf [dreg:s7], $0x6FFFF;
	_ =	strace $0x90000046  }
0xb3: {  	s29 =	simm.s32 $0x9;
	_ =	strace $0x80000048  }
0xb4: {  	_ =	swait.ge [sflag:s29], $0x1  }
0xb5: {  	[sflag:s29] =	ssyncadd.s32 $0xFFFFFFFF  }
0xb6: {  	_ =	strace $0x90000048  }
0xb7: {  	_ =	sfence  }
0xb8: {  	s30 =	sld [smem:$0x0];
	_ =	sdelay $0x2  }
0xb9: {  	s31 =	sshll.u32 s1, $0xD;
	s1 =	sshrl.u32 s1, $0x2  }
0xba: {  	s3 =	sand.u32 $0x4000, s31;
	s1 =	sadd.s32 s1, s30  }
0xbb: {  	s0 =	sor.u32 s3, s0;
	s1 =	sshll.u32 s1, $0x11  }
0xbc: {  	s0 =	sor.u32 s1, s0  }
0xbd: {  	s0 =	sadd.s32 $0x8F2B, s0  }
0xbe: {  	[sflag:s0] =	ssyncadd.remote.s32 $0x1  }
0xbf: {  	_ =	sfence.sel $0xFFFF  }
0xc0: {  	[dreg:$0x0] =	wrdreg $0xFFFFFFFF;
	(pc) =	sbr.abs _section_cstart, $3  }
0xc1: {  	[dreg:$0x1] =	wrdreg $0xFFFFFFFF  }
0xc2: {  	_ =	task.clear_ibuf [dreg:s7], $0x2FFFF;
	_ =	strace $0x9FFFFFFF  }
0xc3: {  	(tm) =	ssettm $0x7FFFFFFF  }
tec
execute0_lowered:
.L_overlay_start_1:
0x0: {  	(tag) =	ssettag $0x1  }
0x1: {  	s0 =	rddreg [dreg:$0x0]  }
0x2: {  	s9 =	rddreg [dreg:$0x1];
	s1 =	simm.s32 $0x0;
	s2 =	srdreg.scid  }
0x3: {  	s20 =	stileid.u32;
	s28 =	simm.s32 $0x0;
	[smem:$0x7FF] =	sst s1  }
0x4: {  	s10 =	sand.u32 $0x1, s2;
	s11 =	sadd.s32 $0x1800, s0;
	s12 =	smul.u32 $0x278, s20  }
0x5: {  	s13 =	sadd.s32 $0x14E000, s0;
	s4 =	sshll.u32 s20, $0x1;
	s2 =	ssub.s32 $0x2, s10  }
0x6: {  	s4 =	sor.u32 s10, s4;
	s10 =	smul.u32 $0x2780, s10;
	s3 =	sshrl.u32 s2, $0x1  }
0x7: {  	s14 =	sadd.s32 $0x40, s12;
	s15 =	sadd.s32 $0x80, s12;
	s16 =	sadd.s32 $0xC0, s12  }
0x8: {  	s5 =	smul.u32 $0x5000, s4;
	s6 =	sadd.s32 $0x100, s12;
	s7 =	sadd.s32 $0x140, s12  }
0x9: {  	s8 =	sadd.s32 $0x180, s12;
	s17 =	smul.u32 $0xA00, s4;
	s4 =	sadd.s32 $0x200, s12  }
0xa: {  	s2 =	ssub.s32 s2, s3;
	s3 =	sadd.s32 $0x1C0, s12;
	s22 =	sadd.s32 s12, s10  }
0xb: {  	s23 =	sadd.s32 s10, s14;
	s14 =	sshll.u32 s14, $0x7;
	s18 =	sshrl.u32 s5, $0x3  }
0xc: {  	s5 =	sadd.s32 $0x240, s12;
	s21 =	sadd.s32 s9, s17;
	s17 =	sadd.s32 s11, s17  }
0xd: {  	s24 =	sshll.u32 s23, $0x4;
	s19 =	sadd.s32 $0x280, s18;
	[dreg:$0x4] =	wrdreg s21  }
0xe: {  	s23 =	sadd.s32 s10, s3;
	[dreg:$0x5] =	wrdreg s17;
	s25 =	sadd.s32 s9, s19  }
0xf: {  	s29 =	sadd.s32 $0x500, s18;
	s26 =	sadd.s32 s11, s19;
	[dreg:$0x6] =	wrdreg s25  }
0x10: {  	s2 =	smax.u32 s2, $0x1;
	s30 =	sadd.s32 s9, s29;
	[dreg:$0x7] =	wrdreg s26  }
0x11: {  	s21 =	sadd.s32 $0x780, s18;
	s17 =	sadd.s32 s11, s29;
	[dreg:$0x8] =	wrdreg s30  }
0x12: {  	s9 =	sadd.s32 s9, s21;
	s11 =	sadd.s32 s11, s21;
	[dreg:$0x9] =	wrdreg s17  }
0x13: {  	s29 =	sadd.s32 s10, s16;
	s21 =	sadd.s32 s10, s7;
	[dreg:$0xa] =	wrdreg s9  }
0x14: {  	s16 =	sshll.u32 s16, $0x7;
	[dreg:$0xb] =	wrdreg s11;
	s9 =	sshll.u32 s22, $0x4  }
0x15: {  	s25 =	sadd.s32 s13, s24;
	s26 =	sadd.s32 s10, s15;
	s30 =	sadd.s32 s10, s6  }
0x16: {  	s17 =	sshll.u32 s29, $0x4;
	s22 =	sadd.s32 s10, s8;
	s29 =	sadd.s32 s10, s4  }
0x17: {  	s10 =	sadd.s32 s10, s5;
	s15 =	sshll.u32 s15, $0x7;
	s11 =	simm.s32 $0x180  }
0x18: {  	s9 =	sadd.s32 s13, s9;
	[dreg:$0xd] =	wrdreg s25;
	s18 =	sshll.u32 s30, $0x4  }
0x19: {  	s24 =	sshll.u32 s22, $0x4;
	s25 =	sshll.u32 s23, $0x4;
	s30 =	smul.u32 $0x4F000, s20  }
0x1a: {  	s10 =	sshll.u32 s10, $0x4;
	s20 =	rddreg [dreg:$0x2];
	s22 =	sadd.s32 $0x15800, s0  }
0x1b: {  	s23 =	sshll.u32 s8, $0x7;
	s8 =	simm.s32 $0x4800;
	[dreg:$0xc] =	wrdreg s9  }
0x1c: {  	s9 =	sshll.u32 s26, $0x4;
	s19 =	sadd.s32 s13, s18;
	s26 =	sadd.s32 s13, s25  }
0x1d: {  	s0 =	sadd.s32 s14, s20;
	s18 =	sadd.s32 s16, s20;
	s25 =	sadd.s32 s23, s20  }
0x1e: {  	s14 =	simm.s32 $0x2;
	s16 =	simm.s32 $0x4;
	[dreg:$0x10] =	wrdreg s19  }
0x1f: {  	s23 =	simm.s32 $0x2600;
	s9 =	sadd.s32 s13, s9;
	[dreg:$0x13] =	wrdreg s26  }
0x20: {  	s12 =	sshrl.u32 s30, $0x2;
	[dreg:$0xe] =	wrdreg s9;
	s9 =	sadd.s32 s13, s17  }
0x21: {  	s19 =	sshll.u32 s6, $0x7;
	[dreg:$0xf] =	wrdreg s9;
	s9 =	sshll.u32 s21, $0x4  }
0x22: {  	s26 =	sshll.u32 s3, $0x7;
	s30 =	sshll.u32 s5, $0x7;
	s9 =	sadd.s32 s13, s9  }
0x23: {  	s3 =	simm.s32 $0x2800;
	[dreg:$0x11] =	wrdreg s9;
	s9 =	sadd.s32 s13, s24  }
0x24: {  	s6 =	simm.s32 $0x40;
	[dreg:$0x12] =	wrdreg s9;
	s9 =	sshll.u32 s29, $0x4  }
0x25: {  	s17 =	sadd.s32 s15, s20;
	s31 =	sadd.s32 s26, s20;
	s9 =	sadd.s32 s13, s9  }
0x26: {  	s15 =	simm.s32 $0x3;
	[dreg:$0x14] =	wrdreg s9;
	s9 =	sadd.s32 s13, s10  }
0x27: {  	s26 =	simm.s32 $0x2780;
	s13 =	sadd.s32 s12, s20;
	[dreg:$0x15] =	wrdreg s9  }
0x28: {  	s21 =	sshll.u32 s7, $0x7;
	_ =	strace $0x80000047;
	[dreg:$0x16] =	wrdreg s13  }
0x29: {  	s7 =	simm.s32 $0x80;
	s24 =	sadd.s32 s21, s20;
	[dreg:$0x17] =	wrdreg s0  }
0x2a: {  	s21 =	simm.s32 $0x7;
	s29 =	sshll.u32 s4, $0x7;
	[dreg:$0x18] =	wrdreg s17  }
0x2b: {  	s4 =	simm.s32 $0x9;
	s10 =	simm.s32 $0x6800;
	[dreg:$0x19] =	wrdreg s18  }
0x2c: {  	s12 =	simm.s32 $0x8800;
	s9 =	simm.s32 $0x100;
	[dreg:$0x1b] =	wrdreg s24  }
0x2d: {  	s0 =	sadd.s32 s19, s20;
	[dreg:$0x1c] =	wrdreg s25;
	s18 =	sadd.s32 s29, s20  }
0x2e: {  	[dreg:$0x1d] =	wrdreg s2;
	s13 =	simm.s32 $0x1;
	s17 =	simm.s32 $0x5  }
0x2f: {  	s19 =	simm.s32 $0x6;
	s2 =	simm.s32 $0x8;
	s24 =	simm.s32 $0x2680  }
0x30: {  	v0 =	vimm.f32 $0.0e+00;
	s25 =	simm.s32 $0x2700;
	[dreg:$0x1a] =	wrdreg s0;
	s0 =	sadd.s32 s30, s20  }
.LBB2_1:
0x31: {  	s29 =	simm.s32 $0x0;
	s30 =	simm.s32 $0x200  }
.LBB2_2:
0x32: {  	p0 =	sne.s32 s30, $0x7E00;
	[tilespmem:s29+$0x2870] =	vst v0  }
0x33: {  	[tilespmem:s29+$0x2800] =	vst v0  }
0x34: {  	[tilespmem:s29+$0x2810] =	vst v0  }
.Ltmp0:
0x35: {  	[tilespmem:s29+$0x2820] =	vst v0;
	(pc) =	sbr.rel @p0 .LBB2_2-.Ltmp0, $4  }
0x36: {  	[tilespmem:s29+$0x2830] =	vst v0  }
0x37: {  	[tilespmem:s29+$0x2840] =	vst v0  }
0x38: {  	[tilespmem:s29+$0x2850] =	vst v0  }
0x39: {  	[tilespmem:s29+$0x2860] =	vst v0;
	s29 =	sshra.s32 s30, $0x2;
	s30 =	sadd.s32 $0x200, s30  }
0x3a: {  	[tilespmem:s29+$0x2870] =	vst v0  }
0x3b: {  	[tilespmem:s29+$0x2800] =	vst v0  }
0x3c: {  	[tilespmem:s29+$0x2810] =	vst v0  }
0x3d: {  	[tilespmem:s29+$0x2820] =	vst v0  }
0x3e: {  	[tilespmem:s29+$0x2830] =	vst v0  }
0x3f: {  	[tilespmem:s29+$0x2840] =	vst v0  }
0x40: {  	[tilespmem:s29+$0x2850] =	vst v0  }
0x41: {  	[tilespmem:s29+$0x2860] =	vst v0;
	s5 =	rddreg [dreg:$0x16]  }
0x42: {  	[spmem:s5] =	stream.linear.scatter [tilespmem:s3], [sflag:$0x9], $0x2000, $0x38;
	[tilespmem:$0x1E400] =	vst v63  }
0x43: {  	_ =	swait.ge [sflag:s4], $0x2000  }
0x44: {  	[sflag:s4] =	ssyncset.done $0x0  }
0x45: {  	s5 =	rddreg [dreg:$0x17];
	[sflag:s4] =	ssyncadd.s32 $0xFFFFE000  }
0x46: {  	[spmem:s5] =	stream.linear.scatter [tilespmem:s3], [sflag:$0x9], $0x2000, $0x38;
	[tilespmem:$0x1E400] =	vst v63  }
0x47: {  	_ =	swait.ge [sflag:s4], $0x2000  }
0x48: {  	[sflag:s4] =	ssyncset.done $0x0  }
0x49: {  	s5 =	rddreg [dreg:$0x18];
	[sflag:s4] =	ssyncadd.s32 $0xFFFFE000  }
0x4a: {  	[spmem:s5] =	stream.linear.scatter [tilespmem:s3], [sflag:$0x9], $0x2000, $0x38;
	[tilespmem:$0x1E400] =	vst v63  }
0x4b: {  	_ =	swait.ge [sflag:s4], $0x2000  }
0x4c: {  	[sflag:s4] =	ssyncset.done $0x0  }
0x4d: {  	s5 =	rddreg [dreg:$0x19];
	[sflag:s4] =	ssyncadd.s32 $0xFFFFE000  }
0x4e: {  	[spmem:s5] =	stream.linear.scatter [tilespmem:s3], [sflag:$0x9], $0x2000, $0x38;
	[tilespmem:$0x1E400] =	vst v63  }
0x4f: {  	_ =	swait.ge [sflag:s4], $0x2000  }
0x50: {  	[sflag:s4] =	ssyncset.done $0x0  }
0x51: {  	s5 =	rddreg [dreg:$0x1a];
	[sflag:s4] =	ssyncadd.s32 $0xFFFFE000  }
0x52: {  	[spmem:s5] =	stream.linear.scatter [tilespmem:s3], [sflag:$0x9], $0x2000, $0x38;
	[tilespmem:$0x1E400] =	vst v63  }
0x53: {  	_ =	swait.ge [sflag:s4], $0x2000  }
0x54: {  	[sflag:s4] =	ssyncset.done $0x0  }
0x55: {  	s5 =	rddreg [dreg:$0x1b];
	[sflag:s4] =	ssyncadd.s32 $0xFFFFE000  }
0x56: {  	[spmem:s5] =	stream.linear.scatter [tilespmem:s3], [sflag:$0x9], $0x2000, $0x38;
	[tilespmem:$0x1E400] =	vst v63  }
0x57: {  	_ =	swait.ge [sflag:s4], $0x2000  }
0x58: {  	[sflag:s4] =	ssyncset.done $0x0  }
0x59: {  	s5 =	rddreg [dreg:$0x1c];
	[sflag:s4] =	ssyncadd.s32 $0xFFFFE000  }
0x5a: {  	[spmem:s5] =	stream.linear.scatter [tilespmem:s3], [sflag:$0x9], $0x2000, $0x38;
	[tilespmem:$0x1E400] =	vst v63  }
0x5b: {  	_ =	swait.ge [sflag:s4], $0x2000  }
0x5c: {  	[sflag:s4] =	ssyncset.done $0x0  }
0x5d: {  	[sflag:s4] =	ssyncadd.s32 $0xFFFFE000  }
0x5e: {  	[spmem:s31] =	stream.linear.scatter [tilespmem:s3], [sflag:$0x9], $0x2000, $0x38;
	[tilespmem:$0x1E400] =	vst v63  }
0x5f: {  	_ =	swait.ge [sflag:s4], $0x2000  }
0x60: {  	[sflag:s4] =	ssyncset.done $0x0  }
0x61: {  	[sflag:s4] =	ssyncadd.s32 $0xFFFFE000  }
0x62: {  	[spmem:s18] =	stream.linear.scatter [tilespmem:s3], [sflag:$0x9], $0x2000, $0x38;
	[tilespmem:$0x1E400] =	vst v63  }
0x63: {  	_ =	swait.ge [sflag:s4], $0x2000  }
0x64: {  	[sflag:s4] =	ssyncset.done $0x0  }
0x65: {  	[sflag:s4] =	ssyncadd.s32 $0xFFFFE000  }
0x66: {  	[spmem:s0] =	stream.linear.scatter [tilespmem:s3], [sflag:$0x9], $0x1C00, $0x38;
	[tilespmem:$0x1E400] =	vst v63  }
0x67: {  	_ =	swait.ge [sflag:s4], $0x1C00  }
0x68: {  	[sflag:s4] =	ssyncset.done $0x0  }
0x69: {  	[sflag:s4] =	ssyncadd.s32 $0xFFFFE400  }
0x6a: {  	[bflag:$0x0] =	sbarrier.arrive $0xFFFF  }
0x6b: {  	s29 =	simm.s32 $0x0;
	s5 =	rddreg [dreg:$0x4]  }
0x6c: {  	[tilespmem:s29], [sflag:$0x9] =	stream.linear.gather [hbm4b:s5+s29], $0x1400, $0x38;
	[tilespmem:$0x1E400] =	vst v63  }
0x6d: {  	_ =	swait.ge [sflag:s4], $0x1400  }
0x6e: {  	[sflag:s4] =	ssyncset.done $0x0  }
0x6f: {  	s30 =	simm.s32 $0x1400;
	s5 =	rddreg [dreg:$0x5];
	[sflag:s4] =	ssyncadd.s32 $0xFFFFEC00  }
0x70: {  	[tilespmem:s30], [sflag:$0x9] =	stream.linear.gather [hbm4b:s5+s29], $0x1400, $0x38;
	[tilespmem:$0x1E400] =	vst v63  }
0x71: {  	_ =	swait.ge [sflag:s4], $0x1400  }
0x72: {  	[sflag:s4] =	ssyncset.done $0x0  }
0x73: {  	[sflag:s4] =	ssyncadd.s32 $0xFFFFEC00  }
0x74: {  	[tilespmem:s3], [sflag:$0x1] =	stream.indirect.gather [hbm4b:s22+s6], $0x80, s29, s6, $0xb8;
	[tilespmem:$0x1E400] =	vst v63  }
0x75: {  	_ = 	snop  }
0x76: {  	[tilespmem:s8], [sflag:$0x2] =	stream.indirect.gather [hbm4b:s22+s6], $0x80, s7, s6, $0xb8;
	[tilespmem:$0x1E400] =	vst v63  }
0x77: {  	_ = 	snop  }
0x78: {  	[tilespmem:s10], [sflag:$0x3] =	stream.indirect.gather [hbm4b:s22+s6], $0x80, s9, s6, $0xb8;
	[tilespmem:$0x1E400] =	vst v63  }
0x79: {  	_ = 	snop  }
0x7a: {  	[tilespmem:s12], [sflag:$0x4] =	stream.indirect.gather [hbm4b:s22+s6], $0x80, s11, s6, $0xb8;
	[tilespmem:$0x1E400] =	vst v63  }
0x7b: {  	_ =	swait.ge [sflag:s13], $0x2000  }
0x7c: {  	[sflag:s13] =	ssyncset.done $0x0  }
0x7d: {  	s29 =	simm.s32 $0x1400;
	[sflag:s13] =	ssyncadd.s32 $0xFFFFE000  }
0x7e: {  	[spmem:s20] =	stream.indirect.scatter.add.f32 [tilespmem:s3], [sflag:$0x5], $0x80, s29, s6, $0xb8;
	[tilespmem:$0x1E400] =	vst v63  }
0x7f: {  	_ =	swait.ge [sflag:s14], $0x2000  }
0x80: {  	[sflag:s14] =	ssyncset.done $0x0  }
0x81: {  	s29 =	simm.s32 $0x1480;
	[sflag:s14] =	ssyncadd.s32 $0xFFFFE000  }
0x82: {  	[spmem:s20] =	stream.indirect.scatter.add.f32 [tilespmem:s8], [sflag:$0x6], $0x80, s29, s6, $0xb8;
	[tilespmem:$0x1E400] =	vst v63  }
0x83: {  	_ =	swait.ge [sflag:s15], $0x2000  }
0x84: {  	[sflag:s15] =	ssyncset.done $0x0  }
0x85: {  	s29 =	simm.s32 $0x1500;
	[sflag:s15] =	ssyncadd.s32 $0xFFFFE000  }
0x86: {  	[spmem:s20] =	stream.indirect.scatter.add.f32 [tilespmem:s10], [sflag:$0x7], $0x80, s29, s6, $0xb8;
	[tilespmem:$0x1E400] =	vst v63  }
0x87: {  	_ =	swait.ge [sflag:s16], $0x2000  }
0x88: {  	[sflag:s16] =	ssyncset.done $0x0  }
0x89: {  	s29 =	simm.s32 $0x1580;
	[sflag:s16] =	ssyncadd.s32 $0xFFFFE000  }
0x8a: {  	[spmem:s20] =	stream.indirect.scatter.add.f32 [tilespmem:s12], [sflag:$0x8], $0x80, s29, s6, $0xb8;
	[tilespmem:$0x1E400] =	vst v63  }
0x8b: {  	_ =	swait.ge [sflag:s17], $0x2000  }
0x8c: {  	[sflag:s17] =	ssyncset.done $0x0  }
0x8d: {  	s29 =	simm.s32 $0x200;
	[sflag:s17] =	ssyncadd.s32 $0xFFFFE000  }
0x8e: {  	[tilespmem:s3], [sflag:$0x1] =	stream.indirect.gather [hbm4b:s22+s6], $0x80, s29, s6, $0xb8;
	[tilespmem:$0x1E400] =	vst v63  }
0x8f: {  	_ =	swait.ge [sflag:s19], $0x2000  }
0x90: {  	[sflag:s19] =	ssyncset.done $0x0  }
0x91: {  	s29 =	simm.s32 $0x280;
	[sflag:s19] =	ssyncadd.s32 $0xFFFFE000  }
0x92: {  	[tilespmem:s8], [sflag:$0x2] =	stream.indirect.gather [hbm4b:s22+s6], $0x80, s29, s6, $0xb8;
	[tilespmem:$0x1E400] =	vst v63  }
0x93: {  	_ =	swait.ge [sflag:s21], $0x2000  }
0x94: {  	[sflag:s21] =	ssyncset.done $0x0  }
0x95: {  	s29 =	simm.s32 $0x300;
	[sflag:s21] =	ssyncadd.s32 $0xFFFFE000  }
0x96: {  	[tilespmem:s10], [sflag:$0x3] =	stream.indirect.gather [hbm4b:s22+s6], $0x80, s29, s6, $0xb8;
	[tilespmem:$0x1E400] =	vst v63  }
0x97: {  	_ =	swait.ge [sflag:s2], $0x2000  }
0x98: {  	[sflag:s2] =	ssyncset.done $0x0  }
0x99: {  	s30 =	simm.s32 $0x380;
	s29 =	simm.s32 $0x800;
	[sflag:s2] =	ssyncadd.s32 $0xFFFFE000  }
.LBB2_4:
0x9a: {  	[tilespmem:s12], [sflag:$0x4] =	stream.indirect.gather [hbm4b:s22+s6], $0x80, s30, s6, $0xb8;
	[tilespmem:$0x1E400] =	vst v63  }
0x9b: {  	s30 =	smov.u32 s29  }
0x9c: {  	p0 =	sne.s32 s29, $0x4000;
	s29 =	sadd.s32 $0x800, s29;
	_ =	swait.ge [sflag:s13], $0x2000  }
0x9d: {  	s30 =	sshra.s32 s30, $0x2;
	[sflag:s13] =	ssyncset.done $0x0  }
0x9e: {  	s5 =	sadd.s32 $0x1400, s30;
	[sflag:s13] =	ssyncadd.s32 $0xFFFFE000  }
0x9f: {  	[spmem:s20] =	stream.indirect.scatter.add.f32 [tilespmem:s3], [sflag:$0x5], $0x80, s5, s6, $0xb8;
	[tilespmem:$0x1E400] =	vst v63  }
0xa0: {  	_ =	swait.ge [sflag:s14], $0x2000  }
0xa1: {  	[sflag:s14] =	ssyncset.done $0x0  }
0xa2: {  	s5 =	sadd.s32 $0x1480, s30;
	[sflag:s14] =	ssyncadd.s32 $0xFFFFE000  }
0xa3: {  	[spmem:s20] =	stream.indirect.scatter.add.f32 [tilespmem:s8], [sflag:$0x6], $0x80, s5, s6, $0xb8;
	[tilespmem:$0x1E400] =	vst v63  }
0xa4: {  	_ =	swait.ge [sflag:s15], $0x2000  }
0xa5: {  	[sflag:s15] =	ssyncset.done $0x0  }
0xa6: {  	s5 =	sadd.s32 $0x1500, s30;
	[sflag:s15] =	ssyncadd.s32 $0xFFFFE000  }
0xa7: {  	[spmem:s20] =	stream.indirect.scatter.add.f32 [tilespmem:s10], [sflag:$0x7], $0x80, s5, s6, $0xb8;
	[tilespmem:$0x1E400] =	vst v63  }
0xa8: {  	_ =	swait.ge [sflag:s16], $0x2000  }
0xa9: {  	[sflag:s16] =	ssyncset.done $0x0  }
0xaa: {  	s5 =	sadd.s32 $0x1580, s30;
	[sflag:s16] =	ssyncadd.s32 $0xFFFFE000  }
0xab: {  	[spmem:s20] =	stream.indirect.scatter.add.f32 [tilespmem:s12], [sflag:$0x8], $0x80, s5, s6, $0xb8;
	[tilespmem:$0x1E400] =	vst v63  }
0xac: {  	_ =	swait.ge [sflag:s17], $0x2000  }
0xad: {  	[sflag:s17] =	ssyncset.done $0x0  }
0xae: {  	s5 =	sadd.s32 $0x200, s30;
	[sflag:s17] =	ssyncadd.s32 $0xFFFFE000  }
0xaf: {  	[tilespmem:s3], [sflag:$0x1] =	stream.indirect.gather [hbm4b:s22+s6], $0x80, s5, s6, $0xb8;
	[tilespmem:$0x1E400] =	vst v63  }
0xb0: {  	_ =	swait.ge [sflag:s19], $0x2000  }
0xb1: {  	[sflag:s19] =	ssyncset.done $0x0  }
0xb2: {  	s5 =	sadd.s32 $0x280, s30;
	[sflag:s19] =	ssyncadd.s32 $0xFFFFE000  }
0xb3: {  	[tilespmem:s8], [sflag:$0x2] =	stream.indirect.gather [hbm4b:s22+s6], $0x80, s5, s6, $0xb8;
	[tilespmem:$0x1E400] =	vst v63  }
0xb4: {  	_ =	swait.ge [sflag:s21], $0x2000  }
0xb5: {  	[sflag:s21] =	ssyncset.done $0x0  }
.Ltmp1:
0xb6: {  	s5 =	sadd.s32 $0x300, s30;
	[sflag:s21] =	ssyncadd.s32 $0xFFFFE000;
	(pc) =	sbr.rel @p0 .LBB2_4-.Ltmp1, $4  }
0xb7: {  	[tilespmem:s10], [sflag:$0x3] =	stream.indirect.gather [hbm4b:s22+s6], $0x80, s5, s6, $0xb8;
	[tilespmem:$0x1E400] =	vst v63  }
0xb8: {  	_ =	swait.ge [sflag:s2], $0x2000  }
0xb9: {  	[sflag:s2] =	ssyncset.done $0x0  }
0xba: {  	s30 =	sadd.s32 $0x380, s30;
	[sflag:s2] =	ssyncadd.s32 $0xFFFFE000  }
0xbb: {  	[tilespmem:s12], [sflag:$0x4] =	stream.indirect.gather [hbm4b:s22+s6], $0x80, s30, s6, $0xb8;
	[tilespmem:$0x1E400] =	vst v63  }
0xbc: {  	_ =	swait.ge [sflag:s13], $0x2000  }
0xbd: {  	[sflag:s13] =	ssyncset.done $0x0  }
0xbe: {  	[sflag:s13] =	ssyncadd.s32 $0xFFFFE000  }
0xbf: {  	[spmem:s20] =	stream.indirect.scatter.add.f32 [tilespmem:s3], [sflag:$0x5], $0x80, s23, s6, $0xb8;
	[tilespmem:$0x1E400] =	vst v63  }
0xc0: {  	_ =	swait.ge [sflag:s14], $0x2000  }
0xc1: {  	[sflag:s14] =	ssyncset.done $0x0  }
0xc2: {  	[sflag:s14] =	ssyncadd.s32 $0xFFFFE000  }
0xc3: {  	[spmem:s20] =	stream.indirect.scatter.add.f32 [tilespmem:s8], [sflag:$0x6], $0x80, s24, s6, $0xb8;
	[tilespmem:$0x1E400] =	vst v63  }
0xc4: {  	_ =	swait.ge [sflag:s15], $0x2000  }
0xc5: {  	[sflag:s15] =	ssyncset.done $0x0  }
0xc6: {  	[sflag:s15] =	ssyncadd.s32 $0xFFFFE000  }
0xc7: {  	[spmem:s20] =	stream.indirect.scatter.add.f32 [tilespmem:s10], [sflag:$0x7], $0x80, s25, s6, $0xb8;
	[tilespmem:$0x1E400] =	vst v63  }
0xc8: {  	_ =	swait.ge [sflag:s16], $0x2000  }
0xc9: {  	[sflag:s16] =	ssyncset.done $0x0  }
0xca: {  	[sflag:s16] =	ssyncadd.s32 $0xFFFFE000  }
0xcb: {  	[spmem:s20] =	stream.indirect.scatter.add.f32 [tilespmem:s12], [sflag:$0x8], $0x80, s26, s6, $0xb8;
	[tilespmem:$0x1E400] =	vst v63  }
0xcc: {  	_ =	swait.ge [sflag:s17], $0x2000  }
0xcd: {  	[sflag:s17] =	ssyncset.done $0x0  }
0xce: {  	[sflag:s17] =	ssyncadd.s32 $0xFFFFE000  }
0xcf: {  	_ =	swait.ge [sflag:s19], $0x2000  }
0xd0: {  	[sflag:s19] =	ssyncset.done $0x0  }
0xd1: {  	[sflag:s19] =	ssyncadd.s32 $0xFFFFE000  }
0xd2: {  	_ =	swait.ge [sflag:s21], $0x2000  }
0xd3: {  	[sflag:s21] =	ssyncset.done $0x0  }
0xd4: {  	[sflag:s21] =	ssyncadd.s32 $0xFFFFE000  }
0xd5: {  	_ =	swait.ge [sflag:s2], $0x2000  }
0xd6: {  	[sflag:s2] =	ssyncset.done $0x0  }
0xd7: {  	s5 =	simm.s32 $0x0;
	s29 =	rddreg [dreg:$0x6];
	[sflag:s2] =	ssyncadd.s32 $0xFFFFE000  }
0xd8: {  	[tilespmem:s5], [sflag:$0x9] =	stream.linear.gather [hbm4b:s29+s5], $0x1400, $0x38;
	[tilespmem:$0x1E400] =	vst v63  }
0xd9: {  	_ =	swait.ge [sflag:s4], $0x1400  }
0xda: {  	[sflag:s4] =	ssyncset.done $0x0  }
0xdb: {  	s30 =	simm.s32 $0x1400;
	s29 =	rddreg [dreg:$0x7];
	[sflag:s4] =	ssyncadd.s32 $0xFFFFEC00  }
0xdc: {  	[tilespmem:s30], [sflag:$0x9] =	stream.linear.gather [hbm4b:s29+s5], $0x1400, $0x38;
	[tilespmem:$0x1E400] =	vst v63  }
0xdd: {  	_ =	swait.ge [sflag:s4], $0x1400  }
0xde: {  	[sflag:s4] =	ssyncset.done $0x0  }
0xdf: {  	[sflag:s4] =	ssyncadd.s32 $0xFFFFEC00  }
0xe0: {  	[tilespmem:s3], [sflag:$0x1] =	stream.indirect.gather [hbm4b:s22+s6], $0x80, s5, s6, $0xb8;
	[tilespmem:$0x1E400] =	vst v63  }
0xe1: {  	_ = 	snop  }
0xe2: {  	[tilespmem:s8], [sflag:$0x2] =	stream.indirect.gather [hbm4b:s22+s6], $0x80, s7, s6, $0xb8;
	[tilespmem:$0x1E400] =	vst v63  }
0xe3: {  	_ = 	snop  }
0xe4: {  	[tilespmem:s10], [sflag:$0x3] =	stream.indirect.gather [hbm4b:s22+s6], $0x80, s9, s6, $0xb8;
	[tilespmem:$0x1E400] =	vst v63  }
0xe5: {  	_ = 	snop  }
0xe6: {  	[tilespmem:s12], [sflag:$0x4] =	stream.indirect.gather [hbm4b:s22+s6], $0x80, s11, s6, $0xb8;
	[tilespmem:$0x1E400] =	vst v63  }
0xe7: {  	_ =	swait.ge [sflag:s13], $0x2000  }
0xe8: {  	[sflag:s13] =	ssyncset.done $0x0  }
0xe9: {  	s5 =	simm.s32 $0x1400;
	[sflag:s13] =	ssyncadd.s32 $0xFFFFE000  }
0xea: {  	[spmem:s20] =	stream.indirect.scatter.add.f32 [tilespmem:s3], [sflag:$0x5], $0x80, s5, s6, $0xb8;
	[tilespmem:$0x1E400] =	vst v63  }
0xeb: {  	_ =	swait.ge [sflag:s14], $0x2000  }
0xec: {  	[sflag:s14] =	ssyncset.done $0x0  }
0xed: {  	s5 =	simm.s32 $0x1480;
	[sflag:s14] =	ssyncadd.s32 $0xFFFFE000  }
0xee: {  	[spmem:s20] =	stream.indirect.scatter.add.f32 [tilespmem:s8], [sflag:$0x6], $0x80, s5, s6, $0xb8;
	[tilespmem:$0x1E400] =	vst v63  }
0xef: {  	_ =	swait.ge [sflag:s15], $0x2000  }
0xf0: {  	[sflag:s15] =	ssyncset.done $0x0  }
0xf1: {  	s5 =	simm.s32 $0x1500;
	[sflag:s15] =	ssyncadd.s32 $0xFFFFE000  }
0xf2: {  	[spmem:s20] =	stream.indirect.scatter.add.f32 [tilespmem:s10], [sflag:$0x7], $0x80, s5, s6, $0xb8;
	[tilespmem:$0x1E400] =	vst v63  }
0xf3: {  	_ =	swait.ge [sflag:s16], $0x2000  }
0xf4: {  	[sflag:s16] =	ssyncset.done $0x0  }
0xf5: {  	s5 =	simm.s32 $0x1580;
	[sflag:s16] =	ssyncadd.s32 $0xFFFFE000  }
0xf6: {  	[spmem:s20] =	stream.indirect.scatter.add.f32 [tilespmem:s12], [sflag:$0x8], $0x80, s5, s6, $0xb8;
	[tilespmem:$0x1E400] =	vst v63  }
0xf7: {  	_ =	swait.ge [sflag:s17], $0x2000  }
0xf8: {  	[sflag:s17] =	ssyncset.done $0x0  }
0xf9: {  	s5 =	simm.s32 $0x200;
	[sflag:s17] =	ssyncadd.s32 $0xFFFFE000  }
0xfa: {  	[tilespmem:s3], [sflag:$0x1] =	stream.indirect.gather [hbm4b:s22+s6], $0x80, s5, s6, $0xb8;
	[tilespmem:$0x1E400] =	vst v63  }
0xfb: {  	_ =	swait.ge [sflag:s19], $0x2000  }
0xfc: {  	[sflag:s19] =	ssyncset.done $0x0  }
0xfd: {  	s5 =	simm.s32 $0x280;
	[sflag:s19] =	ssyncadd.s32 $0xFFFFE000  }
0xfe: {  	[tilespmem:s8], [sflag:$0x2] =	stream.indirect.gather [hbm4b:s22+s6], $0x80, s5, s6, $0xb8;
	[tilespmem:$0x1E400] =	vst v63  }
0xff: {  	_ =	swait.ge [sflag:s21], $0x2000  }
0x100: {  	[sflag:s21] =	ssyncset.done $0x0  }
0x101: {  	s5 =	simm.s32 $0x300;
	[sflag:s21] =	ssyncadd.s32 $0xFFFFE000  }
0x102: {  	[tilespmem:s10], [sflag:$0x3] =	stream.indirect.gather [hbm4b:s22+s6], $0x80, s5, s6, $0xb8;
	[tilespmem:$0x1E400] =	vst v63  }
0x103: {  	_ =	swait.ge [sflag:s2], $0x2000  }
0x104: {  	[sflag:s2] =	ssyncset.done $0x0  }
0x105: {  	s29 =	simm.s32 $0x800;
	s30 =	simm.s32 $0x380;
	[sflag:s2] =	ssyncadd.s32 $0xFFFFE000  }
.LBB2_6:
0x106: {  	[tilespmem:s12], [sflag:$0x4] =	stream.indirect.gather [hbm4b:s22+s6], $0x80, s30, s6, $0xb8;
	[tilespmem:$0x1E400] =	vst v63  }
0x107: {  	s5 =	smov.u32 s29  }
0x108: {  	p0 =	sne.s32 s29, $0x4000;
	s29 =	sadd.s32 $0x800, s29;
	_ =	swait.ge [sflag:s13], $0x2000  }
0x109: {  	s30 =	sshra.s32 s5, $0x2;
	[sflag:s13] =	ssyncset.done $0x0  }
0x10a: {  	s5 =	sadd.s32 $0x1400, s30;
	[sflag:s13] =	ssyncadd.s32 $0xFFFFE000  }
0x10b: {  	[spmem:s20] =	stream.indirect.scatter.add.f32 [tilespmem:s3], [sflag:$0x5], $0x80, s5, s6, $0xb8;
	[tilespmem:$0x1E400] =	vst v63  }
0x10c: {  	_ =	swait.ge [sflag:s14], $0x2000  }
0x10d: {  	[sflag:s14] =	ssyncset.done $0x0  }
0x10e: {  	s5 =	sadd.s32 $0x1480, s30;
	[sflag:s14] =	ssyncadd.s32 $0xFFFFE000  }
0x10f: {  	[spmem:s20] =	stream.indirect.scatter.add.f32 [tilespmem:s8], [sflag:$0x6], $0x80, s5, s6, $0xb8;
	[tilespmem:$0x1E400] =	vst v63  }
0x110: {  	_ =	swait.ge [sflag:s15], $0x2000  }
0x111: {  	[sflag:s15] =	ssyncset.done $0x0  }
0x112: {  	s5 =	sadd.s32 $0x1500, s30;
	[sflag:s15] =	ssyncadd.s32 $0xFFFFE000  }
0x113: {  	[spmem:s20] =	stream.indirect.scatter.add.f32 [tilespmem:s10], [sflag:$0x7], $0x80, s5, s6, $0xb8;
	[tilespmem:$0x1E400] =	vst v63  }
0x114: {  	_ =	swait.ge [sflag:s16], $0x2000  }
0x115: {  	[sflag:s16] =	ssyncset.done $0x0  }
0x116: {  	s5 =	sadd.s32 $0x1580, s30;
	[sflag:s16] =	ssyncadd.s32 $0xFFFFE000  }
0x117: {  	[spmem:s20] =	stream.indirect.scatter.add.f32 [tilespmem:s12], [sflag:$0x8], $0x80, s5, s6, $0xb8;
	[tilespmem:$0x1E400] =	vst v63  }
0x118: {  	_ =	swait.ge [sflag:s17], $0x2000  }
0x119: {  	[sflag:s17] =	ssyncset.done $0x0  }
0x11a: {  	s5 =	sadd.s32 $0x200, s30;
	[sflag:s17] =	ssyncadd.s32 $0xFFFFE000  }
0x11b: {  	[tilespmem:s3], [sflag:$0x1] =	stream.indirect.gather [hbm4b:s22+s6], $0x80, s5, s6, $0xb8;
	[tilespmem:$0x1E400] =	vst v63  }
0x11c: {  	_ =	swait.ge [sflag:s19], $0x2000  }
0x11d: {  	[sflag:s19] =	ssyncset.done $0x0  }
0x11e: {  	s5 =	sadd.s32 $0x280, s30;
	[sflag:s19] =	ssyncadd.s32 $0xFFFFE000  }
0x11f: {  	[tilespmem:s8], [sflag:$0x2] =	stream.indirect.gather [hbm4b:s22+s6], $0x80, s5, s6, $0xb8;
	[tilespmem:$0x1E400] =	vst v63  }
0x120: {  	_ =	swait.ge [sflag:s21], $0x2000  }
0x121: {  	[sflag:s21] =	ssyncset.done $0x0  }
.Ltmp2:
0x122: {  	s5 =	sadd.s32 $0x300, s30;
	[sflag:s21] =	ssyncadd.s32 $0xFFFFE000;
	(pc) =	sbr.rel @p0 .LBB2_6-.Ltmp2, $4  }
0x123: {  	[tilespmem:s10], [sflag:$0x3] =	stream.indirect.gather [hbm4b:s22+s6], $0x80, s5, s6, $0xb8;
	[tilespmem:$0x1E400] =	vst v63  }
0x124: {  	_ =	swait.ge [sflag:s2], $0x2000  }
0x125: {  	[sflag:s2] =	ssyncset.done $0x0  }
0x126: {  	s30 =	sadd.s32 $0x380, s30;
	[sflag:s2] =	ssyncadd.s32 $0xFFFFE000  }
0x127: {  	[tilespmem:s12], [sflag:$0x4] =	stream.indirect.gather [hbm4b:s22+s6], $0x80, s30, s6, $0xb8;
	[tilespmem:$0x1E400] =	vst v63  }
0x128: {  	_ =	swait.ge [sflag:s13], $0x2000  }
0x129: {  	[sflag:s13] =	ssyncset.done $0x0  }
0x12a: {  	[sflag:s13] =	ssyncadd.s32 $0xFFFFE000  }
0x12b: {  	[spmem:s20] =	stream.indirect.scatter.add.f32 [tilespmem:s3], [sflag:$0x5], $0x80, s23, s6, $0xb8;
	[tilespmem:$0x1E400] =	vst v63  }
0x12c: {  	_ =	swait.ge [sflag:s14], $0x2000  }
0x12d: {  	[sflag:s14] =	ssyncset.done $0x0  }
0x12e: {  	[sflag:s14] =	ssyncadd.s32 $0xFFFFE000  }
0x12f: {  	[spmem:s20] =	stream.indirect.scatter.add.f32 [tilespmem:s8], [sflag:$0x6], $0x80, s24, s6, $0xb8;
	[tilespmem:$0x1E400] =	vst v63  }
0x130: {  	_ =	swait.ge [sflag:s15], $0x2000  }
0x131: {  	[sflag:s15] =	ssyncset.done $0x0  }
0x132: {  	[sflag:s15] =	ssyncadd.s32 $0xFFFFE000  }
0x133: {  	[spmem:s20] =	stream.indirect.scatter.add.f32 [tilespmem:s10], [sflag:$0x7], $0x80, s25, s6, $0xb8;
	[tilespmem:$0x1E400] =	vst v63  }
0x134: {  	_ =	swait.ge [sflag:s16], $0x2000  }
0x135: {  	[sflag:s16] =	ssyncset.done $0x0  }
0x136: {  	[sflag:s16] =	ssyncadd.s32 $0xFFFFE000  }
0x137: {  	[spmem:s20] =	stream.indirect.scatter.add.f32 [tilespmem:s12], [sflag:$0x8], $0x80, s26, s6, $0xb8;
	[tilespmem:$0x1E400] =	vst v63  }
0x138: {  	_ =	swait.ge [sflag:s17], $0x2000  }
0x139: {  	[sflag:s17] =	ssyncset.done $0x0  }
0x13a: {  	[sflag:s17] =	ssyncadd.s32 $0xFFFFE000  }
0x13b: {  	_ =	swait.ge [sflag:s19], $0x2000  }
0x13c: {  	[sflag:s19] =	ssyncset.done $0x0  }
0x13d: {  	[sflag:s19] =	ssyncadd.s32 $0xFFFFE000  }
0x13e: {  	_ =	swait.ge [sflag:s21], $0x2000  }
0x13f: {  	[sflag:s21] =	ssyncset.done $0x0  }
0x140: {  	[sflag:s21] =	ssyncadd.s32 $0xFFFFE000  }
0x141: {  	_ =	swait.ge [sflag:s2], $0x2000  }
0x142: {  	[sflag:s2] =	ssyncset.done $0x0  }
0x143: {  	s5 =	simm.s32 $0x0;
	s29 =	rddreg [dreg:$0x8];
	[sflag:s2] =	ssyncadd.s32 $0xFFFFE000  }
0x144: {  	[tilespmem:s5], [sflag:$0x9] =	stream.linear.gather [hbm4b:s29+s5], $0x1400, $0x38;
	[tilespmem:$0x1E400] =	vst v63  }
0x145: {  	_ =	swait.ge [sflag:s4], $0x1400  }
0x146: {  	[sflag:s4] =	ssyncset.done $0x0  }
0x147: {  	s30 =	simm.s32 $0x1400;
	s29 =	rddreg [dreg:$0x9];
	[sflag:s4] =	ssyncadd.s32 $0xFFFFEC00  }
0x148: {  	[tilespmem:s30], [sflag:$0x9] =	stream.linear.gather [hbm4b:s29+s5], $0x1400, $0x38;
	[tilespmem:$0x1E400] =	vst v63  }
0x149: {  	_ =	swait.ge [sflag:s4], $0x1400  }
0x14a: {  	[sflag:s4] =	ssyncset.done $0x0  }
0x14b: {  	[sflag:s4] =	ssyncadd.s32 $0xFFFFEC00  }
0x14c: {  	[tilespmem:s3], [sflag:$0x1] =	stream.indirect.gather [hbm4b:s22+s6], $0x80, s5, s6, $0xb8;
	[tilespmem:$0x1E400] =	vst v63  }
0x14d: {  	_ = 	snop  }
0x14e: {  	[tilespmem:s8], [sflag:$0x2] =	stream.indirect.gather [hbm4b:s22+s6], $0x80, s7, s6, $0xb8;
	[tilespmem:$0x1E400] =	vst v63  }
0x14f: {  	_ = 	snop  }
0x150: {  	[tilespmem:s10], [sflag:$0x3] =	stream.indirect.gather [hbm4b:s22+s6], $0x80, s9, s6, $0xb8;
	[tilespmem:$0x1E400] =	vst v63  }
0x151: {  	_ = 	snop  }
0x152: {  	[tilespmem:s12], [sflag:$0x4] =	stream.indirect.gather [hbm4b:s22+s6], $0x80, s11, s6, $0xb8;
	[tilespmem:$0x1E400] =	vst v63  }
0x153: {  	_ =	swait.ge [sflag:s13], $0x2000  }
0x154: {  	[sflag:s13] =	ssyncset.done $0x0  }
0x155: {  	s5 =	simm.s32 $0x1400;
	[sflag:s13] =	ssyncadd.s32 $0xFFFFE000  }
0x156: {  	[spmem:s20] =	stream.indirect.scatter.add.f32 [tilespmem:s3], [sflag:$0x5], $0x80, s5, s6, $0xb8;
	[tilespmem:$0x1E400] =	vst v63  }
0x157: {  	_ =	swait.ge [sflag:s14], $0x2000  }
0x158: {  	[sflag:s14] =	ssyncset.done $0x0  }
0x159: {  	s5 =	simm.s32 $0x1480;
	[sflag:s14] =	ssyncadd.s32 $0xFFFFE000  }
0x15a: {  	[spmem:s20] =	stream.indirect.scatter.add.f32 [tilespmem:s8], [sflag:$0x6], $0x80, s5, s6, $0xb8;
	[tilespmem:$0x1E400] =	vst v63  }
0x15b: {  	_ =	swait.ge [sflag:s15], $0x2000  }
0x15c: {  	[sflag:s15] =	ssyncset.done $0x0  }
0x15d: {  	s5 =	simm.s32 $0x1500;
	[sflag:s15] =	ssyncadd.s32 $0xFFFFE000  }
0x15e: {  	[spmem:s20] =	stream.indirect.scatter.add.f32 [tilespmem:s10], [sflag:$0x7], $0x80, s5, s6, $0xb8;
	[tilespmem:$0x1E400] =	vst v63  }
0x15f: {  	_ =	swait.ge [sflag:s16], $0x2000  }
0x160: {  	[sflag:s16] =	ssyncset.done $0x0  }
0x161: {  	s5 =	simm.s32 $0x1580;
	[sflag:s16] =	ssyncadd.s32 $0xFFFFE000  }
0x162: {  	[spmem:s20] =	stream.indirect.scatter.add.f32 [tilespmem:s12], [sflag:$0x8], $0x80, s5, s6, $0xb8;
	[tilespmem:$0x1E400] =	vst v63  }
0x163: {  	_ =	swait.ge [sflag:s17], $0x2000  }
0x164: {  	[sflag:s17] =	ssyncset.done $0x0  }
0x165: {  	s5 =	simm.s32 $0x200;
	[sflag:s17] =	ssyncadd.s32 $0xFFFFE000  }
0x166: {  	[tilespmem:s3], [sflag:$0x1] =	stream.indirect.gather [hbm4b:s22+s6], $0x80, s5, s6, $0xb8;
	[tilespmem:$0x1E400] =	vst v63  }
0x167: {  	_ =	swait.ge [sflag:s19], $0x2000  }
0x168: {  	[sflag:s19] =	ssyncset.done $0x0  }
0x169: {  	s5 =	simm.s32 $0x280;
	[sflag:s19] =	ssyncadd.s32 $0xFFFFE000  }
0x16a: {  	[tilespmem:s8], [sflag:$0x2] =	stream.indirect.gather [hbm4b:s22+s6], $0x80, s5, s6, $0xb8;
	[tilespmem:$0x1E400] =	vst v63  }
0x16b: {  	_ =	swait.ge [sflag:s21], $0x2000  }
0x16c: {  	[sflag:s21] =	ssyncset.done $0x0  }
0x16d: {  	s5 =	simm.s32 $0x300;
	[sflag:s21] =	ssyncadd.s32 $0xFFFFE000  }
0x16e: {  	[tilespmem:s10], [sflag:$0x3] =	stream.indirect.gather [hbm4b:s22+s6], $0x80, s5, s6, $0xb8;
	[tilespmem:$0x1E400] =	vst v63  }
0x16f: {  	_ =	swait.ge [sflag:s2], $0x2000  }
0x170: {  	[sflag:s2] =	ssyncset.done $0x0  }
0x171: {  	s29 =	simm.s32 $0x800;
	s30 =	simm.s32 $0x380;
	[sflag:s2] =	ssyncadd.s32 $0xFFFFE000  }
.LBB2_8:
0x172: {  	[tilespmem:s12], [sflag:$0x4] =	stream.indirect.gather [hbm4b:s22+s6], $0x80, s30, s6, $0xb8;
	[tilespmem:$0x1E400] =	vst v63  }
0x173: {  	s5 =	smov.u32 s29  }
0x174: {  	p0 =	sne.s32 s29, $0x4000;
	s29 =	sadd.s32 $0x800, s29;
	_ =	swait.ge [sflag:s13], $0x2000  }
0x175: {  	s30 =	sshra.s32 s5, $0x2;
	[sflag:s13] =	ssyncset.done $0x0  }
0x176: {  	s5 =	sadd.s32 $0x1400, s30;
	[sflag:s13] =	ssyncadd.s32 $0xFFFFE000  }
0x177: {  	[spmem:s20] =	stream.indirect.scatter.add.f32 [tilespmem:s3], [sflag:$0x5], $0x80, s5, s6, $0xb8;
	[tilespmem:$0x1E400] =	vst v63  }
0x178: {  	_ =	swait.ge [sflag:s14], $0x2000  }
0x179: {  	[sflag:s14] =	ssyncset.done $0x0  }
0x17a: {  	s5 =	sadd.s32 $0x1480, s30;
	[sflag:s14] =	ssyncadd.s32 $0xFFFFE000  }
0x17b: {  	[spmem:s20] =	stream.indirect.scatter.add.f32 [tilespmem:s8], [sflag:$0x6], $0x80, s5, s6, $0xb8;
	[tilespmem:$0x1E400] =	vst v63  }
0x17c: {  	_ =	swait.ge [sflag:s15], $0x2000  }
0x17d: {  	[sflag:s15] =	ssyncset.done $0x0  }
0x17e: {  	s5 =	sadd.s32 $0x1500, s30;
	[sflag:s15] =	ssyncadd.s32 $0xFFFFE000  }
0x17f: {  	[spmem:s20] =	stream.indirect.scatter.add.f32 [tilespmem:s10], [sflag:$0x7], $0x80, s5, s6, $0xb8;
	[tilespmem:$0x1E400] =	vst v63  }
0x180: {  	_ =	swait.ge [sflag:s16], $0x2000  }
0x181: {  	[sflag:s16] =	ssyncset.done $0x0  }
0x182: {  	s5 =	sadd.s32 $0x1580, s30;
	[sflag:s16] =	ssyncadd.s32 $0xFFFFE000  }
0x183: {  	[spmem:s20] =	stream.indirect.scatter.add.f32 [tilespmem:s12], [sflag:$0x8], $0x80, s5, s6, $0xb8;
	[tilespmem:$0x1E400] =	vst v63  }
0x184: {  	_ =	swait.ge [sflag:s17], $0x2000  }
0x185: {  	[sflag:s17] =	ssyncset.done $0x0  }
0x186: {  	s5 =	sadd.s32 $0x200, s30;
	[sflag:s17] =	ssyncadd.s32 $0xFFFFE000  }
0x187: {  	[tilespmem:s3], [sflag:$0x1] =	stream.indirect.gather [hbm4b:s22+s6], $0x80, s5, s6, $0xb8;
	[tilespmem:$0x1E400] =	vst v63  }
0x188: {  	_ =	swait.ge [sflag:s19], $0x2000  }
0x189: {  	[sflag:s19] =	ssyncset.done $0x0  }
0x18a: {  	s5 =	sadd.s32 $0x280, s30;
	[sflag:s19] =	ssyncadd.s32 $0xFFFFE000  }
0x18b: {  	[tilespmem:s8], [sflag:$0x2] =	stream.indirect.gather [hbm4b:s22+s6], $0x80, s5, s6, $0xb8;
	[tilespmem:$0x1E400] =	vst v63  }
0x18c: {  	_ =	swait.ge [sflag:s21], $0x2000  }
0x18d: {  	[sflag:s21] =	ssyncset.done $0x0  }
.Ltmp3:
0x18e: {  	s5 =	sadd.s32 $0x300, s30;
	[sflag:s21] =	ssyncadd.s32 $0xFFFFE000;
	(pc) =	sbr.rel @p0 .LBB2_8-.Ltmp3, $4  }
0x18f: {  	[tilespmem:s10], [sflag:$0x3] =	stream.indirect.gather [hbm4b:s22+s6], $0x80, s5, s6, $0xb8;
	[tilespmem:$0x1E400] =	vst v63  }
0x190: {  	_ =	swait.ge [sflag:s2], $0x2000  }
0x191: {  	[sflag:s2] =	ssyncset.done $0x0  }
0x192: {  	s30 =	sadd.s32 $0x380, s30;
	[sflag:s2] =	ssyncadd.s32 $0xFFFFE000  }
0x193: {  	[tilespmem:s12], [sflag:$0x4] =	stream.indirect.gather [hbm4b:s22+s6], $0x80, s30, s6, $0xb8;
	[tilespmem:$0x1E400] =	vst v63  }
0x194: {  	_ =	swait.ge [sflag:s13], $0x2000  }
0x195: {  	[sflag:s13] =	ssyncset.done $0x0  }
0x196: {  	[sflag:s13] =	ssyncadd.s32 $0xFFFFE000  }
0x197: {  	[spmem:s20] =	stream.indirect.scatter.add.f32 [tilespmem:s3], [sflag:$0x5], $0x80, s23, s6, $0xb8;
	[tilespmem:$0x1E400] =	vst v63  }
0x198: {  	_ =	swait.ge [sflag:s14], $0x2000  }
0x199: {  	[sflag:s14] =	ssyncset.done $0x0  }
0x19a: {  	[sflag:s14] =	ssyncadd.s32 $0xFFFFE000  }
0x19b: {  	[spmem:s20] =	stream.indirect.scatter.add.f32 [tilespmem:s8], [sflag:$0x6], $0x80, s24, s6, $0xb8;
	[tilespmem:$0x1E400] =	vst v63  }
0x19c: {  	_ =	swait.ge [sflag:s15], $0x2000  }
0x19d: {  	[sflag:s15] =	ssyncset.done $0x0  }
0x19e: {  	[sflag:s15] =	ssyncadd.s32 $0xFFFFE000  }
0x19f: {  	[spmem:s20] =	stream.indirect.scatter.add.f32 [tilespmem:s10], [sflag:$0x7], $0x80, s25, s6, $0xb8;
	[tilespmem:$0x1E400] =	vst v63  }
0x1a0: {  	_ =	swait.ge [sflag:s16], $0x2000  }
0x1a1: {  	[sflag:s16] =	ssyncset.done $0x0  }
0x1a2: {  	[sflag:s16] =	ssyncadd.s32 $0xFFFFE000  }
0x1a3: {  	[spmem:s20] =	stream.indirect.scatter.add.f32 [tilespmem:s12], [sflag:$0x8], $0x80, s26, s6, $0xb8;
	[tilespmem:$0x1E400] =	vst v63  }
0x1a4: {  	_ =	swait.ge [sflag:s17], $0x2000  }
0x1a5: {  	[sflag:s17] =	ssyncset.done $0x0  }
0x1a6: {  	[sflag:s17] =	ssyncadd.s32 $0xFFFFE000  }
0x1a7: {  	_ =	swait.ge [sflag:s19], $0x2000  }
0x1a8: {  	[sflag:s19] =	ssyncset.done $0x0  }
0x1a9: {  	[sflag:s19] =	ssyncadd.s32 $0xFFFFE000  }
0x1aa: {  	_ =	swait.ge [sflag:s21], $0x2000  }
0x1ab: {  	[sflag:s21] =	ssyncset.done $0x0  }
0x1ac: {  	[sflag:s21] =	ssyncadd.s32 $0xFFFFE000  }
0x1ad: {  	_ =	swait.ge [sflag:s2], $0x2000  }
0x1ae: {  	[sflag:s2] =	ssyncset.done $0x0  }
0x1af: {  	s5 =	simm.s32 $0x0;
	s29 =	rddreg [dreg:$0xa];
	[sflag:s2] =	ssyncadd.s32 $0xFFFFE000  }
0x1b0: {  	[tilespmem:s5], [sflag:$0x9] =	stream.linear.gather [hbm4b:s29+s5], $0x1400, $0x38;
	[tilespmem:$0x1E400] =	vst v63  }
0x1b1: {  	_ =	swait.ge [sflag:s4], $0x1400  }
0x1b2: {  	[sflag:s4] =	ssyncset.done $0x0  }
0x1b3: {  	s30 =	simm.s32 $0x1400;
	s29 =	rddreg [dreg:$0xb];
	[sflag:s4] =	ssyncadd.s32 $0xFFFFEC00  }
0x1b4: {  	[tilespmem:s30], [sflag:$0x9] =	stream.linear.gather [hbm4b:s29+s5], $0x1400, $0x38;
	[tilespmem:$0x1E400] =	vst v63  }
0x1b5: {  	_ =	swait.ge [sflag:s4], $0x1400  }
0x1b6: {  	[sflag:s4] =	ssyncset.done $0x0  }
0x1b7: {  	[sflag:s4] =	ssyncadd.s32 $0xFFFFEC00  }
0x1b8: {  	[tilespmem:s3], [sflag:$0x1] =	stream.indirect.gather [hbm4b:s22+s6], $0x80, s5, s6, $0xb8;
	[tilespmem:$0x1E400] =	vst v63  }
0x1b9: {  	_ = 	snop  }
0x1ba: {  	[tilespmem:s8], [sflag:$0x2] =	stream.indirect.gather [hbm4b:s22+s6], $0x80, s7, s6, $0xb8;
	[tilespmem:$0x1E400] =	vst v63  }
0x1bb: {  	_ = 	snop  }
0x1bc: {  	[tilespmem:s10], [sflag:$0x3] =	stream.indirect.gather [hbm4b:s22+s6], $0x80, s9, s6, $0xb8;
	[tilespmem:$0x1E400] =	vst v63  }
0x1bd: {  	_ = 	snop  }
0x1be: {  	[tilespmem:s12], [sflag:$0x4] =	stream.indirect.gather [hbm4b:s22+s6], $0x80, s11, s6, $0xb8;
	[tilespmem:$0x1E400] =	vst v63  }
0x1bf: {  	_ =	swait.ge [sflag:s13], $0x2000  }
0x1c0: {  	[sflag:s13] =	ssyncset.done $0x0  }
0x1c1: {  	s5 =	simm.s32 $0x1400;
	[sflag:s13] =	ssyncadd.s32 $0xFFFFE000  }
0x1c2: {  	[spmem:s20] =	stream.indirect.scatter.add.f32 [tilespmem:s3], [sflag:$0x5], $0x80, s5, s6, $0xb8;
	[tilespmem:$0x1E400] =	vst v63  }
0x1c3: {  	_ =	swait.ge [sflag:s14], $0x2000  }
0x1c4: {  	[sflag:s14] =	ssyncset.done $0x0  }
0x1c5: {  	s5 =	simm.s32 $0x1480;
	[sflag:s14] =	ssyncadd.s32 $0xFFFFE000  }
0x1c6: {  	[spmem:s20] =	stream.indirect.scatter.add.f32 [tilespmem:s8], [sflag:$0x6], $0x80, s5, s6, $0xb8;
	[tilespmem:$0x1E400] =	vst v63  }
0x1c7: {  	_ =	swait.ge [sflag:s15], $0x2000  }
0x1c8: {  	[sflag:s15] =	ssyncset.done $0x0  }
0x1c9: {  	s5 =	simm.s32 $0x1500;
	[sflag:s15] =	ssyncadd.s32 $0xFFFFE000  }
0x1ca: {  	[spmem:s20] =	stream.indirect.scatter.add.f32 [tilespmem:s10], [sflag:$0x7], $0x80, s5, s6, $0xb8;
	[tilespmem:$0x1E400] =	vst v63  }
0x1cb: {  	_ =	swait.ge [sflag:s16], $0x2000  }
0x1cc: {  	[sflag:s16] =	ssyncset.done $0x0  }
0x1cd: {  	s5 =	simm.s32 $0x1580;
	[sflag:s16] =	ssyncadd.s32 $0xFFFFE000  }
0x1ce: {  	[spmem:s20] =	stream.indirect.scatter.add.f32 [tilespmem:s12], [sflag:$0x8], $0x80, s5, s6, $0xb8;
	[tilespmem:$0x1E400] =	vst v63  }
0x1cf: {  	_ =	swait.ge [sflag:s17], $0x2000  }
0x1d0: {  	[sflag:s17] =	ssyncset.done $0x0  }
0x1d1: {  	s5 =	simm.s32 $0x200;
	[sflag:s17] =	ssyncadd.s32 $0xFFFFE000  }
0x1d2: {  	[tilespmem:s3], [sflag:$0x1] =	stream.indirect.gather [hbm4b:s22+s6], $0x80, s5, s6, $0xb8;
	[tilespmem:$0x1E400] =	vst v63  }
0x1d3: {  	_ =	swait.ge [sflag:s19], $0x2000  }
0x1d4: {  	[sflag:s19] =	ssyncset.done $0x0  }
0x1d5: {  	s5 =	simm.s32 $0x280;
	[sflag:s19] =	ssyncadd.s32 $0xFFFFE000  }
0x1d6: {  	[tilespmem:s8], [sflag:$0x2] =	stream.indirect.gather [hbm4b:s22+s6], $0x80, s5, s6, $0xb8;
	[tilespmem:$0x1E400] =	vst v63  }
0x1d7: {  	_ =	swait.ge [sflag:s21], $0x2000  }
0x1d8: {  	[sflag:s21] =	ssyncset.done $0x0  }
0x1d9: {  	s5 =	simm.s32 $0x300;
	[sflag:s21] =	ssyncadd.s32 $0xFFFFE000  }
0x1da: {  	[tilespmem:s10], [sflag:$0x3] =	stream.indirect.gather [hbm4b:s22+s6], $0x80, s5, s6, $0xb8;
	[tilespmem:$0x1E400] =	vst v63  }
0x1db: {  	_ =	swait.ge [sflag:s2], $0x2000  }
0x1dc: {  	[sflag:s2] =	ssyncset.done $0x0  }
0x1dd: {  	s29 =	simm.s32 $0x800;
	s30 =	simm.s32 $0x380;
	[sflag:s2] =	ssyncadd.s32 $0xFFFFE000  }
.LBB2_10:
0x1de: {  	[tilespmem:s12], [sflag:$0x4] =	stream.indirect.gather [hbm4b:s22+s6], $0x80, s30, s6, $0xb8;
	[tilespmem:$0x1E400] =	vst v63  }
0x1df: {  	s5 =	smov.u32 s29  }
0x1e0: {  	p0 =	sne.s32 s29, $0x4000;
	s29 =	sadd.s32 $0x800, s29;
	_ =	swait.ge [sflag:s13], $0x2000  }
0x1e1: {  	s30 =	sshra.s32 s5, $0x2;
	[sflag:s13] =	ssyncset.done $0x0  }
0x1e2: {  	s5 =	sadd.s32 $0x1400, s30;
	[sflag:s13] =	ssyncadd.s32 $0xFFFFE000  }
0x1e3: {  	[spmem:s20] =	stream.indirect.scatter.add.f32 [tilespmem:s3], [sflag:$0x5], $0x80, s5, s6, $0xb8;
	[tilespmem:$0x1E400] =	vst v63  }
0x1e4: {  	_ =	swait.ge [sflag:s14], $0x2000  }
0x1e5: {  	[sflag:s14] =	ssyncset.done $0x0  }
0x1e6: {  	s5 =	sadd.s32 $0x1480, s30;
	[sflag:s14] =	ssyncadd.s32 $0xFFFFE000  }
0x1e7: {  	[spmem:s20] =	stream.indirect.scatter.add.f32 [tilespmem:s8], [sflag:$0x6], $0x80, s5, s6, $0xb8;
	[tilespmem:$0x1E400] =	vst v63  }
0x1e8: {  	_ =	swait.ge [sflag:s15], $0x2000  }
0x1e9: {  	[sflag:s15] =	ssyncset.done $0x0  }
0x1ea: {  	s5 =	sadd.s32 $0x1500, s30;
	[sflag:s15] =	ssyncadd.s32 $0xFFFFE000  }
0x1eb: {  	[spmem:s20] =	stream.indirect.scatter.add.f32 [tilespmem:s10], [sflag:$0x7], $0x80, s5, s6, $0xb8;
	[tilespmem:$0x1E400] =	vst v63  }
0x1ec: {  	_ =	swait.ge [sflag:s16], $0x2000  }
0x1ed: {  	[sflag:s16] =	ssyncset.done $0x0  }
0x1ee: {  	s5 =	sadd.s32 $0x1580, s30;
	[sflag:s16] =	ssyncadd.s32 $0xFFFFE000  }
0x1ef: {  	[spmem:s20] =	stream.indirect.scatter.add.f32 [tilespmem:s12], [sflag:$0x8], $0x80, s5, s6, $0xb8;
	[tilespmem:$0x1E400] =	vst v63  }
0x1f0: {  	_ =	swait.ge [sflag:s17], $0x2000  }
0x1f1: {  	[sflag:s17] =	ssyncset.done $0x0  }
0x1f2: {  	s5 =	sadd.s32 $0x200, s30;
	[sflag:s17] =	ssyncadd.s32 $0xFFFFE000  }
0x1f3: {  	[tilespmem:s3], [sflag:$0x1] =	stream.indirect.gather [hbm4b:s22+s6], $0x80, s5, s6, $0xb8;
	[tilespmem:$0x1E400] =	vst v63  }
0x1f4: {  	_ =	swait.ge [sflag:s19], $0x2000  }
0x1f5: {  	[sflag:s19] =	ssyncset.done $0x0  }
0x1f6: {  	s5 =	sadd.s32 $0x280, s30;
	[sflag:s19] =	ssyncadd.s32 $0xFFFFE000  }
0x1f7: {  	[tilespmem:s8], [sflag:$0x2] =	stream.indirect.gather [hbm4b:s22+s6], $0x80, s5, s6, $0xb8;
	[tilespmem:$0x1E400] =	vst v63  }
0x1f8: {  	_ =	swait.ge [sflag:s21], $0x2000  }
0x1f9: {  	[sflag:s21] =	ssyncset.done $0x0  }
.Ltmp4:
0x1fa: {  	s5 =	sadd.s32 $0x300, s30;
	[sflag:s21] =	ssyncadd.s32 $0xFFFFE000;
	(pc) =	sbr.rel @p0 .LBB2_10-.Ltmp4, $4  }
0x1fb: {  	[tilespmem:s10], [sflag:$0x3] =	stream.indirect.gather [hbm4b:s22+s6], $0x80, s5, s6, $0xb8;
	[tilespmem:$0x1E400] =	vst v63  }
0x1fc: {  	_ =	swait.ge [sflag:s2], $0x2000  }
0x1fd: {  	[sflag:s2] =	ssyncset.done $0x0  }
0x1fe: {  	s30 =	sadd.s32 $0x380, s30;
	[sflag:s2] =	ssyncadd.s32 $0xFFFFE000  }
0x1ff: {  	[tilespmem:s12], [sflag:$0x4] =	stream.indirect.gather [hbm4b:s22+s6], $0x80, s30, s6, $0xb8;
	[tilespmem:$0x1E400] =	vst v63  }
0x200: {  	_ =	swait.ge [sflag:s13], $0x2000  }
0x201: {  	[sflag:s13] =	ssyncset.done $0x0  }
0x202: {  	[sflag:s13] =	ssyncadd.s32 $0xFFFFE000  }
0x203: {  	[spmem:s20] =	stream.indirect.scatter.add.f32 [tilespmem:s3], [sflag:$0x5], $0x80, s23, s6, $0xb8;
	[tilespmem:$0x1E400] =	vst v63  }
0x204: {  	_ =	swait.ge [sflag:s14], $0x2000  }
0x205: {  	[sflag:s14] =	ssyncset.done $0x0  }
0x206: {  	[sflag:s14] =	ssyncadd.s32 $0xFFFFE000  }
0x207: {  	[spmem:s20] =	stream.indirect.scatter.add.f32 [tilespmem:s8], [sflag:$0x6], $0x80, s24, s6, $0xb8;
	[tilespmem:$0x1E400] =	vst v63  }
0x208: {  	_ =	swait.ge [sflag:s15], $0x2000  }
0x209: {  	[sflag:s15] =	ssyncset.done $0x0  }
0x20a: {  	[sflag:s15] =	ssyncadd.s32 $0xFFFFE000  }
0x20b: {  	[spmem:s20] =	stream.indirect.scatter.add.f32 [tilespmem:s10], [sflag:$0x7], $0x80, s25, s6, $0xb8;
	[tilespmem:$0x1E400] =	vst v63  }
0x20c: {  	_ =	swait.ge [sflag:s16], $0x2000  }
0x20d: {  	[sflag:s16] =	ssyncset.done $0x0  }
0x20e: {  	[sflag:s16] =	ssyncadd.s32 $0xFFFFE000  }
0x20f: {  	[spmem:s20] =	stream.indirect.scatter.add.f32 [tilespmem:s12], [sflag:$0x8], $0x80, s26, s6, $0xb8;
	[tilespmem:$0x1E400] =	vst v63  }
0x210: {  	_ =	swait.ge [sflag:s17], $0x2000  }
0x211: {  	[sflag:s17] =	ssyncset.done $0x0  }
0x212: {  	[sflag:s17] =	ssyncadd.s32 $0xFFFFE000  }
0x213: {  	_ =	swait.ge [sflag:s19], $0x2000  }
0x214: {  	[sflag:s19] =	ssyncset.done $0x0  }
0x215: {  	[sflag:s19] =	ssyncadd.s32 $0xFFFFE000  }
0x216: {  	_ =	swait.ge [sflag:s21], $0x2000  }
0x217: {  	[sflag:s21] =	ssyncset.done $0x0  }
0x218: {  	[sflag:s21] =	ssyncadd.s32 $0xFFFFE000  }
0x219: {  	_ =	swait.ge [sflag:s2], $0x2000  }
0x21a: {  	[sflag:s2] =	ssyncset.done $0x0  }
0x21b: {  	[sflag:s2] =	ssyncadd.s32 $0xFFFFE000  }
0x21c: {  	[bflag:$0x0] =	sbarrier.arrive $0xFFFF  }
0x21d: {  	s5 =	rddreg [dreg:$0x16]  }
0x21e: {  	[tilespmem:s3], [sflag:$0x9] =	stream.linear.gather [spmem:s5], $0x2000, $0x38;
	[tilespmem:$0x1E400] =	vst v63  }
0x21f: {  	_ =	swait.ge [sflag:s4], $0x2000  }
0x220: {  	[sflag:s4] =	ssyncset.done $0x0  }
0x221: {  	s30 =	rddreg [dreg:$0xc];
	[sflag:s4] =	ssyncadd.s32 $0xFFFFE000  }
0x222: {  	[hbm4b:s30+s1] =	stream.linear.scatter [tilespmem:s3], [sflag:$0x9], $0x2000, $0x38;
	[tilespmem:$0x1E400] =	vst v63  }
0x223: {  	_ =	swait.ge [sflag:s4], $0x2000  }
0x224: {  	[sflag:s4] =	ssyncset.done $0x0  }
0x225: {  	s29 =	rddreg [dreg:$0x17];
	[sflag:s4] =	ssyncadd.s32 $0xFFFFE000  }
0x226: {  	[tilespmem:s3], [sflag:$0x9] =	stream.linear.gather [spmem:s29], $0x2000, $0x38;
	[tilespmem:$0x1E400] =	vst v63  }
0x227: {  	_ =	swait.ge [sflag:s4], $0x2000  }
0x228: {  	[sflag:s4] =	ssyncset.done $0x0  }
0x229: {  	s30 =	rddreg [dreg:$0xd];
	[sflag:s4] =	ssyncadd.s32 $0xFFFFE000  }
0x22a: {  	[hbm4b:s30+s1] =	stream.linear.scatter [tilespmem:s3], [sflag:$0x9], $0x2000, $0x38;
	[tilespmem:$0x1E400] =	vst v63  }
0x22b: {  	_ =	swait.ge [sflag:s4], $0x2000  }
0x22c: {  	[sflag:s4] =	ssyncset.done $0x0  }
0x22d: {  	s29 =	rddreg [dreg:$0x18];
	[sflag:s4] =	ssyncadd.s32 $0xFFFFE000  }
0x22e: {  	[tilespmem:s3], [sflag:$0x9] =	stream.linear.gather [spmem:s29], $0x2000, $0x38;
	[tilespmem:$0x1E400] =	vst v63  }
0x22f: {  	_ =	swait.ge [sflag:s4], $0x2000  }
0x230: {  	[sflag:s4] =	ssyncset.done $0x0  }
0x231: {  	s30 =	rddreg [dreg:$0xe];
	[sflag:s4] =	ssyncadd.s32 $0xFFFFE000  }
0x232: {  	[hbm4b:s30+s1] =	stream.linear.scatter [tilespmem:s3], [sflag:$0x9], $0x2000, $0x38;
	[tilespmem:$0x1E400] =	vst v63  }
0x233: {  	_ =	swait.ge [sflag:s4], $0x2000  }
0x234: {  	[sflag:s4] =	ssyncset.done $0x0  }
0x235: {  	s29 =	rddreg [dreg:$0x19];
	[sflag:s4] =	ssyncadd.s32 $0xFFFFE000  }
0x236: {  	[tilespmem:s3], [sflag:$0x9] =	stream.linear.gather [spmem:s29], $0x2000, $0x38;
	[tilespmem:$0x1E400] =	vst v63  }
0x237: {  	_ =	swait.ge [sflag:s4], $0x2000  }
0x238: {  	[sflag:s4] =	ssyncset.done $0x0  }
0x239: {  	s30 =	rddreg [dreg:$0xf];
	[sflag:s4] =	ssyncadd.s32 $0xFFFFE000  }
0x23a: {  	[hbm4b:s30+s1] =	stream.linear.scatter [tilespmem:s3], [sflag:$0x9], $0x2000, $0x38;
	[tilespmem:$0x1E400] =	vst v63  }
0x23b: {  	_ =	swait.ge [sflag:s4], $0x2000  }
0x23c: {  	[sflag:s4] =	ssyncset.done $0x0  }
0x23d: {  	s29 =	rddreg [dreg:$0x1a];
	[sflag:s4] =	ssyncadd.s32 $0xFFFFE000  }
0x23e: {  	[tilespmem:s3], [sflag:$0x9] =	stream.linear.gather [spmem:s29], $0x2000, $0x38;
	[tilespmem:$0x1E400] =	vst v63  }
0x23f: {  	_ =	swait.ge [sflag:s4], $0x2000  }
0x240: {  	[sflag:s4] =	ssyncset.done $0x0  }
0x241: {  	s30 =	rddreg [dreg:$0x10];
	[sflag:s4] =	ssyncadd.s32 $0xFFFFE000  }
0x242: {  	[hbm4b:s30+s1] =	stream.linear.scatter [tilespmem:s3], [sflag:$0x9], $0x2000, $0x38;
	[tilespmem:$0x1E400] =	vst v63  }
0x243: {  	_ =	swait.ge [sflag:s4], $0x2000  }
0x244: {  	[sflag:s4] =	ssyncset.done $0x0  }
0x245: {  	s29 =	rddreg [dreg:$0x1b];
	[sflag:s4] =	ssyncadd.s32 $0xFFFFE000  }
0x246: {  	[tilespmem:s3], [sflag:$0x9] =	stream.linear.gather [spmem:s29], $0x2000, $0x38;
	[tilespmem:$0x1E400] =	vst v63  }
0x247: {  	_ =	swait.ge [sflag:s4], $0x2000  }
0x248: {  	[sflag:s4] =	ssyncset.done $0x0  }
0x249: {  	s30 =	rddreg [dreg:$0x11];
	[sflag:s4] =	ssyncadd.s32 $0xFFFFE000  }
0x24a: {  	[hbm4b:s30+s1] =	stream.linear.scatter [tilespmem:s3], [sflag:$0x9], $0x2000, $0x38;
	[tilespmem:$0x1E400] =	vst v63  }
0x24b: {  	_ =	swait.ge [sflag:s4], $0x2000  }
0x24c: {  	[sflag:s4] =	ssyncset.done $0x0  }
0x24d: {  	s29 =	rddreg [dreg:$0x1c];
	[sflag:s4] =	ssyncadd.s32 $0xFFFFE000  }
0x24e: {  	[tilespmem:s3], [sflag:$0x9] =	stream.linear.gather [spmem:s29], $0x2000, $0x38;
	[tilespmem:$0x1E400] =	vst v63  }
0x24f: {  	_ =	swait.ge [sflag:s4], $0x2000  }
0x250: {  	[sflag:s4] =	ssyncset.done $0x0  }
0x251: {  	s30 =	rddreg [dreg:$0x12];
	[sflag:s4] =	ssyncadd.s32 $0xFFFFE000  }
0x252: {  	[hbm4b:s30+s1] =	stream.linear.scatter [tilespmem:s3], [sflag:$0x9], $0x2000, $0x38;
	[tilespmem:$0x1E400] =	vst v63  }
0x253: {  	_ =	swait.ge [sflag:s4], $0x2000  }
0x254: {  	[sflag:s4] =	ssyncset.done $0x0  }
0x255: {  	[sflag:s4] =	ssyncadd.s32 $0xFFFFE000  }
0x256: {  	[tilespmem:s3], [sflag:$0x9] =	stream.linear.gather [spmem:s31], $0x2000, $0x38;
	[tilespmem:$0x1E400] =	vst v63  }
0x257: {  	_ =	swait.ge [sflag:s4], $0x2000  }
0x258: {  	[sflag:s4] =	ssyncset.done $0x0  }
0x259: {  	s29 =	rddreg [dreg:$0x13];
	[sflag:s4] =	ssyncadd.s32 $0xFFFFE000  }
0x25a: {  	[hbm4b:s29+s1] =	stream.linear.scatter [tilespmem:s3], [sflag:$0x9], $0x2000, $0x38;
	[tilespmem:$0x1E400] =	vst v63  }
0x25b: {  	_ =	swait.ge [sflag:s4], $0x2000  }
0x25c: {  	[sflag:s4] =	ssyncset.done $0x0  }
0x25d: {  	[sflag:s4] =	ssyncadd.s32 $0xFFFFE000  }
0x25e: {  	[tilespmem:s3], [sflag:$0x9] =	stream.linear.gather [spmem:s18], $0x2000, $0x38;
	[tilespmem:$0x1E400] =	vst v63  }
0x25f: {  	_ =	swait.ge [sflag:s4], $0x2000  }
0x260: {  	[sflag:s4] =	ssyncset.done $0x0  }
0x261: {  	s30 =	rddreg [dreg:$0x14];
	[sflag:s4] =	ssyncadd.s32 $0xFFFFE000  }
0x262: {  	[hbm4b:s30+s1] =	stream.linear.scatter [tilespmem:s3], [sflag:$0x9], $0x2000, $0x38;
	[tilespmem:$0x1E400] =	vst v63  }
0x263: {  	_ =	swait.ge [sflag:s4], $0x2000  }
0x264: {  	[sflag:s4] =	ssyncset.done $0x0  }
0x265: {  	[sflag:s4] =	ssyncadd.s32 $0xFFFFE000  }
0x266: {  	[tilespmem:s3], [sflag:$0x9] =	stream.linear.gather [spmem:s0], $0x1C00, $0x38;
	[tilespmem:$0x1E400] =	vst v63  }
0x267: {  	_ =	swait.ge [sflag:s4], $0x1C00  }
0x268: {  	[sflag:s4] =	ssyncset.done $0x0  }
0x269: {  	s29 =	rddreg [dreg:$0x15];
	[sflag:s4] =	ssyncadd.s32 $0xFFFFE400  }
0x26a: {  	[hbm4b:s29+s1] =	stream.linear.scatter [tilespmem:s3], [sflag:$0x9], $0x1C00, $0x38;
	[tilespmem:$0x1E400] =	vst v63  }
0x26b: {  	_ =	swait.ge [sflag:s4], $0x1C00  }
0x26c: {  	s28 =	sadd.s32 $0x1, s28;
	s30 =	rddreg [dreg:$0x1d]  }
0x26d: {  	p0 =	sne.s32 s28, s30  }
.Ltmp5:
0x26e: {  	_ = 	snop;
	(pc) =	sbr.rel @p0 .LBB2_1-.Ltmp5, $3  }
0x26f: {  	_ =	sdelay $0x1  }
0x270: {  	[sflag:s4] =	ssyncset.done $0x0  }
0x271: {  	[sflag:s4] =	ssyncadd.s32 $0xFFFFE400  }
0x272: {  	_ =	sfence.sel $0x180000  }
0x273: {  	[bflag:$0x0] =	sbarrier.arrive $0xFFFF  }
0x274: {  	_ =	strace $0x90000047  }
0x275: {  	s0 =	stileid.u32;
	[bflag:$0x2] =	sbarrier.arrive $0xFFFF  }
0x276: {  	p0 =	sne.s32 s0, $0x0;
	s0 =	rddreg [dreg:$0x3]  }
0x277: {  	s0 =	sadd.s32 @!p0 $0x100000, s0  }
0x278: {  	[sflag:s0] =	ssyncadd.tile.s32 @!p0 $0x1;
	_ =	shalt  }
.Lfunc_end2:
_tile_overlayer_lowered:
.L_overlay_start_2:
0x279: {  	(tag) =	ssettag $0x2  }
0x27a: {  	s0 =	rddreg [dreg:$0x0];
	s2 =	stileid.u32  }
0x27b: {  	s1 =	rddreg [dreg:$0x1];
	p0 =	sne.s32 s2, $0x0  }
0x27c: {  	s3 =	rddreg [dreg:$0x2];
	[bflag:$0x3] =	sbarrier.arrive $0xFFFF;
	s2 =	simm.s32 @!p0 $0x1C09  }
0x27d: {  	[timem:s3], [sflag:s2] =	dma.local @!p0 [hbm:s0], s1  }
0x27e: {  	s0 =	simm.s32 @!p0 $0x9  }
0x27f: {  	_ =	swait.ge @!p0 [sflag:s0], s1  }
0x280: {  	s1 =	ssub.s32 @!p0 $0x0, s1;
	[sflag:s0] =	ssyncset.done @!p0 $0x0  }
0x281: {  	[sflag:s0] =	ssyncadd.s32 @!p0 s1  }
0x282: {  	[bflag:$0x3] =	sbarrier.arrive $0xFFFF  }
0x283: {  	_ =	shalt  }

</sc_bundles>
